<compile_context>
chip_gen: v7x
topology: tpu7x:2x2x1
jax: 0.10.2.dev20260603
libtpu: 0.0.44.dev20260713+nightly
codegen_flags: <defaults>
</compile_context>

<pallas_src>
import functools

import jax
import jax.numpy as jnp
from jax import lax
from jax.experimental import pallas as pl
from jax.experimental.pallas import tpu as pltpu
from jax.experimental.pallas import tpu_sc as plsc

_LANES = 16
_NC = 2
_NS = 16
_NW = _NC * _NS


@functools.lru_cache(maxsize=None)
def _build_sc_kernel(B, D, T):
    bpw = B // _NW
    CH = 128
    NBUF = 2
    NCHUNK = bpw // CH
    assert bpw * _NW == B and NCHUNK * CH == bpw and D % _LANES == 0

    scratch = [
        pltpu.VMEM((bpw,), jnp.int32),
        pltpu.VMEM((T,), jnp.float32),
        pltpu.VMEM((T,), jnp.float32),
        pltpu.VMEM((bpw,), jnp.float32),
        pltpu.VMEM((bpw,), jnp.float32),
    ]
    scratch += [pltpu.VMEM((CH, D), jnp.float32) for _ in range(3 * NBUF)]
    scratch += [pltpu.SemaphoreType.DMA] * (3 * NBUF)

    mesh = plsc.VectorSubcoreMesh(core_axis_name="c", subcore_axis_name="s")

    @functools.partial(
        pl.kernel,
        out_type=jax.ShapeDtypeStruct((B, D), jnp.float32),
        mesh=mesh,
        scratch_types=scratch,
        compiler_params=pltpu.CompilerParams(needs_layout_passes=False),
    )
    def k(x_hbm, t_hbm, n_hbm, a1_hbm, a2_hbm, out_hbm, *rest):
        t_v, tab1_v, tab2_v, c1_v, c2_v = rest[:5]
        xbufs = rest[5:5 + NBUF]
        nbufs = rest[5 + NBUF:5 + 2 * NBUF]
        obufs = rest[5 + 2 * NBUF:5 + 3 * NBUF]
        sems = rest[5 + 3 * NBUF:]
        sx, sn, so = sems[:NBUF], sems[NBUF:2 * NBUF], sems[2 * NBUF:]

        wid = lax.axis_index("s") * _NC + lax.axis_index("c")
        base = wid * bpw

        def start_in(g):
            b = g % NBUF
            r0 = base + g * CH
            pltpu.async_copy(x_hbm.at[pl.ds(r0, CH), :], xbufs[b], sx[b])
            pltpu.async_copy(n_hbm.at[pl.ds(r0, CH), :], nbufs[b], sn[b])

        def wait_in(g):
            b = g % NBUF
            r0 = base + g * CH
            pltpu.make_async_copy(x_hbm.at[pl.ds(r0, CH), :], xbufs[b], sx[b]).wait()
            pltpu.make_async_copy(n_hbm.at[pl.ds(r0, CH), :], nbufs[b], sn[b]).wait()

        def start_out(g):
            b = g % NBUF
            r0 = base + g * CH
            pltpu.async_copy(obufs[b], out_hbm.at[pl.ds(r0, CH), :], so[b])

        def wait_out(g):
            b = g % NBUF
            r0 = base + g * CH
            pltpu.make_async_copy(obufs[b], out_hbm.at[pl.ds(r0, CH), :], so[b]).wait()

        for g in range(min(NBUF, NCHUNK)):
            start_in(g)

        pltpu.sync_copy(t_hbm.at[pl.ds(base, bpw)], t_v)
        pltpu.sync_copy(a1_hbm, tab1_v)
        pltpu.sync_copy(a2_hbm, tab2_v)
        for i in range(bpw // _LANES):
            sl = pl.ds(i * _LANES, _LANES)
            idx = t_v[sl]
            c1_v[sl] = plsc.load_gather(tab1_v, [idx])
            c2_v[sl] = plsc.load_gather(tab2_v, [idx])

        for g in range(NCHUNK):
            b = g % NBUF
            wait_in(g)
            if g >= NBUF:
                wait_out(g - NBUF)

            w0 = g * CH

            @plsc.parallel_loop(0, CH, unroll=4)
            def row(r):
                idx = jnp.full((_LANES,), w0 + r, dtype=jnp.int32)
                c1 = plsc.load_gather(c1_v, [idx])
                c2 = plsc.load_gather(c2_v, [idx])
                for j in range(D // _LANES):
                    slj = pl.ds(j * _LANES, _LANES)
                    xv = xbufs[b][r, slj]
                    nv = nbufs[b][r, slj]
                    obufs[b][r, slj] = c1 * xv + c2 * nv

            start_out(g)
            if g + NBUF < NCHUNK:
                start_in(g + NBUF)

        for g in range(max(0, NCHUNK - NBUF), NCHUNK):
            wait_out(g)

    return k


def kernel(x_start, t, noise, sqrt_alphas_cumprod, sqrt_one_minus_alphas_cumprod):
    B, D = x_start.shape
    T = sqrt_alphas_cumprod.shape[0]
    k = _build_sc_kernel(B, D, T)
    return k(x_start, t, noise, sqrt_alphas_cumprod, sqrt_one_minus_alphas_cumprod)

# --- scband reference (transcript-rebuilt; emitter-appended) ---
"""Pipeline reference for scband-gaussian-diffusion-31525059952928 (READ-ONLY COPY).

The authoritative reference and input builder live on the scoring server;
editing this copy changes nothing except your own understanding.
"""

import jax, jax.numpy as jnp
import numpy as np
import math


def _cosine_beta_schedule(timesteps, s=0.008):
    steps = timesteps + 1
    t = np.linspace(0, timesteps, steps, dtype=np.float64) / timesteps
    alphas_cumprod = np.cos((t + s) / (1 + s) * math.pi * 0.5) ** 2
    alphas_cumprod = alphas_cumprod / alphas_cumprod[0]
    betas = 1 - alphas_cumprod[1:] / alphas_cumprod[:-1]
    return np.clip(betas, 0, 0.999)


def setup_inputs(seed: int = 0) -> dict:
    key = jax.random.key(seed)
    k1, k2, k3 = jax.random.split(key, 3)
    B, D, T = 16384, 128, 1000
    betas = _cosine_beta_schedule(T)
    alphas = 1.0 - betas
    alphas_cumprod = np.cumprod(alphas)
    sqrt_alphas_cumprod = jnp.asarray(np.sqrt(alphas_cumprod), dtype=jnp.float32)
    sqrt_one_minus_alphas_cumprod = jnp.asarray(np.sqrt(1.0 - alphas_cumprod), dtype=jnp.float32)
    x_start = jax.random.normal(k1, (B, D), dtype=jnp.float32)
    noise = jax.random.normal(k2, (B, D), dtype=jnp.float32)
    t = jax.random.randint(k3, (B,), 0, T, dtype=jnp.int32)
    return {
        "x_start": x_start,
        "t": t,
        "noise": noise,
        "sqrt_alphas_cumprod": sqrt_alphas_cumprod,
        "sqrt_one_minus_alphas_cumprod": sqrt_one_minus_alphas_cumprod,
    }


def reference(x_start, t, noise, sqrt_alphas_cumprod, sqrt_one_minus_alphas_cumprod):
    # extract(a, t, x_shape): gather a at t, reshape to (b, 1, ..., 1)
    b = t.shape[0]
    coef1 = jnp.take(sqrt_alphas_cumprod, t, axis=0).reshape(b, *(1,) * (x_start.ndim - 1))
    coef2 = jnp.take(sqrt_one_minus_alphas_cumprod, t, axis=0).reshape(b, *(1,) * (x_start.ndim - 1))
    return coef1 * x_start + coef2 * noise

if __name__ == "__main__":
    import jax
    _d = setup_inputs()
    print(jax.jit(kernel)(*tuple(_d.values())))

</pallas_src>

<mosaic_0001>
#map = affine_map<(d0, d1) -> (0, 0)>
#map1 = affine_map<(d0, d1) -> (0)>
module attributes {stable_mosaic.version = 14 : i64} {
  func.func @k(%arg0: i32, %arg1: i32, %arg2: memref<16384x128xf32, #tpu.memory_space<hbm>>, %arg3: memref<16384xi32, #tpu.memory_space<hbm>>, %arg4: memref<16384x128xf32, #tpu.memory_space<hbm>>, %arg5: memref<1000xf32, #tpu.memory_space<hbm>>, %arg6: memref<1000xf32, #tpu.memory_space<hbm>>, %arg7: memref<16384x128xf32, #tpu.memory_space<hbm>>, %arg8: memref<512xi32, #tpu.memory_space<vmem>>, %arg9: memref<1000xf32, #tpu.memory_space<vmem>>, %arg10: memref<1000xf32, #tpu.memory_space<vmem>>, %arg11: memref<512xf32, #tpu.memory_space<vmem>>, %arg12: memref<512xf32, #tpu.memory_space<vmem>>, %arg13: memref<128x128xf32, #tpu.memory_space<vmem>>, %arg14: memref<128x128xf32, #tpu.memory_space<vmem>>, %arg15: memref<128x128xf32, #tpu.memory_space<vmem>>, %arg16: memref<128x128xf32, #tpu.memory_space<vmem>>, %arg17: memref<128x128xf32, #tpu.memory_space<vmem>>, %arg18: memref<128x128xf32, #tpu.memory_space<vmem>>, %arg19: memref<!tpu.dma_semaphore, #tpu.memory_space<semaphore_mem>>, %arg20: memref<!tpu.dma_semaphore, #tpu.memory_space<semaphore_mem>>, %arg21: memref<!tpu.dma_semaphore, #tpu.memory_space<semaphore_mem>>, %arg22: memref<!tpu.dma_semaphore, #tpu.memory_space<semaphore_mem>>, %arg23: memref<!tpu.dma_semaphore, #tpu.memory_space<semaphore_mem>>, %arg24: memref<!tpu.dma_semaphore, #tpu.memory_space<semaphore_mem>>) attributes {dimension_semantics = [#tpu.dimension_semantics<core_parallel>, #tpu.dimension_semantics<subcore_parallel>], iteration_bounds = array<i64: 2, 16>, scalar_prefetch = 0 : i64, scratch_operands = 17 : i64, tpu.core_type = #tpu.core_type<sc_vector_subcore>, window_params = [{transform_indices = #map}, {transform_indices = #map1}, {transform_indices = #map}, {transform_indices = #map1}, {transform_indices = #map1}, {transform_indices = #map}]} {
    %mul3A = arith.constant 2 : i32
    %mul3A_0 = arith.muli %arg1, %mul3A : i32
    %add3A = arith.addi %mul3A_0, %arg0 : i32
    %mul3A_1 = arith.constant 512 : i32
    %mul3A_2 = arith.muli %add3A, %mul3A_1 : i32
    %add3A_3 = arith.constant 0 : i32
    %add3A_4 = arith.addi %mul3A_2, %add3A_3 : i32
    %dma_start3A = arith.constant 0 : i32
    %dma_start3A_5 = tpu.memref_slice %arg2[%add3A_4, %dma_start3A] : memref<16384x128xf32, #tpu.memory_space<hbm>> -> memref<128x128xf32, #tpu.memory_space<hbm>>
    %dma_start3A_6 = arith.constant 0 : i32
    %dma_start3A_7 = tpu.memref_slice %arg2[%add3A_4, %dma_start3A_6] : memref<16384x128xf32, #tpu.memory_space<hbm>> -> memref<128x128xf32, #tpu.memory_space<hbm>>
    tpu.enqueue_dma source(%dma_start3A_7 : memref<128x128xf32, #tpu.memory_space<hbm>>) target(%arg13 : memref<128x128xf32, #tpu.memory_space<vmem>>) target_semaphore(%arg19 : memref<!tpu.dma_semaphore, #tpu.memory_space<semaphore_mem>>)
    %dma_start3A_8 = arith.constant 0 : i32
    %dma_start3A_9 = tpu.memref_slice %arg4[%add3A_4, %dma_start3A_8] : memref<16384x128xf32, #tpu.memory_space<hbm>> -> memref<128x128xf32, #tpu.memory_space<hbm>>
    %dma_start3A_10 = arith.constant 0 : i32
    %dma_start3A_11 = tpu.memref_slice %arg4[%add3A_4, %dma_start3A_10] : memref<16384x128xf32, #tpu.memory_space<hbm>> -> memref<128x128xf32, #tpu.memory_space<hbm>>
    tpu.enqueue_dma source(%dma_start3A_11 : memref<128x128xf32, #tpu.memory_space<hbm>>) target(%arg15 : memref<128x128xf32, #tpu.memory_space<vmem>>) target_semaphore(%arg21 : memref<!tpu.dma_semaphore, #tpu.memory_space<semaphore_mem>>)
    %add3A_12 = arith.constant 128 : i32
    %add3A_13 = arith.addi %mul3A_2, %add3A_12 : i32
    %dma_start3A_14 = arith.constant 0 : i32
    %dma_start3A_15 = tpu.memref_slice %arg2[%add3A_13, %dma_start3A_14] : memref<16384x128xf32, #tpu.memory_space<hbm>> -> memref<128x128xf32, #tpu.memory_space<hbm>>
    %dma_start3A_16 = arith.constant 0 : i32
    %dma_start3A_17 = tpu.memref_slice %arg2[%add3A_13, %dma_start3A_16] : memref<16384x128xf32, #tpu.memory_space<hbm>> -> memref<128x128xf32, #tpu.memory_space<hbm>>
    tpu.enqueue_dma source(%dma_start3A_17 : memref<128x128xf32, #tpu.memory_space<hbm>>) target(%arg14 : memref<128x128xf32, #tpu.memory_space<vmem>>) target_semaphore(%arg20 : memref<!tpu.dma_semaphore, #tpu.memory_space<semaphore_mem>>)
    %dma_start3A_18 = arith.constant 0 : i32
    %dma_start3A_19 = tpu.memref_slice %arg4[%add3A_13, %dma_start3A_18] : memref<16384x128xf32, #tpu.memory_space<hbm>> -> memref<128x128xf32, #tpu.memory_space<hbm>>
    %dma_start3A_20 = arith.constant 0 : i32
    %dma_start3A_21 = tpu.memref_slice %arg4[%add3A_13, %dma_start3A_20] : memref<16384x128xf32, #tpu.memory_space<hbm>> -> memref<128x128xf32, #tpu.memory_space<hbm>>
    tpu.enqueue_dma source(%dma_start3A_21 : memref<128x128xf32, #tpu.memory_space<hbm>>) target(%arg16 : memref<128x128xf32, #tpu.memory_space<vmem>>) target_semaphore(%arg22 : memref<!tpu.dma_semaphore, #tpu.memory_space<semaphore_mem>>)
    "tpu.region"() ({
      %run_scoped3A = tpu.sem_alloc : memref<!tpu.dma_semaphore, #tpu.memory_space<semaphore_mem>>
      %dma_start3A_393 = tpu.memref_slice %arg3[%mul3A_2] : memref<16384xi32, #tpu.memory_space<hbm>> -> memref<512xi32, #tpu.memory_space<hbm>>
      %dma_start3A_394 = tpu.memref_slice %arg3[%mul3A_2] : memref<16384xi32, #tpu.memory_space<hbm>> -> memref<512xi32, #tpu.memory_space<hbm>>
      tpu.enqueue_dma source(%dma_start3A_394 : memref<512xi32, #tpu.memory_space<hbm>>) target(%arg8 : memref<512xi32, #tpu.memory_space<vmem>>) target_semaphore(%run_scoped3A : memref<!tpu.dma_semaphore, #tpu.memory_space<semaphore_mem>>)
      %dma_wait3A_395 = tpu.memref_slice %arg3[%mul3A_2] : memref<16384xi32, #tpu.memory_space<hbm>> -> memref<512xi32, #tpu.memory_space<hbm>>
      %dma_wait3A_396 = tpu.memref_slice %arg3[%mul3A_2] : memref<16384xi32, #tpu.memory_space<hbm>> -> memref<512xi32, #tpu.memory_space<hbm>>
      tpu.wait_dma2 semaphore(%run_scoped3A : memref<!tpu.dma_semaphore, #tpu.memory_space<semaphore_mem>>) src(%dma_wait3A_396 : memref<512xi32, #tpu.memory_space<hbm>>) dst(%arg8 : memref<512xi32, #tpu.memory_space<vmem>>)
      tpu.yield
    }) : () -> ()
    "tpu.region"() ({
      %run_scoped3A = tpu.sem_alloc : memref<!tpu.dma_semaphore, #tpu.memory_space<semaphore_mem>>
      tpu.enqueue_dma source(%arg5 : memref<1000xf32, #tpu.memory_space<hbm>>) target(%arg9 : memref<1000xf32, #tpu.memory_space<vmem>>) target_semaphore(%run_scoped3A : memref<!tpu.dma_semaphore, #tpu.memory_space<semaphore_mem>>)
      tpu.wait_dma2 semaphore(%run_scoped3A : memref<!tpu.dma_semaphore, #tpu.memory_space<semaphore_mem>>) src(%arg5 : memref<1000xf32, #tpu.memory_space<hbm>>) dst(%arg9 : memref<1000xf32, #tpu.memory_space<vmem>>)
      tpu.yield
    }) : () -> ()
    "tpu.region"() ({
      %run_scoped3A = tpu.sem_alloc : memref<!tpu.dma_semaphore, #tpu.memory_space<semaphore_mem>>
      tpu.enqueue_dma source(%arg6 : memref<1000xf32, #tpu.memory_space<hbm>>) target(%arg10 : memref<1000xf32, #tpu.memory_space<vmem>>) target_semaphore(%run_scoped3A : memref<!tpu.dma_semaphore, #tpu.memory_space<semaphore_mem>>)
      tpu.wait_dma2 semaphore(%run_scoped3A : memref<!tpu.dma_semaphore, #tpu.memory_space<semaphore_mem>>) src(%arg6 : memref<1000xf32, #tpu.memory_space<hbm>>) dst(%arg10 : memref<1000xf32, #tpu.memory_space<vmem>>)
      tpu.yield
    }) : () -> ()
    %get3A = arith.constant 0 : index
    %get3A_22 = tpu.vector_load %arg8[%get3A] {strides = array<i32>} : memref<512xi32, #tpu.memory_space<vmem>>, vector<16xi32>,
    %gather3A = tpu.vector_load_idx %arg9[%get3A_22] : memref<1000xf32, #tpu.memory_space<vmem>>[vector<16xi32>], vector<16xf32>,
    %swap3A = arith.constant 0 : index
    %swap3A_23 = tpu.vector_load %arg11[%swap3A] {strides = array<i32>} : memref<512xf32, #tpu.memory_space<vmem>>, vector<16xf32>,
    tpu.vector_store %arg11[%swap3A], %gather3A {strides = array<i32>} : memref<512xf32, #tpu.memory_space<vmem>>, vector<16xf32>,
    %gather3A_24 = tpu.vector_load_idx %arg10[%get3A_22] : memref<1000xf32, #tpu.memory_space<vmem>>[vector<16xi32>], vector<16xf32>,
    %swap3A_25 = arith.constant 0 : index
    %swap3A_26 = tpu.vector_load %arg12[%swap3A_25] {strides = array<i32>} : memref<512xf32, #tpu.memory_space<vmem>>, vector<16xf32>,
    tpu.vector_store %arg12[%swap3A_25], %gather3A_24 {strides = array<i32>} : memref<512xf32, #tpu.memory_space<vmem>>, vector<16xf32>,
    %get3A_27 = arith.constant 16 : index
    %get3A_28 = tpu.vector_load %arg8[%get3A_27] {strides = array<i32>} : memref<512xi32, #tpu.memory_space<vmem>>, vector<16xi32>,
    %gather3A_29 = tpu.vector_load_idx %arg9[%get3A_28] : memref<1000xf32, #tpu.memory_space<vmem>>[vector<16xi32>], vector<16xf32>,
    %swap3A_30 = arith.constant 16 : index
    %swap3A_31 = tpu.vector_load %arg11[%swap3A_30] {strides = array<i32>} : memref<512xf32, #tpu.memory_space<vmem>>, vector<16xf32>,
    tpu.vector_store %arg11[%swap3A_30], %gather3A_29 {strides = array<i32>} : memref<512xf32, #tpu.memory_space<vmem>>, vector<16xf32>,
    %gather3A_32 = tpu.vector_load_idx %arg10[%get3A_28] : memref<1000xf32, #tpu.memory_space<vmem>>[vector<16xi32>], vector<16xf32>,
    %swap3A_33 = arith.constant 16 : index
    %swap3A_34 = tpu.vector_load %arg12[%swap3A_33] {strides = array<i32>} : memref<512xf32, #tpu.memory_space<vmem>>, vector<16xf32>,
    tpu.vector_store %arg12[%swap3A_33], %gather3A_32 {strides = array<i32>} : memref<512xf32, #tpu.memory_space<vmem>>, vector<16xf32>,
    %get3A_35 = arith.constant 32 : index
    %get3A_36 = tpu.vector_load %arg8[%get3A_35] {strides = array<i32>} : memref<512xi32, #tpu.memory_space<vmem>>, vector<16xi32>,
    %gather3A_37 = tpu.vector_load_idx %arg9[%get3A_36] : memref<1000xf32, #tpu.memory_space<vmem>>[vector<16xi32>], vector<16xf32>,
    %swap3A_38 = arith.constant 32 : index
    %swap3A_39 = tpu.vector_load %arg11[%swap3A_38] {strides = array<i32>} : memref<512xf32, #tpu.memory_space<vmem>>, vector<16xf32>,
    tpu.vector_store %arg11[%swap3A_38], %gather3A_37 {strides = array<i32>} : memref<512xf32, #tpu.memory_space<vmem>>, vector<16xf32>,
    %gather3A_40 = tpu.vector_load_idx %arg10[%get3A_36] : memref<1000xf32, #tpu.memory_space<vmem>>[vector<16xi32>], vector<16xf32>,
    %swap3A_41 = arith.constant 32 : index
    %swap3A_42 = tpu.vector_load %arg12[%swap3A_41] {strides = array<i32>} : memref<512xf32, #tpu.memory_space<vmem>>, vector<16xf32>,
    tpu.vector_store %arg12[%swap3A_41], %gather3A_40 {strides = array<i32>} : memref<512xf32, #tpu.memory_space<vmem>>, vector<16xf32>,
    %get3A_43 = arith.constant 48 : index
    %get3A_44 = tpu.vector_load %arg8[%get3A_43] {strides = array<i32>} : memref<512xi32, #tpu.memory_space<vmem>>, vector<16xi32>,
    %gather3A_45 = tpu.vector_load_idx %arg9[%get3A_44] : memref<1000xf32, #tpu.memory_space<vmem>>[vector<16xi32>], vector<16xf32>,
    %swap3A_46 = arith.constant 48 : index
    %swap3A_47 = tpu.vector_load %arg11[%swap3A_46] {strides = array<i32>} : memref<512xf32, #tpu.memory_space<vmem>>, vector<16xf32>,
    tpu.vector_store %arg11[%swap3A_46], %gather3A_45 {strides = array<i32>} : memref<512xf32, #tpu.memory_space<vmem>>, vector<16xf32>,
    %gather3A_48 = tpu.vector_load_idx %arg10[%get3A_44] : memref<1000xf32, #tpu.memory_space<vmem>>[vector<16xi32>], vector<16xf32>,
    %swap3A_49 = arith.constant 48 : index
    %swap3A_50 = tpu.vector_load %arg12[%swap3A_49] {strides = array<i32>} : memref<512xf32, #tpu.memory_space<vmem>>, vector<16xf32>,
    tpu.vector_store %arg12[%swap3A_49], %gather3A_48 {strides = array<i32>} : memref<512xf32, #tpu.memory_space<vmem>>, vector<16xf32>,
    %get3A_51 = arith.constant 64 : index
    %get3A_52 = tpu.vector_load %arg8[%get3A_51] {strides = array<i32>} : memref<512xi32, #tpu.memory_space<vmem>>, vector<16xi32>,
    %gather3A_53 = tpu.vector_load_idx %arg9[%get3A_52] : memref<1000xf32, #tpu.memory_space<vmem>>[vector<16xi32>], vector<16xf32>,
    %swap3A_54 = arith.constant 64 : index
    %swap3A_55 = tpu.vector_load %arg11[%swap3A_54] {strides = array<i32>} : memref<512xf32, #tpu.memory_space<vmem>>, vector<16xf32>,
    tpu.vector_store %arg11[%swap3A_54], %gather3A_53 {strides = array<i32>} : memref<512xf32, #tpu.memory_space<vmem>>, vector<16xf32>,
    %gather3A_56 = tpu.vector_load_idx %arg10[%get3A_52] : memref<1000xf32, #tpu.memory_space<vmem>>[vector<16xi32>], vector<16xf32>,
    %swap3A_57 = arith.constant 64 : index
    %swap3A_58 = tpu.vector_load %arg12[%swap3A_57] {strides = array<i32>} : memref<512xf32, #tpu.memory_space<vmem>>, vector<16xf32>,
    tpu.vector_store %arg12[%swap3A_57], %gather3A_56 {strides = array<i32>} : memref<512xf32, #tpu.memory_space<vmem>>, vector<16xf32>,
    %get3A_59 = arith.constant 80 : index
    %get3A_60 = tpu.vector_load %arg8[%get3A_59] {strides = array<i32>} : memref<512xi32, #tpu.memory_space<vmem>>, vector<16xi32>,
    %gather3A_61 = tpu.vector_load_idx %arg9[%get3A_60] : memref<1000xf32, #tpu.memory_space<vmem>>[vector<16xi32>], vector<16xf32>,
    %swap3A_62 = arith.constant 80 : index
    %swap3A_63 = tpu.vector_load %arg11[%swap3A_62] {strides = array<i32>} : memref<512xf32, #tpu.memory_space<vmem>>, vector<16xf32>,
    tpu.vector_store %arg11[%swap3A_62], %gather3A_61 {strides = array<i32>} : memref<512xf32, #tpu.memory_space<vmem>>, vector<16xf32>,
    %gather3A_64 = tpu.vector_load_idx %arg10[%get3A_60] : memref<1000xf32, #tpu.memory_space<vmem>>[vector<16xi32>], vector<16xf32>,
    %swap3A_65 = arith.constant 80 : index
    %swap3A_66 = tpu.vector_load %arg12[%swap3A_65] {strides = array<i32>} : memref<512xf32, #tpu.memory_space<vmem>>, vector<16xf32>,
    tpu.vector_store %arg12[%swap3A_65], %gather3A_64 {strides = array<i32>} : memref<512xf32, #tpu.memory_space<vmem>>, vector<16xf32>,
    %get3A_67 = arith.constant 96 : index
    %get3A_68 = tpu.vector_load %arg8[%get3A_67] {strides = array<i32>} : memref<512xi32, #tpu.memory_space<vmem>>, vector<16xi32>,
    %gather3A_69 = tpu.vector_load_idx %arg9[%get3A_68] : memref<1000xf32, #tpu.memory_space<vmem>>[vector<16xi32>], vector<16xf32>,
    %swap3A_70 = arith.constant 96 : index
    %swap3A_71 = tpu.vector_load %arg11[%swap3A_70] {strides = array<i32>} : memref<512xf32, #tpu.memory_space<vmem>>, vector<16xf32>,
    tpu.vector_store %arg11[%swap3A_70], %gather3A_69 {strides = array<i32>} : memref<512xf32, #tpu.memory_space<vmem>>, vector<16xf32>,
    %gather3A_72 = tpu.vector_load_idx %arg10[%get3A_68] : memref<1000xf32, #tpu.memory_space<vmem>>[vector<16xi32>], vector<16xf32>,
    %swap3A_73 = arith.constant 96 : index
    %swap3A_74 = tpu.vector_load %arg12[%swap3A_73] {strides = array<i32>} : memref<512xf32, #tpu.memory_space<vmem>>, vector<16xf32>,
    tpu.vector_store %arg12[%swap3A_73], %gather3A_72 {strides = array<i32>} : memref<512xf32, #tpu.memory_space<vmem>>, vector<16xf32>,
    %get3A_75 = arith.constant 112 : index
    %get3A_76 = tpu.vector_load %arg8[%get3A_75] {strides = array<i32>} : memref<512xi32, #tpu.memory_space<vmem>>, vector<16xi32>,
    %gather3A_77 = tpu.vector_load_idx %arg9[%get3A_76] : memref<1000xf32, #tpu.memory_space<vmem>>[vector<16xi32>], vector<16xf32>,
    %swap3A_78 = arith.constant 112 : index
    %swap3A_79 = tpu.vector_load %arg11[%swap3A_78] {strides = array<i32>} : memref<512xf32, #tpu.memory_space<vmem>>, vector<16xf32>,
    tpu.vector_store %arg11[%swap3A_78], %gather3A_77 {strides = array<i32>} : memref<512xf32, #tpu.memory_space<vmem>>, vector<16xf32>,
    %gather3A_80 = tpu.vector_load_idx %arg10[%get3A_76] : memref<1000xf32, #tpu.memory_space<vmem>>[vector<16xi32>], vector<16xf32>,
    %swap3A_81 = arith.constant 112 : index
    %swap3A_82 = tpu.vector_load %arg12[%swap3A_81] {strides = array<i32>} : memref<512xf32, #tpu.memory_space<vmem>>, vector<16xf32>,
    tpu.vector_store %arg12[%swap3A_81], %gather3A_80 {strides = array<i32>} : memref<512xf32, #tpu.memory_space<vmem>>, vector<16xf32>,
    %get3A_83 = arith.constant 128 : index
    %get3A_84 = tpu.vector_load %arg8[%get3A_83] {strides = array<i32>} : memref<512xi32, #tpu.memory_space<vmem>>, vector<16xi32>,
    %gather3A_85 = tpu.vector_load_idx %arg9[%get3A_84] : memref<1000xf32, #tpu.memory_space<vmem>>[vector<16xi32>], vector<16xf32>,
    %swap3A_86 = arith.constant 128 : index
    %swap3A_87 = tpu.vector_load %arg11[%swap3A_86] {strides = array<i32>} : memref<512xf32, #tpu.memory_space<vmem>>, vector<16xf32>,
    tpu.vector_store %arg11[%swap3A_86], %gather3A_85 {strides = array<i32>} : memref<512xf32, #tpu.memory_space<vmem>>, vector<16xf32>,
    %gather3A_88 = tpu.vector_load_idx %arg10[%get3A_84] : memref<1000xf32, #tpu.memory_space<vmem>>[vector<16xi32>], vector<16xf32>,
    %swap3A_89 = arith.constant 128 : index
    %swap3A_90 = tpu.vector_load %arg12[%swap3A_89] {strides = array<i32>} : memref<512xf32, #tpu.memory_space<vmem>>, vector<16xf32>,
    tpu.vector_store %arg12[%swap3A_89], %gather3A_88 {strides = array<i32>} : memref<512xf32, #tpu.memory_space<vmem>>, vector<16xf32>,
    %get3A_91 = arith.constant 144 : index
    %get3A_92 = tpu.vector_load %arg8[%get3A_91] {strides = array<i32>} : memref<512xi32, #tpu.memory_space<vmem>>, vector<16xi32>,
    %gather3A_93 = tpu.vector_load_idx %arg9[%get3A_92] : memref<1000xf32, #tpu.memory_space<vmem>>[vector<16xi32>], vector<16xf32>,
    %swap3A_94 = arith.constant 144 : index
    %swap3A_95 = tpu.vector_load %arg11[%swap3A_94] {strides = array<i32>} : memref<512xf32, #tpu.memory_space<vmem>>, vector<16xf32>,
    tpu.vector_store %arg11[%swap3A_94], %gather3A_93 {strides = array<i32>} : memref<512xf32, #tpu.memory_space<vmem>>, vector<16xf32>,
    %gather3A_96 = tpu.vector_load_idx %arg10[%get3A_92] : memref<1000xf32, #tpu.memory_space<vmem>>[vector<16xi32>], vector<16xf32>,
    %swap3A_97 = arith.constant 144 : index
    %swap3A_98 = tpu.vector_load %arg12[%swap3A_97] {strides = array<i32>} : memref<512xf32, #tpu.memory_space<vmem>>, vector<16xf32>,
    tpu.vector_store %arg12[%swap3A_97], %gather3A_96 {strides = array<i32>} : memref<512xf32, #tpu.memory_space<vmem>>, vector<16xf32>,
    %get3A_99 = arith.constant 160 : index
    %get3A_100 = tpu.vector_load %arg8[%get3A_99] {strides = array<i32>} : memref<512xi32, #tpu.memory_space<vmem>>, vector<16xi32>,
    %gather3A_101 = tpu.vector_load_idx %arg9[%get3A_100] : memref<1000xf32, #tpu.memory_space<vmem>>[vector<16xi32>], vector<16xf32>,
    %swap3A_102 = arith.constant 160 : index
    %swap3A_103 = tpu.vector_load %arg11[%swap3A_102] {strides = array<i32>} : memref<512xf32, #tpu.memory_space<vmem>>, vector<16xf32>,
    tpu.vector_store %arg11[%swap3A_102], %gather3A_101 {strides = array<i32>} : memref<512xf32, #tpu.memory_space<vmem>>, vector<16xf32>,
    %gather3A_104 = tpu.vector_load_idx %arg10[%get3A_100] : memref<1000xf32, #tpu.memory_space<vmem>>[vector<16xi32>], vector<16xf32>,
    %swap3A_105 = arith.constant 160 : index
    %swap3A_106 = tpu.vector_load %arg12[%swap3A_105] {strides = array<i32>} : memref<512xf32, #tpu.memory_space<vmem>>, vector<16xf32>,
    tpu.vector_store %arg12[%swap3A_105], %gather3A_104 {strides = array<i32>} : memref<512xf32, #tpu.memory_space<vmem>>, vector<16xf32>,
    %get3A_107 = arith.constant 176 : index
    %get3A_108 = tpu.vector_load %arg8[%get3A_107] {strides = array<i32>} : memref<512xi32, #tpu.memory_space<vmem>>, vector<16xi32>,
    %gather3A_109 = tpu.vector_load_idx %arg9[%get3A_108] : memref<1000xf32, #tpu.memory_space<vmem>>[vector<16xi32>], vector<16xf32>,
    %swap3A_110 = arith.constant 176 : index
    %swap3A_111 = tpu.vector_load %arg11[%swap3A_110] {strides = array<i32>} : memref<512xf32, #tpu.memory_space<vmem>>, vector<16xf32>,
    tpu.vector_store %arg11[%swap3A_110], %gather3A_109 {strides = array<i32>} : memref<512xf32, #tpu.memory_space<vmem>>, vector<16xf32>,
    %gather3A_112 = tpu.vector_load_idx %arg10[%get3A_108] : memref<1000xf32, #tpu.memory_space<vmem>>[vector<16xi32>], vector<16xf32>,
    %swap3A_113 = arith.constant 176 : index
    %swap3A_114 = tpu.vector_load %arg12[%swap3A_113] {strides = array<i32>} : memref<512xf32, #tpu.memory_space<vmem>>, vector<16xf32>,
    tpu.vector_store %arg12[%swap3A_113], %gather3A_112 {strides = array<i32>} : memref<512xf32, #tpu.memory_space<vmem>>, vector<16xf32>,
    %get3A_115 = arith.constant 192 : index
    %get3A_116 = tpu.vector_load %arg8[%get3A_115] {strides = array<i32>} : memref<512xi32, #tpu.memory_space<vmem>>, vector<16xi32>,
    %gather3A_117 = tpu.vector_load_idx %arg9[%get3A_116] : memref<1000xf32, #tpu.memory_space<vmem>>[vector<16xi32>], vector<16xf32>,
    %swap3A_118 = arith.constant 192 : index
    %swap3A_119 = tpu.vector_load %arg11[%swap3A_118] {strides = array<i32>} : memref<512xf32, #tpu.memory_space<vmem>>, vector<16xf32>,
    tpu.vector_store %arg11[%swap3A_118], %gather3A_117 {strides = array<i32>} : memref<512xf32, #tpu.memory_space<vmem>>, vector<16xf32>,
    %gather3A_120 = tpu.vector_load_idx %arg10[%get3A_116] : memref<1000xf32, #tpu.memory_space<vmem>>[vector<16xi32>], vector<16xf32>,
    %swap3A_121 = arith.constant 192 : index
    %swap3A_122 = tpu.vector_load %arg12[%swap3A_121] {strides = array<i32>} : memref<512xf32, #tpu.memory_space<vmem>>, vector<16xf32>,
    tpu.vector_store %arg12[%swap3A_121], %gather3A_120 {strides = array<i32>} : memref<512xf32, #tpu.memory_space<vmem>>, vector<16xf32>,
    %get3A_123 = arith.constant 208 : index
    %get3A_124 = tpu.vector_load %arg8[%get3A_123] {strides = array<i32>} : memref<512xi32, #tpu.memory_space<vmem>>, vector<16xi32>,
    %gather3A_125 = tpu.vector_load_idx %arg9[%get3A_124] : memref<1000xf32, #tpu.memory_space<vmem>>[vector<16xi32>], vector<16xf32>,
    %swap3A_126 = arith.constant 208 : index
    %swap3A_127 = tpu.vector_load %arg11[%swap3A_126] {strides = array<i32>} : memref<512xf32, #tpu.memory_space<vmem>>, vector<16xf32>,
    tpu.vector_store %arg11[%swap3A_126], %gather3A_125 {strides = array<i32>} : memref<512xf32, #tpu.memory_space<vmem>>, vector<16xf32>,
    %gather3A_128 = tpu.vector_load_idx %arg10[%get3A_124] : memref<1000xf32, #tpu.memory_space<vmem>>[vector<16xi32>], vector<16xf32>,
    %swap3A_129 = arith.constant 208 : index
    %swap3A_130 = tpu.vector_load %arg12[%swap3A_129] {strides = array<i32>} : memref<512xf32, #tpu.memory_space<vmem>>, vector<16xf32>,
    tpu.vector_store %arg12[%swap3A_129], %gather3A_128 {strides = array<i32>} : memref<512xf32, #tpu.memory_space<vmem>>, vector<16xf32>,
    %get3A_131 = arith.constant 224 : index
    %get3A_132 = tpu.vector_load %arg8[%get3A_131] {strides = array<i32>} : memref<512xi32, #tpu.memory_space<vmem>>, vector<16xi32>,
    %gather3A_133 = tpu.vector_load_idx %arg9[%get3A_132] : memref<1000xf32, #tpu.memory_space<vmem>>[vector<16xi32>], vector<16xf32>,
    %swap3A_134 = arith.constant 224 : index
    %swap3A_135 = tpu.vector_load %arg11[%swap3A_134] {strides = array<i32>} : memref<512xf32, #tpu.memory_space<vmem>>, vector<16xf32>,
    tpu.vector_store %arg11[%swap3A_134], %gather3A_133 {strides = array<i32>} : memref<512xf32, #tpu.memory_space<vmem>>, vector<16xf32>,
    %gather3A_136 = tpu.vector_load_idx %arg10[%get3A_132] : memref<1000xf32, #tpu.memory_space<vmem>>[vector<16xi32>], vector<16xf32>,
    %swap3A_137 = arith.constant 224 : index
    %swap3A_138 = tpu.vector_load %arg12[%swap3A_137] {strides = array<i32>} : memref<512xf32, #tpu.memory_space<vmem>>, vector<16xf32>,
    tpu.vector_store %arg12[%swap3A_137], %gather3A_136 {strides = array<i32>} : memref<512xf32, #tpu.memory_space<vmem>>, vector<16xf32>,
    %get3A_139 = arith.constant 240 : index
    %get3A_140 = tpu.vector_load %arg8[%get3A_139] {strides = array<i32>} : memref<512xi32, #tpu.memory_space<vmem>>, vector<16xi32>,
    %gather3A_141 = tpu.vector_load_idx %arg9[%get3A_140] : memref<1000xf32, #tpu.memory_space<vmem>>[vector<16xi32>], vector<16xf32>,
    %swap3A_142 = arith.constant 240 : index
    %swap3A_143 = tpu.vector_load %arg11[%swap3A_142] {strides = array<i32>} : memref<512xf32, #tpu.memory_space<vmem>>, vector<16xf32>,
    tpu.vector_store %arg11[%swap3A_142], %gather3A_141 {strides = array<i32>} : memref<512xf32, #tpu.memory_space<vmem>>, vector<16xf32>,
    %gather3A_144 = tpu.vector_load_idx %arg10[%get3A_140] : memref<1000xf32, #tpu.memory_space<vmem>>[vector<16xi32>], vector<16xf32>,
    %swap3A_145 = arith.constant 240 : index
    %swap3A_146 = tpu.vector_load %arg12[%swap3A_145] {strides = array<i32>} : memref<512xf32, #tpu.memory_space<vmem>>, vector<16xf32>,
    tpu.vector_store %arg12[%swap3A_145], %gather3A_144 {strides = array<i32>} : memref<512xf32, #tpu.memory_space<vmem>>, vector<16xf32>,
    %get3A_147 = arith.constant 256 : index
    %get3A_148 = tpu.vector_load %arg8[%get3A_147] {strides = array<i32>} : memref<512xi32, #tpu.memory_space<vmem>>, vector<16xi32>,
    %gather3A_149 = tpu.vector_load_idx %arg9[%get3A_148] : memref<1000xf32, #tpu.memory_space<vmem>>[vector<16xi32>], vector<16xf32>,
    %swap3A_150 = arith.constant 256 : index
    %swap3A_151 = tpu.vector_load %arg11[%swap3A_150] {strides = array<i32>} : memref<512xf32, #tpu.memory_space<vmem>>, vector<16xf32>,
    tpu.vector_store %arg11[%swap3A_150], %gather3A_149 {strides = array<i32>} : memref<512xf32, #tpu.memory_space<vmem>>, vector<16xf32>,
    %gather3A_152 = tpu.vector_load_idx %arg10[%get3A_148] : memref<1000xf32, #tpu.memory_space<vmem>>[vector<16xi32>], vector<16xf32>,
    %swap3A_153 = arith.constant 256 : index
    %swap3A_154 = tpu.vector_load %arg12[%swap3A_153] {strides = array<i32>} : memref<512xf32, #tpu.memory_space<vmem>>, vector<16xf32>,
    tpu.vector_store %arg12[%swap3A_153], %gather3A_152 {strides = array<i32>} : memref<512xf32, #tpu.memory_space<vmem>>, vector<16xf32>,
    %get3A_155 = arith.constant 272 : index
    %get3A_156 = tpu.vector_load %arg8[%get3A_155] {strides = array<i32>} : memref<512xi32, #tpu.memory_space<vmem>>, vector<16xi32>,
    %gather3A_157 = tpu.vector_load_idx %arg9[%get3A_156] : memref<1000xf32, #tpu.memory_space<vmem>>[vector<16xi32>], vector<16xf32>,
    %swap3A_158 = arith.constant 272 : index
    %swap3A_159 = tpu.vector_load %arg11[%swap3A_158] {strides = array<i32>} : memref<512xf32, #tpu.memory_space<vmem>>, vector<16xf32>,
    tpu.vector_store %arg11[%swap3A_158], %gather3A_157 {strides = array<i32>} : memref<512xf32, #tpu.memory_space<vmem>>, vector<16xf32>,
    %gather3A_160 = tpu.vector_load_idx %arg10[%get3A_156] : memref<1000xf32, #tpu.memory_space<vmem>>[vector<16xi32>], vector<16xf32>,
    %swap3A_161 = arith.constant 272 : index
    %swap3A_162 = tpu.vector_load %arg12[%swap3A_161] {strides = array<i32>} : memref<512xf32, #tpu.memory_space<vmem>>, vector<16xf32>,
    tpu.vector_store %arg12[%swap3A_161], %gather3A_160 {strides = array<i32>} : memref<512xf32, #tpu.memory_space<vmem>>, vector<16xf32>,
    %get3A_163 = arith.constant 288 : index
    %get3A_164 = tpu.vector_load %arg8[%get3A_163] {strides = array<i32>} : memref<512xi32, #tpu.memory_space<vmem>>, vector<16xi32>,
    %gather3A_165 = tpu.vector_load_idx %arg9[%get3A_164] : memref<1000xf32, #tpu.memory_space<vmem>>[vector<16xi32>], vector<16xf32>,
    %swap3A_166 = arith.constant 288 : index
    %swap3A_167 = tpu.vector_load %arg11[%swap3A_166] {strides = array<i32>} : memref<512xf32, #tpu.memory_space<vmem>>, vector<16xf32>,
    tpu.vector_store %arg11[%swap3A_166], %gather3A_165 {strides = array<i32>} : memref<512xf32, #tpu.memory_space<vmem>>, vector<16xf32>,
    %gather3A_168 = tpu.vector_load_idx %arg10[%get3A_164] : memref<1000xf32, #tpu.memory_space<vmem>>[vector<16xi32>], vector<16xf32>,
    %swap3A_169 = arith.constant 288 : index
    %swap3A_170 = tpu.vector_load %arg12[%swap3A_169] {strides = array<i32>} : memref<512xf32, #tpu.memory_space<vmem>>, vector<16xf32>,
    tpu.vector_store %arg12[%swap3A_169], %gather3A_168 {strides = array<i32>} : memref<512xf32, #tpu.memory_space<vmem>>, vector<16xf32>,
    %get3A_171 = arith.constant 304 : index
    %get3A_172 = tpu.vector_load %arg8[%get3A_171] {strides = array<i32>} : memref<512xi32, #tpu.memory_space<vmem>>, vector<16xi32>,
    %gather3A_173 = tpu.vector_load_idx %arg9[%get3A_172] : memref<1000xf32, #tpu.memory_space<vmem>>[vector<16xi32>], vector<16xf32>,
    %swap3A_174 = arith.constant 304 : index
    %swap3A_175 = tpu.vector_load %arg11[%swap3A_174] {strides = array<i32>} : memref<512xf32, #tpu.memory_space<vmem>>, vector<16xf32>,
    tpu.vector_store %arg11[%swap3A_174], %gather3A_173 {strides = array<i32>} : memref<512xf32, #tpu.memory_space<vmem>>, vector<16xf32>,
    %gather3A_176 = tpu.vector_load_idx %arg10[%get3A_172] : memref<1000xf32, #tpu.memory_space<vmem>>[vector<16xi32>], vector<16xf32>,
    %swap3A_177 = arith.constant 304 : index
    %swap3A_178 = tpu.vector_load %arg12[%swap3A_177] {strides = array<i32>} : memref<512xf32, #tpu.memory_space<vmem>>, vector<16xf32>,
    tpu.vector_store %arg12[%swap3A_177], %gather3A_176 {strides = array<i32>} : memref<512xf32, #tpu.memory_space<vmem>>, vector<16xf32>,
    %get3A_179 = arith.constant 320 : index
    %get3A_180 = tpu.vector_load %arg8[%get3A_179] {strides = array<i32>} : memref<512xi32, #tpu.memory_space<vmem>>, vector<16xi32>,
    %gather3A_181 = tpu.vector_load_idx %arg9[%get3A_180] : memref<1000xf32, #tpu.memory_space<vmem>>[vector<16xi32>], vector<16xf32>,
    %swap3A_182 = arith.constant 320 : index
    %swap3A_183 = tpu.vector_load %arg11[%swap3A_182] {strides = array<i32>} : memref<512xf32, #tpu.memory_space<vmem>>, vector<16xf32>,
    tpu.vector_store %arg11[%swap3A_182], %gather3A_181 {strides = array<i32>} : memref<512xf32, #tpu.memory_space<vmem>>, vector<16xf32>,
    %gather3A_184 = tpu.vector_load_idx %arg10[%get3A_180] : memref<1000xf32, #tpu.memory_space<vmem>>[vector<16xi32>], vector<16xf32>,
    %swap3A_185 = arith.constant 320 : index
    %swap3A_186 = tpu.vector_load %arg12[%swap3A_185] {strides = array<i32>} : memref<512xf32, #tpu.memory_space<vmem>>, vector<16xf32>,
    tpu.vector_store %arg12[%swap3A_185], %gather3A_184 {strides = array<i32>} : memref<512xf32, #tpu.memory_space<vmem>>, vector<16xf32>,
    %get3A_187 = arith.constant 336 : index
    %get3A_188 = tpu.vector_load %arg8[%get3A_187] {strides = array<i32>} : memref<512xi32, #tpu.memory_space<vmem>>, vector<16xi32>,
    %gather3A_189 = tpu.vector_load_idx %arg9[%get3A_188] : memref<1000xf32, #tpu.memory_space<vmem>>[vector<16xi32>], vector<16xf32>,
    %swap3A_190 = arith.constant 336 : index
    %swap3A_191 = tpu.vector_load %arg11[%swap3A_190] {strides = array<i32>} : memref<512xf32, #tpu.memory_space<vmem>>, vector<16xf32>,
    tpu.vector_store %arg11[%swap3A_190], %gather3A_189 {strides = array<i32>} : memref<512xf32, #tpu.memory_space<vmem>>, vector<16xf32>,
    %gather3A_192 = tpu.vector_load_idx %arg10[%get3A_188] : memref<1000xf32, #tpu.memory_space<vmem>>[vector<16xi32>], vector<16xf32>,
    %swap3A_193 = arith.constant 336 : index
    %swap3A_194 = tpu.vector_load %arg12[%swap3A_193] {strides = array<i32>} : memref<512xf32, #tpu.memory_space<vmem>>, vector<16xf32>,
    tpu.vector_store %arg12[%swap3A_193], %gather3A_192 {strides = array<i32>} : memref<512xf32, #tpu.memory_space<vmem>>, vector<16xf32>,
    %get3A_195 = arith.constant 352 : index
    %get3A_196 = tpu.vector_load %arg8[%get3A_195] {strides = array<i32>} : memref<512xi32, #tpu.memory_space<vmem>>, vector<16xi32>,
    %gather3A_197 = tpu.vector_load_idx %arg9[%get3A_196] : memref<1000xf32, #tpu.memory_space<vmem>>[vector<16xi32>], vector<16xf32>,
    %swap3A_198 = arith.constant 352 : index
    %swap3A_199 = tpu.vector_load %arg11[%swap3A_198] {strides = array<i32>} : memref<512xf32, #tpu.memory_space<vmem>>, vector<16xf32>,
    tpu.vector_store %arg11[%swap3A_198], %gather3A_197 {strides = array<i32>} : memref<512xf32, #tpu.memory_space<vmem>>, vector<16xf32>,
    %gather3A_200 = tpu.vector_load_idx %arg10[%get3A_196] : memref<1000xf32, #tpu.memory_space<vmem>>[vector<16xi32>], vector<16xf32>,
    %swap3A_201 = arith.constant 352 : index
    %swap3A_202 = tpu.vector_load %arg12[%swap3A_201] {strides = array<i32>} : memref<512xf32, #tpu.memory_space<vmem>>, vector<16xf32>,
    tpu.vector_store %arg12[%swap3A_201], %gather3A_200 {strides = array<i32>} : memref<512xf32, #tpu.memory_space<vmem>>, vector<16xf32>,
    %get3A_203 = arith.constant 368 : index
    %get3A_204 = tpu.vector_load %arg8[%get3A_203] {strides = array<i32>} : memref<512xi32, #tpu.memory_space<vmem>>, vector<16xi32>,
    %gather3A_205 = tpu.vector_load_idx %arg9[%get3A_204] : memref<1000xf32, #tpu.memory_space<vmem>>[vector<16xi32>], vector<16xf32>,
    %swap3A_206 = arith.constant 368 : index
    %swap3A_207 = tpu.vector_load %arg11[%swap3A_206] {strides = array<i32>} : memref<512xf32, #tpu.memory_space<vmem>>, vector<16xf32>,
    tpu.vector_store %arg11[%swap3A_206], %gather3A_205 {strides = array<i32>} : memref<512xf32, #tpu.memory_space<vmem>>, vector<16xf32>,
    %gather3A_208 = tpu.vector_load_idx %arg10[%get3A_204] : memref<1000xf32, #tpu.memory_space<vmem>>[vector<16xi32>], vector<16xf32>,
    %swap3A_209 = arith.constant 368 : index
    %swap3A_210 = tpu.vector_load %arg12[%swap3A_209] {strides = array<i32>} : memref<512xf32, #tpu.memory_space<vmem>>, vector<16xf32>,
    tpu.vector_store %arg12[%swap3A_209], %gather3A_208 {strides = array<i32>} : memref<512xf32, #tpu.memory_space<vmem>>, vector<16xf32>,
    %get3A_211 = arith.constant 384 : index
    %get3A_212 = tpu.vector_load %arg8[%get3A_211] {strides = array<i32>} : memref<512xi32, #tpu.memory_space<vmem>>, vector<16xi32>,
    %gather3A_213 = tpu.vector_load_idx %arg9[%get3A_212] : memref<1000xf32, #tpu.memory_space<vmem>>[vector<16xi32>], vector<16xf32>,
    %swap3A_214 = arith.constant 384 : index
    %swap3A_215 = tpu.vector_load %arg11[%swap3A_214] {strides = array<i32>} : memref<512xf32, #tpu.memory_space<vmem>>, vector<16xf32>,
    tpu.vector_store %arg11[%swap3A_214], %gather3A_213 {strides = array<i32>} : memref<512xf32, #tpu.memory_space<vmem>>, vector<16xf32>,
    %gather3A_216 = tpu.vector_load_idx %arg10[%get3A_212] : memref<1000xf32, #tpu.memory_space<vmem>>[vector<16xi32>], vector<16xf32>,
    %swap3A_217 = arith.constant 384 : index
    %swap3A_218 = tpu.vector_load %arg12[%swap3A_217] {strides = array<i32>} : memref<512xf32, #tpu.memory_space<vmem>>, vector<16xf32>,
    tpu.vector_store %arg12[%swap3A_217], %gather3A_216 {strides = array<i32>} : memref<512xf32, #tpu.memory_space<vmem>>, vector<16xf32>,
    %get3A_219 = arith.constant 400 : index
    %get3A_220 = tpu.vector_load %arg8[%get3A_219] {strides = array<i32>} : memref<512xi32, #tpu.memory_space<vmem>>, vector<16xi32>,
    %gather3A_221 = tpu.vector_load_idx %arg9[%get3A_220] : memref<1000xf32, #tpu.memory_space<vmem>>[vector<16xi32>], vector<16xf32>,
    %swap3A_222 = arith.constant 400 : index
    %swap3A_223 = tpu.vector_load %arg11[%swap3A_222] {strides = array<i32>} : memref<512xf32, #tpu.memory_space<vmem>>, vector<16xf32>,
    tpu.vector_store %arg11[%swap3A_222], %gather3A_221 {strides = array<i32>} : memref<512xf32, #tpu.memory_space<vmem>>, vector<16xf32>,
    %gather3A_224 = tpu.vector_load_idx %arg10[%get3A_220] : memref<1000xf32, #tpu.memory_space<vmem>>[vector<16xi32>], vector<16xf32>,
    %swap3A_225 = arith.constant 400 : index
    %swap3A_226 = tpu.vector_load %arg12[%swap3A_225] {strides = array<i32>} : memref<512xf32, #tpu.memory_space<vmem>>, vector<16xf32>,
    tpu.vector_store %arg12[%swap3A_225], %gather3A_224 {strides = array<i32>} : memref<512xf32, #tpu.memory_space<vmem>>, vector<16xf32>,
    %get3A_227 = arith.constant 416 : index
    %get3A_228 = tpu.vector_load %arg8[%get3A_227] {strides = array<i32>} : memref<512xi32, #tpu.memory_space<vmem>>, vector<16xi32>,
    %gather3A_229 = tpu.vector_load_idx %arg9[%get3A_228] : memref<1000xf32, #tpu.memory_space<vmem>>[vector<16xi32>], vector<16xf32>,
    %swap3A_230 = arith.constant 416 : index
    %swap3A_231 = tpu.vector_load %arg11[%swap3A_230] {strides = array<i32>} : memref<512xf32, #tpu.memory_space<vmem>>, vector<16xf32>,
    tpu.vector_store %arg11[%swap3A_230], %gather3A_229 {strides = array<i32>} : memref<512xf32, #tpu.memory_space<vmem>>, vector<16xf32>,
    %gather3A_232 = tpu.vector_load_idx %arg10[%get3A_228] : memref<1000xf32, #tpu.memory_space<vmem>>[vector<16xi32>], vector<16xf32>,
    %swap3A_233 = arith.constant 416 : index
    %swap3A_234 = tpu.vector_load %arg12[%swap3A_233] {strides = array<i32>} : memref<512xf32, #tpu.memory_space<vmem>>, vector<16xf32>,
    tpu.vector_store %arg12[%swap3A_233], %gather3A_232 {strides = array<i32>} : memref<512xf32, #tpu.memory_space<vmem>>, vector<16xf32>,
    %get3A_235 = arith.constant 432 : index
    %get3A_236 = tpu.vector_load %arg8[%get3A_235] {strides = array<i32>} : memref<512xi32, #tpu.memory_space<vmem>>, vector<16xi32>,
    %gather3A_237 = tpu.vector_load_idx %arg9[%get3A_236] : memref<1000xf32, #tpu.memory_space<vmem>>[vector<16xi32>], vector<16xf32>,
    %swap3A_238 = arith.constant 432 : index
    %swap3A_239 = tpu.vector_load %arg11[%swap3A_238] {strides = array<i32>} : memref<512xf32, #tpu.memory_space<vmem>>, vector<16xf32>,
    tpu.vector_store %arg11[%swap3A_238], %gather3A_237 {strides = array<i32>} : memref<512xf32, #tpu.memory_space<vmem>>, vector<16xf32>,
    %gather3A_240 = tpu.vector_load_idx %arg10[%get3A_236] : memref<1000xf32, #tpu.memory_space<vmem>>[vector<16xi32>], vector<16xf32>,
    %swap3A_241 = arith.constant 432 : index
    %swap3A_242 = tpu.vector_load %arg12[%swap3A_241] {strides = array<i32>} : memref<512xf32, #tpu.memory_space<vmem>>, vector<16xf32>,
    tpu.vector_store %arg12[%swap3A_241], %gather3A_240 {strides = array<i32>} : memref<512xf32, #tpu.memory_space<vmem>>, vector<16xf32>,
    %get3A_243 = arith.constant 448 : index
    %get3A_244 = tpu.vector_load %arg8[%get3A_243] {strides = array<i32>} : memref<512xi32, #tpu.memory_space<vmem>>, vector<16xi32>,
    %gather3A_245 = tpu.vector_load_idx %arg9[%get3A_244] : memref<1000xf32, #tpu.memory_space<vmem>>[vector<16xi32>], vector<16xf32>,
    %swap3A_246 = arith.constant 448 : index
    %swap3A_247 = tpu.vector_load %arg11[%swap3A_246] {strides = array<i32>} : memref<512xf32, #tpu.memory_space<vmem>>, vector<16xf32>,
    tpu.vector_store %arg11[%swap3A_246], %gather3A_245 {strides = array<i32>} : memref<512xf32, #tpu.memory_space<vmem>>, vector<16xf32>,
    %gather3A_248 = tpu.vector_load_idx %arg10[%get3A_244] : memref<1000xf32, #tpu.memory_space<vmem>>[vector<16xi32>], vector<16xf32>,
    %swap3A_249 = arith.constant 448 : index
    %swap3A_250 = tpu.vector_load %arg12[%swap3A_249] {strides = array<i32>} : memref<512xf32, #tpu.memory_space<vmem>>, vector<16xf32>,
    tpu.vector_store %arg12[%swap3A_249], %gather3A_248 {strides = array<i32>} : memref<512xf32, #tpu.memory_space<vmem>>, vector<16xf32>,
    %get3A_251 = arith.constant 464 : index
    %get3A_252 = tpu.vector_load %arg8[%get3A_251] {strides = array<i32>} : memref<512xi32, #tpu.memory_space<vmem>>, vector<16xi32>,
    %gather3A_253 = tpu.vector_load_idx %arg9[%get3A_252] : memref<1000xf32, #tpu.memory_space<vmem>>[vector<16xi32>], vector<16xf32>,
    %swap3A_254 = arith.constant 464 : index
    %swap3A_255 = tpu.vector_load %arg11[%swap3A_254] {strides = array<i32>} : memref<512xf32, #tpu.memory_space<vmem>>, vector<16xf32>,
    tpu.vector_store %arg11[%swap3A_254], %gather3A_253 {strides = array<i32>} : memref<512xf32, #tpu.memory_space<vmem>>, vector<16xf32>,
    %gather3A_256 = tpu.vector_load_idx %arg10[%get3A_252] : memref<1000xf32, #tpu.memory_space<vmem>>[vector<16xi32>], vector<16xf32>,
    %swap3A_257 = arith.constant 464 : index
    %swap3A_258 = tpu.vector_load %arg12[%swap3A_257] {strides = array<i32>} : memref<512xf32, #tpu.memory_space<vmem>>, vector<16xf32>,
    tpu.vector_store %arg12[%swap3A_257], %gather3A_256 {strides = array<i32>} : memref<512xf32, #tpu.memory_space<vmem>>, vector<16xf32>,
    %get3A_259 = arith.constant 480 : index
    %get3A_260 = tpu.vector_load %arg8[%get3A_259] {strides = array<i32>} : memref<512xi32, #tpu.memory_space<vmem>>, vector<16xi32>,
    %gather3A_261 = tpu.vector_load_idx %arg9[%get3A_260] : memref<1000xf32, #tpu.memory_space<vmem>>[vector<16xi32>], vector<16xf32>,
    %swap3A_262 = arith.constant 480 : index
    %swap3A_263 = tpu.vector_load %arg11[%swap3A_262] {strides = array<i32>} : memref<512xf32, #tpu.memory_space<vmem>>, vector<16xf32>,
    tpu.vector_store %arg11[%swap3A_262], %gather3A_261 {strides = array<i32>} : memref<512xf32, #tpu.memory_space<vmem>>, vector<16xf32>,
    %gather3A_264 = tpu.vector_load_idx %arg10[%get3A_260] : memref<1000xf32, #tpu.memory_space<vmem>>[vector<16xi32>], vector<16xf32>,
    %swap3A_265 = arith.constant 480 : index
    %swap3A_266 = tpu.vector_load %arg12[%swap3A_265] {strides = array<i32>} : memref<512xf32, #tpu.memory_space<vmem>>, vector<16xf32>,
    tpu.vector_store %arg12[%swap3A_265], %gather3A_264 {strides = array<i32>} : memref<512xf32, #tpu.memory_space<vmem>>, vector<16xf32>,
    %get3A_267 = arith.constant 496 : index
    %get3A_268 = tpu.vector_load %arg8[%get3A_267] {strides = array<i32>} : memref<512xi32, #tpu.memory_space<vmem>>, vector<16xi32>,
    %gather3A_269 = tpu.vector_load_idx %arg9[%get3A_268] : memref<1000xf32, #tpu.memory_space<vmem>>[vector<16xi32>], vector<16xf32>,
    %swap3A_270 = arith.constant 496 : index
    %swap3A_271 = tpu.vector_load %arg11[%swap3A_270] {strides = array<i32>} : memref<512xf32, #tpu.memory_space<vmem>>, vector<16xf32>,
    tpu.vector_store %arg11[%swap3A_270], %gather3A_269 {strides = array<i32>} : memref<512xf32, #tpu.memory_space<vmem>>, vector<16xf32>,
    %gather3A_272 = tpu.vector_load_idx %arg10[%get3A_268] : memref<1000xf32, #tpu.memory_space<vmem>>[vector<16xi32>], vector<16xf32>,
    %swap3A_273 = arith.constant 496 : index
    %swap3A_274 = tpu.vector_load %arg12[%swap3A_273] {strides = array<i32>} : memref<512xf32, #tpu.memory_space<vmem>>, vector<16xf32>,
    tpu.vector_store %arg12[%swap3A_273], %gather3A_272 {strides = array<i32>} : memref<512xf32, #tpu.memory_space<vmem>>, vector<16xf32>,
    %add3A_275 = arith.constant 0 : i32
    %add3A_276 = arith.addi %mul3A_2, %add3A_275 : i32
    %dma_wait3A = arith.constant 0 : i32
    %dma_wait3A_277 = tpu.memref_slice %arg2[%add3A_276, %dma_wait3A] : memref<16384x128xf32, #tpu.memory_space<hbm>> -> memref<128x128xf32, #tpu.memory_space<hbm>>
    %dma_wait3A_278 = arith.constant 0 : i32
    %dma_wait3A_279 = tpu.memref_slice %arg2[%add3A_276, %dma_wait3A_278] : memref<16384x128xf32, #tpu.memory_space<hbm>> -> memref<128x128xf32, #tpu.memory_space<hbm>>
    tpu.wait_dma2 semaphore(%arg19 : memref<!tpu.dma_semaphore, #tpu.memory_space<semaphore_mem>>) src(%dma_wait3A_279 : memref<128x128xf32, #tpu.memory_space<hbm>>) dst(%arg13 : memref<128x128xf32, #tpu.memory_space<vmem>>)
    %dma_wait3A_280 = arith.constant 0 : i32
    %dma_wait3A_281 = tpu.memref_slice %arg4[%add3A_276, %dma_wait3A_280] : memref<16384x128xf32, #tpu.memory_space<hbm>> -> memref<128x128xf32, #tpu.memory_space<hbm>>
    %dma_wait3A_282 = arith.constant 0 : i32
    %dma_wait3A_283 = tpu.memref_slice %arg4[%add3A_276, %dma_wait3A_282] : memref<16384x128xf32, #tpu.memory_space<hbm>> -> memref<128x128xf32, #tpu.memory_space<hbm>>
    tpu.wait_dma2 semaphore(%arg21 : memref<!tpu.dma_semaphore, #tpu.memory_space<semaphore_mem>>) src(%dma_wait3A_283 : memref<128x128xf32, #tpu.memory_space<hbm>>) dst(%arg15 : memref<128x128xf32, #tpu.memory_space<vmem>>)
    %parallel_loop3A = arith.constant 0 : i32
    %parallel_loop3A_284 = arith.constant 128 : i32
    %parallel_loop3A_285 = arith.constant 1 : i32
    scf.for %parallel_loop3A_393 = %parallel_loop3A to %parallel_loop3A_284 step %parallel_loop3A_285  : i32 {
      %parallel_loop3A_394 = arith.constant 0 : i32
      %parallel_loop3A_395 = arith.addi %parallel_loop3A_394, %parallel_loop3A_393 : i32
      %parallel_loop3A_396 = vector.broadcast %parallel_loop3A_395 : i32 to vector<16xi32>
      %parallel_loop3A_397 = tpu.vector_load_idx %arg11[%parallel_loop3A_396] : memref<512xf32, #tpu.memory_space<vmem>>[vector<16xi32>], vector<16xf32>,
      %parallel_loop3A_398 = tpu.vector_load_idx %arg12[%parallel_loop3A_396] : memref<512xf32, #tpu.memory_space<vmem>>[vector<16xi32>], vector<16xf32>,
      %parallel_loop3A_399 = arith.index_cast %parallel_loop3A_393 : i32 to index
      %parallel_loop3A_400 = arith.constant 0 : index
      %parallel_loop3A_401 = tpu.vector_load %arg13[%parallel_loop3A_399, %parallel_loop3A_400] {strides = array<i32>} : memref<128x128xf32, #tpu.memory_space<vmem>>, vector<16xf32>,
      %parallel_loop3A_402 = arith.index_cast %parallel_loop3A_393 : i32 to index
      %parallel_loop3A_403 = arith.constant 0 : index
      %parallel_loop3A_404 = tpu.vector_load %arg15[%parallel_loop3A_402, %parallel_loop3A_403] {strides = array<i32>} : memref<128x128xf32, #tpu.memory_space<vmem>>, vector<16xf32>,
      %parallel_loop3A_405 = arith.mulf %parallel_loop3A_397, %parallel_loop3A_401 : vector<16xf32>
      %parallel_loop3A_406 = arith.mulf %parallel_loop3A_398, %parallel_loop3A_404 : vector<16xf32>
      %parallel_loop3A_407 = arith.addf %parallel_loop3A_405, %parallel_loop3A_406 : vector<16xf32>
      %parallel_loop3A_408 = arith.index_cast %parallel_loop3A_393 : i32 to index
      %parallel_loop3A_409 = arith.constant 0 : index
      %parallel_loop3A_410 = tpu.vector_load %arg17[%parallel_loop3A_408, %parallel_loop3A_409] {strides = array<i32>} : memref<128x128xf32, #tpu.memory_space<vmem>>, vector<16xf32>,
      tpu.vector_store %arg17[%parallel_loop3A_408, %parallel_loop3A_409], %parallel_loop3A_407 {strides = array<i32>} : memref<128x128xf32, #tpu.memory_space<vmem>>, vector<16xf32>,
      %parallel_loop3A_411 = arith.index_cast %parallel_loop3A_393 : i32 to index
      %parallel_loop3A_412 = arith.constant 16 : index
      %parallel_loop3A_413 = tpu.vector_load %arg13[%parallel_loop3A_411, %parallel_loop3A_412] {strides = array<i32>} : memref<128x128xf32, #tpu.memory_space<vmem>>, vector<16xf32>,
      %parallel_loop3A_414 = arith.index_cast %parallel_loop3A_393 : i32 to index
      %parallel_loop3A_415 = arith.constant 16 : index
      %parallel_loop3A_416 = tpu.vector_load %arg15[%parallel_loop3A_414, %parallel_loop3A_415] {strides = array<i32>} : memref<128x128xf32, #tpu.memory_space<vmem>>, vector<16xf32>,
      %parallel_loop3A_417 = arith.mulf %parallel_loop3A_397, %parallel_loop3A_413 : vector<16xf32>
      %parallel_loop3A_418 = arith.mulf %parallel_loop3A_398, %parallel_loop3A_416 : vector<16xf32>
      %parallel_loop3A_419 = arith.addf %parallel_loop3A_417, %parallel_loop3A_418 : vector<16xf32>
      %parallel_loop3A_420 = arith.index_cast %parallel_loop3A_393 : i32 to index
      %parallel_loop3A_421 = arith.constant 16 : index
      %parallel_loop3A_422 = tpu.vector_load %arg17[%parallel_loop3A_420, %parallel_loop3A_421] {strides = array<i32>} : memref<128x128xf32, #tpu.memory_space<vmem>>, vector<16xf32>,
      tpu.vector_store %arg17[%parallel_loop3A_420, %parallel_loop3A_421], %parallel_loop3A_419 {strides = array<i32>} : memref<128x128xf32, #tpu.memory_space<vmem>>, vector<16xf32>,
      %parallel_loop3A_423 = arith.index_cast %parallel_loop3A_393 : i32 to index
      %parallel_loop3A_424 = arith.constant 32 : index
      %parallel_loop3A_425 = tpu.vector_load %arg13[%parallel_loop3A_423, %parallel_loop3A_424] {strides = array<i32>} : memref<128x128xf32, #tpu.memory_space<vmem>>, vector<16xf32>,
      %parallel_loop3A_426 = arith.index_cast %parallel_loop3A_393 : i32 to index
      %parallel_loop3A_427 = arith.constant 32 : index
      %parallel_loop3A_428 = tpu.vector_load %arg15[%parallel_loop3A_426, %parallel_loop3A_427] {strides = array<i32>} : memref<128x128xf32, #tpu.memory_space<vmem>>, vector<16xf32>,
      %parallel_loop3A_429 = arith.mulf %parallel_loop3A_397, %parallel_loop3A_425 : vector<16xf32>
      %parallel_loop3A_430 = arith.mulf %parallel_loop3A_398, %parallel_loop3A_428 : vector<16xf32>
      %parallel_loop3A_431 = arith.addf %parallel_loop3A_429, %parallel_loop3A_430 : vector<16xf32>
      %parallel_loop3A_432 = arith.index_cast %parallel_loop3A_393 : i32 to index
      %parallel_loop3A_433 = arith.constant 32 : index
      %parallel_loop3A_434 = tpu.vector_load %arg17[%parallel_loop3A_432, %parallel_loop3A_433] {strides = array<i32>} : memref<128x128xf32, #tpu.memory_space<vmem>>, vector<16xf32>,
      tpu.vector_store %arg17[%parallel_loop3A_432, %parallel_loop3A_433], %parallel_loop3A_431 {strides = array<i32>} : memref<128x128xf32, #tpu.memory_space<vmem>>, vector<16xf32>,
      %parallel_loop3A_435 = arith.index_cast %parallel_loop3A_393 : i32 to index
      %parallel_loop3A_436 = arith.constant 48 : index
      %parallel_loop3A_437 = tpu.vector_load %arg13[%parallel_loop3A_435, %parallel_loop3A_436] {strides = array<i32>} : memref<128x128xf32, #tpu.memory_space<vmem>>, vector<16xf32>,
      %parallel_loop3A_438 = arith.index_cast %parallel_loop3A_393 : i32 to index
      %parallel_loop3A_439 = arith.constant 48 : index
      %parallel_loop3A_440 = tpu.vector_load %arg15[%parallel_loop3A_438, %parallel_loop3A_439] {strides = array<i32>} : memref<128x128xf32, #tpu.memory_space<vmem>>, vector<16xf32>,
      %parallel_loop3A_441 = arith.mulf %parallel_loop3A_397, %parallel_loop3A_437 : vector<16xf32>
      %parallel_loop3A_442 = arith.mulf %parallel_loop3A_398, %parallel_loop3A_440 : vector<16xf32>
      %parallel_loop3A_443 = arith.addf %parallel_loop3A_441, %parallel_loop3A_442 : vector<16xf32>
      %parallel_loop3A_444 = arith.index_cast %parallel_loop3A_393 : i32 to index
      %parallel_loop3A_445 = arith.constant 48 : index
      %parallel_loop3A_446 = tpu.vector_load %arg17[%parallel_loop3A_444, %parallel_loop3A_445] {strides = array<i32>} : memref<128x128xf32, #tpu.memory_space<vmem>>, vector<16xf32>,
      tpu.vector_store %arg17[%parallel_loop3A_444, %parallel_loop3A_445], %parallel_loop3A_443 {strides = array<i32>} : memref<128x128xf32, #tpu.memory_space<vmem>>, vector<16xf32>,
      %parallel_loop3A_447 = arith.index_cast %parallel_loop3A_393 : i32 to index
      %parallel_loop3A_448 = arith.constant 64 : index
      %parallel_loop3A_449 = tpu.vector_load %arg13[%parallel_loop3A_447, %parallel_loop3A_448] {strides = array<i32>} : memref<128x128xf32, #tpu.memory_space<vmem>>, vector<16xf32>,
      %parallel_loop3A_450 = arith.index_cast %parallel_loop3A_393 : i32 to index
      %parallel_loop3A_451 = arith.constant 64 : index
      %parallel_loop3A_452 = tpu.vector_load %arg15[%parallel_loop3A_450, %parallel_loop3A_451] {strides = array<i32>} : memref<128x128xf32, #tpu.memory_space<vmem>>, vector<16xf32>,
      %parallel_loop3A_453 = arith.mulf %parallel_loop3A_397, %parallel_loop3A_449 : vector<16xf32>
      %parallel_loop3A_454 = arith.mulf %parallel_loop3A_398, %parallel_loop3A_452 : vector<16xf32>
      %parallel_loop3A_455 = arith.addf %parallel_loop3A_453, %parallel_loop3A_454 : vector<16xf32>
      %parallel_loop3A_456 = arith.index_cast %parallel_loop3A_393 : i32 to index
      %parallel_loop3A_457 = arith.constant 64 : index
      %parallel_loop3A_458 = tpu.vector_load %arg17[%parallel_loop3A_456, %parallel_loop3A_457] {strides = array<i32>} : memref<128x128xf32, #tpu.memory_space<vmem>>, vector<16xf32>,
      tpu.vector_store %arg17[%parallel_loop3A_456, %parallel_loop3A_457], %parallel_loop3A_455 {strides = array<i32>} : memref<128x128xf32, #tpu.memory_space<vmem>>, vector<16xf32>,
      %parallel_loop3A_459 = arith.index_cast %parallel_loop3A_393 : i32 to index
      %parallel_loop3A_460 = arith.constant 80 : index
      %parallel_loop3A_461 = tpu.vector_load %arg13[%parallel_loop3A_459, %parallel_loop3A_460] {strides = array<i32>} : memref<128x128xf32, #tpu.memory_space<vmem>>, vector<16xf32>,
      %parallel_loop3A_462 = arith.index_cast %parallel_loop3A_393 : i32 to index
      %parallel_loop3A_463 = arith.constant 80 : index
      %parallel_loop3A_464 = tpu.vector_load %arg15[%parallel_loop3A_462, %parallel_loop3A_463] {strides = array<i32>} : memref<128x128xf32, #tpu.memory_space<vmem>>, vector<16xf32>,
      %parallel_loop3A_465 = arith.mulf %parallel_loop3A_397, %parallel_loop3A_461 : vector<16xf32>
      %parallel_loop3A_466 = arith.mulf %parallel_loop3A_398, %parallel_loop3A_464 : vector<16xf32>
      %parallel_loop3A_467 = arith.addf %parallel_loop3A_465, %parallel_loop3A_466 : vector<16xf32>
      %parallel_loop3A_468 = arith.index_cast %parallel_loop3A_393 : i32 to index
      %parallel_loop3A_469 = arith.constant 80 : index
      %parallel_loop3A_470 = tpu.vector_load %arg17[%parallel_loop3A_468, %parallel_loop3A_469] {strides = array<i32>} : memref<128x128xf32, #tpu.memory_space<vmem>>, vector<16xf32>,
      tpu.vector_store %arg17[%parallel_loop3A_468, %parallel_loop3A_469], %parallel_loop3A_467 {strides = array<i32>} : memref<128x128xf32, #tpu.memory_space<vmem>>, vector<16xf32>,
      %parallel_loop3A_471 = arith.index_cast %parallel_loop3A_393 : i32 to index
      %parallel_loop3A_472 = arith.constant 96 : index
      %parallel_loop3A_473 = tpu.vector_load %arg13[%parallel_loop3A_471, %parallel_loop3A_472] {strides = array<i32>} : memref<128x128xf32, #tpu.memory_space<vmem>>, vector<16xf32>,
      %parallel_loop3A_474 = arith.index_cast %parallel_loop3A_393 : i32 to index
      %parallel_loop3A_475 = arith.constant 96 : index
      %parallel_loop3A_476 = tpu.vector_load %arg15[%parallel_loop3A_474, %parallel_loop3A_475] {strides = array<i32>} : memref<128x128xf32, #tpu.memory_space<vmem>>, vector<16xf32>,
      %parallel_loop3A_477 = arith.mulf %parallel_loop3A_397, %parallel_loop3A_473 : vector<16xf32>
      %parallel_loop3A_478 = arith.mulf %parallel_loop3A_398, %parallel_loop3A_476 : vector<16xf32>
      %parallel_loop3A_479 = arith.addf %parallel_loop3A_477, %parallel_loop3A_478 : vector<16xf32>
      %parallel_loop3A_480 = arith.index_cast %parallel_loop3A_393 : i32 to index
      %parallel_loop3A_481 = arith.constant 96 : index
      %parallel_loop3A_482 = tpu.vector_load %arg17[%parallel_loop3A_480, %parallel_loop3A_481] {strides = array<i32>} : memref<128x128xf32, #tpu.memory_space<vmem>>, vector<16xf32>,
      tpu.vector_store %arg17[%parallel_loop3A_480, %parallel_loop3A_481], %parallel_loop3A_479 {strides = array<i32>} : memref<128x128xf32, #tpu.memory_space<vmem>>, vector<16xf32>,
      %parallel_loop3A_483 = arith.index_cast %parallel_loop3A_393 : i32 to index
      %parallel_loop3A_484 = arith.constant 112 : index
      %parallel_loop3A_485 = tpu.vector_load %arg13[%parallel_loop3A_483, %parallel_loop3A_484] {strides = array<i32>} : memref<128x128xf32, #tpu.memory_space<vmem>>, vector<16xf32>,
      %parallel_loop3A_486 = arith.index_cast %parallel_loop3A_393 : i32 to index
      %parallel_loop3A_487 = arith.constant 112 : index
      %parallel_loop3A_488 = tpu.vector_load %arg15[%parallel_loop3A_486, %parallel_loop3A_487] {strides = array<i32>} : memref<128x128xf32, #tpu.memory_space<vmem>>, vector<16xf32>,
      %parallel_loop3A_489 = arith.mulf %parallel_loop3A_397, %parallel_loop3A_485 : vector<16xf32>
      %parallel_loop3A_490 = arith.mulf %parallel_loop3A_398, %parallel_loop3A_488 : vector<16xf32>
      %parallel_loop3A_491 = arith.addf %parallel_loop3A_489, %parallel_loop3A_490 : vector<16xf32>
      %parallel_loop3A_492 = arith.index_cast %parallel_loop3A_393 : i32 to index
      %parallel_loop3A_493 = arith.constant 112 : index
      %parallel_loop3A_494 = tpu.vector_load %arg17[%parallel_loop3A_492, %parallel_loop3A_493] {strides = array<i32>} : memref<128x128xf32, #tpu.memory_space<vmem>>, vector<16xf32>,
      tpu.vector_store %arg17[%parallel_loop3A_492, %parallel_loop3A_493], %parallel_loop3A_491 {strides = array<i32>} : memref<128x128xf32, #tpu.memory_space<vmem>>, vector<16xf32>,
    } {sc.loop_unroll_factor = 4 : i64, sc.parallel_access}
    %add3A_286 = arith.constant 0 : i32
    %add3A_287 = arith.addi %mul3A_2, %add3A_286 : i32
    %dma_start3A_288 = arith.constant 0 : i32
    %dma_start3A_289 = tpu.memref_slice %arg7[%add3A_287, %dma_start3A_288] : memref<16384x128xf32, #tpu.memory_space<hbm>> -> memref<128x128xf32, #tpu.memory_space<hbm>>
    %dma_start3A_290 = arith.constant 0 : i32
    %dma_start3A_291 = tpu.memref_slice %arg7[%add3A_287, %dma_start3A_290] : memref<16384x128xf32, #tpu.memory_space<hbm>> -> memref<128x128xf32, #tpu.memory_space<hbm>>
    tpu.enqueue_dma source(%arg17 : memref<128x128xf32, #tpu.memory_space<vmem>>) target(%dma_start3A_291 : memref<128x128xf32, #tpu.memory_space<hbm>>) target_semaphore(%arg23 : memref<!tpu.dma_semaphore, #tpu.memory_space<semaphore_mem>>)
    %add3A_292 = arith.constant 256 : i32
    %add3A_293 = arith.addi %mul3A_2, %add3A_292 : i32
    %dma_start3A_294 = arith.constant 0 : i32
    %dma_start3A_295 = tpu.memref_slice %arg2[%add3A_293, %dma_start3A_294] : memref<16384x128xf32, #tpu.memory_space<hbm>> -> memref<128x128xf32, #tpu.memory_space<hbm>>
    %dma_start3A_296 = arith.constant 0 : i32
    %dma_start3A_297 = tpu.memref_slice %arg2[%add3A_293, %dma_start3A_296] : memref<16384x128xf32, #tpu.memory_space<hbm>> -> memref<128x128xf32, #tpu.memory_space<hbm>>
    tpu.enqueue_dma source(%dma_start3A_297 : memref<128x128xf32, #tpu.memory_space<hbm>>) target(%arg13 : memref<128x128xf32, #tpu.memory_space<vmem>>) target_semaphore(%arg19 : memref<!tpu.dma_semaphore, #tpu.memory_space<semaphore_mem>>)
    %dma_start3A_298 = arith.constant 0 : i32
    %dma_start3A_299 = tpu.memref_slice %arg4[%add3A_293, %dma_start3A_298] : memref<16384x128xf32, #tpu.memory_space<hbm>> -> memref<128x128xf32, #tpu.memory_space<hbm>>
    %dma_start3A_300 = arith.constant 0 : i32
    %dma_start3A_301 = tpu.memref_slice %arg4[%add3A_293, %dma_start3A_300] : memref<16384x128xf32, #tpu.memory_space<hbm>> -> memref<128x128xf32, #tpu.memory_space<hbm>>
    tpu.enqueue_dma source(%dma_start3A_301 : memref<128x128xf32, #tpu.memory_space<hbm>>) target(%arg15 : memref<128x128xf32, #tpu.memory_space<vmem>>) target_semaphore(%arg21 : memref<!tpu.dma_semaphore, #tpu.memory_space<semaphore_mem>>)
    %add3A_302 = arith.constant 128 : i32
    %add3A_303 = arith.addi %mul3A_2, %add3A_302 : i32
    %dma_wait3A_304 = arith.constant 0 : i32
    %dma_wait3A_305 = tpu.memref_slice %arg2[%add3A_303, %dma_wait3A_304] : memref<16384x128xf32, #tpu.memory_space<hbm>> -> memref<128x128xf32, #tpu.memory_space<hbm>>
    %dma_wait3A_306 = arith.constant 0 : i32
    %dma_wait3A_307 = tpu.memref_slice %arg2[%add3A_303, %dma_wait3A_306] : memref<16384x128xf32, #tpu.memory_space<hbm>> -> memref<128x128xf32, #tpu.memory_space<hbm>>
    tpu.wait_dma2 semaphore(%arg20 : memref<!tpu.dma_semaphore, #tpu.memory_space<semaphore_mem>>) src(%dma_wait3A_307 : memref<128x128xf32, #tpu.memory_space<hbm>>) dst(%arg14 : memref<128x128xf32, #tpu.memory_space<vmem>>)
    %dma_wait3A_308 = arith.constant 0 : i32
    %dma_wait3A_309 = tpu.memref_slice %arg4[%add3A_303, %dma_wait3A_308] : memref<16384x128xf32, #tpu.memory_space<hbm>> -> memref<128x128xf32, #tpu.memory_space<hbm>>
    %dma_wait3A_310 = arith.constant 0 : i32
    %dma_wait3A_311 = tpu.memref_slice %arg4[%add3A_303, %dma_wait3A_310] : memref<16384x128xf32, #tpu.memory_space<hbm>> -> memref<128x128xf32, #tpu.memory_space<hbm>>
    tpu.wait_dma2 semaphore(%arg22 : memref<!tpu.dma_semaphore, #tpu.memory_space<semaphore_mem>>) src(%dma_wait3A_311 : memref<128x128xf32, #tpu.memory_space<hbm>>) dst(%arg16 : memref<128x128xf32, #tpu.memory_space<vmem>>)
    %parallel_loop3A_312 = arith.constant 0 : i32
    %parallel_loop3A_313 = arith.constant 128 : i32
    %parallel_loop3A_314 = arith.constant 1 : i32
    scf.for %parallel_loop3A_393 = %parallel_loop3A_312 to %parallel_loop3A_313 step %parallel_loop3A_314  : i32 {
      %parallel_loop3A_394 = arith.constant 128 : i32
      %parallel_loop3A_395 = arith.addi %parallel_loop3A_394, %parallel_loop3A_393 : i32
      %parallel_loop3A_396 = vector.broadcast %parallel_loop3A_395 : i32 to vector<16xi32>
      %parallel_loop3A_397 = tpu.vector_load_idx %arg11[%parallel_loop3A_396] : memref<512xf32, #tpu.memory_space<vmem>>[vector<16xi32>], vector<16xf32>,
      %parallel_loop3A_398 = tpu.vector_load_idx %arg12[%parallel_loop3A_396] : memref<512xf32, #tpu.memory_space<vmem>>[vector<16xi32>], vector<16xf32>,
      %parallel_loop3A_399 = arith.index_cast %parallel_loop3A_393 : i32 to index
      %parallel_loop3A_400 = arith.constant 0 : index
      %parallel_loop3A_401 = tpu.vector_load %arg14[%parallel_loop3A_399, %parallel_loop3A_400] {strides = array<i32>} : memref<128x128xf32, #tpu.memory_space<vmem>>, vector<16xf32>,
      %parallel_loop3A_402 = arith.index_cast %parallel_loop3A_393 : i32 to index
      %parallel_loop3A_403 = arith.constant 0 : index
      %parallel_loop3A_404 = tpu.vector_load %arg16[%parallel_loop3A_402, %parallel_loop3A_403] {strides = array<i32>} : memref<128x128xf32, #tpu.memory_space<vmem>>, vector<16xf32>,
      %parallel_loop3A_405 = arith.mulf %parallel_loop3A_397, %parallel_loop3A_401 : vector<16xf32>
      %parallel_loop3A_406 = arith.mulf %parallel_loop3A_398, %parallel_loop3A_404 : vector<16xf32>
      %parallel_loop3A_407 = arith.addf %parallel_loop3A_405, %parallel_loop3A_406 : vector<16xf32>
      %parallel_loop3A_408 = arith.index_cast %parallel_loop3A_393 : i32 to index
      %parallel_loop3A_409 = arith.constant 0 : index
      %parallel_loop3A_410 = tpu.vector_load %arg18[%parallel_loop3A_408, %parallel_loop3A_409] {strides = array<i32>} : memref<128x128xf32, #tpu.memory_space<vmem>>, vector<16xf32>,
      tpu.vector_store %arg18[%parallel_loop3A_408, %parallel_loop3A_409], %parallel_loop3A_407 {strides = array<i32>} : memref<128x128xf32, #tpu.memory_space<vmem>>, vector<16xf32>,
      %parallel_loop3A_411 = arith.index_cast %parallel_loop3A_393 : i32 to index
      %parallel_loop3A_412 = arith.constant 16 : index
      %parallel_loop3A_413 = tpu.vector_load %arg14[%parallel_loop3A_411, %parallel_loop3A_412] {strides = array<i32>} : memref<128x128xf32, #tpu.memory_space<vmem>>, vector<16xf32>,
      %parallel_loop3A_414 = arith.index_cast %parallel_loop3A_393 : i32 to index
      %parallel_loop3A_415 = arith.constant 16 : index
      %parallel_loop3A_416 = tpu.vector_load %arg16[%parallel_loop3A_414, %parallel_loop3A_415] {strides = array<i32>} : memref<128x128xf32, #tpu.memory_space<vmem>>, vector<16xf32>,
      %parallel_loop3A_417 = arith.mulf %parallel_loop3A_397, %parallel_loop3A_413 : vector<16xf32>
      %parallel_loop3A_418 = arith.mulf %parallel_loop3A_398, %parallel_loop3A_416 : vector<16xf32>
      %parallel_loop3A_419 = arith.addf %parallel_loop3A_417, %parallel_loop3A_418 : vector<16xf32>
      %parallel_loop3A_420 = arith.index_cast %parallel_loop3A_393 : i32 to index
      %parallel_loop3A_421 = arith.constant 16 : index
      %parallel_loop3A_422 = tpu.vector_load %arg18[%parallel_loop3A_420, %parallel_loop3A_421] {strides = array<i32>} : memref<128x128xf32, #tpu.memory_space<vmem>>, vector<16xf32>,
      tpu.vector_store %arg18[%parallel_loop3A_420, %parallel_loop3A_421], %parallel_loop3A_419 {strides = array<i32>} : memref<128x128xf32, #tpu.memory_space<vmem>>, vector<16xf32>,
      %parallel_loop3A_423 = arith.index_cast %parallel_loop3A_393 : i32 to index
      %parallel_loop3A_424 = arith.constant 32 : index
      %parallel_loop3A_425 = tpu.vector_load %arg14[%parallel_loop3A_423, %parallel_loop3A_424] {strides = array<i32>} : memref<128x128xf32, #tpu.memory_space<vmem>>, vector<16xf32>,
      %parallel_loop3A_426 = arith.index_cast %parallel_loop3A_393 : i32 to index
      %parallel_loop3A_427 = arith.constant 32 : index
      %parallel_loop3A_428 = tpu.vector_load %arg16[%parallel_loop3A_426, %parallel_loop3A_427] {strides = array<i32>} : memref<128x128xf32, #tpu.memory_space<vmem>>, vector<16xf32>,
      %parallel_loop3A_429 = arith.mulf %parallel_loop3A_397, %parallel_loop3A_425 : vector<16xf32>
      %parallel_loop3A_430 = arith.mulf %parallel_loop3A_398, %parallel_loop3A_428 : vector<16xf32>
      %parallel_loop3A_431 = arith.addf %parallel_loop3A_429, %parallel_loop3A_430 : vector<16xf32>
      %parallel_loop3A_432 = arith.index_cast %parallel_loop3A_393 : i32 to index
      %parallel_loop3A_433 = arith.constant 32 : index
      %parallel_loop3A_434 = tpu.vector_load %arg18[%parallel_loop3A_432, %parallel_loop3A_433] {strides = array<i32>} : memref<128x128xf32, #tpu.memory_space<vmem>>, vector<16xf32>,
      tpu.vector_store %arg18[%parallel_loop3A_432, %parallel_loop3A_433], %parallel_loop3A_431 {strides = array<i32>} : memref<128x128xf32, #tpu.memory_space<vmem>>, vector<16xf32>,
      %parallel_loop3A_435 = arith.index_cast %parallel_loop3A_393 : i32 to index
      %parallel_loop3A_436 = arith.constant 48 : index
      %parallel_loop3A_437 = tpu.vector_load %arg14[%parallel_loop3A_435, %parallel_loop3A_436] {strides = array<i32>} : memref<128x128xf32, #tpu.memory_space<vmem>>, vector<16xf32>,
      %parallel_loop3A_438 = arith.index_cast %parallel_loop3A_393 : i32 to index
      %parallel_loop3A_439 = arith.constant 48 : index
      %parallel_loop3A_440 = tpu.vector_load %arg16[%parallel_loop3A_438, %parallel_loop3A_439] {strides = array<i32>} : memref<128x128xf32, #tpu.memory_space<vmem>>, vector<16xf32>,
      %parallel_loop3A_441 = arith.mulf %parallel_loop3A_397, %parallel_loop3A_437 : vector<16xf32>
      %parallel_loop3A_442 = arith.mulf %parallel_loop3A_398, %parallel_loop3A_440 : vector<16xf32>
      %parallel_loop3A_443 = arith.addf %parallel_loop3A_441, %parallel_loop3A_442 : vector<16xf32>
      %parallel_loop3A_444 = arith.index_cast %parallel_loop3A_393 : i32 to index
      %parallel_loop3A_445 = arith.constant 48 : index
      %parallel_loop3A_446 = tpu.vector_load %arg18[%parallel_loop3A_444, %parallel_loop3A_445] {strides = array<i32>} : memref<128x128xf32, #tpu.memory_space<vmem>>, vector<16xf32>,
      tpu.vector_store %arg18[%parallel_loop3A_444, %parallel_loop3A_445], %parallel_loop3A_443 {strides = array<i32>} : memref<128x128xf32, #tpu.memory_space<vmem>>, vector<16xf32>,
      %parallel_loop3A_447 = arith.index_cast %parallel_loop3A_393 : i32 to index
      %parallel_loop3A_448 = arith.constant 64 : index
      %parallel_loop3A_449 = tpu.vector_load %arg14[%parallel_loop3A_447, %parallel_loop3A_448] {strides = array<i32>} : memref<128x128xf32, #tpu.memory_space<vmem>>, vector<16xf32>,
      %parallel_loop3A_450 = arith.index_cast %parallel_loop3A_393 : i32 to index
      %parallel_loop3A_451 = arith.constant 64 : index
      %parallel_loop3A_452 = tpu.vector_load %arg16[%parallel_loop3A_450, %parallel_loop3A_451] {strides = array<i32>} : memref<128x128xf32, #tpu.memory_space<vmem>>, vector<16xf32>,
      %parallel_loop3A_453 = arith.mulf %parallel_loop3A_397, %parallel_loop3A_449 : vector<16xf32>
      %parallel_loop3A_454 = arith.mulf %parallel_loop3A_398, %parallel_loop3A_452 : vector<16xf32>
      %parallel_loop3A_455 = arith.addf %parallel_loop3A_453, %parallel_loop3A_454 : vector<16xf32>
      %parallel_loop3A_456 = arith.index_cast %parallel_loop3A_393 : i32 to index
      %parallel_loop3A_457 = arith.constant 64 : index
      %parallel_loop3A_458 = tpu.vector_load %arg18[%parallel_loop3A_456, %parallel_loop3A_457] {strides = array<i32>} : memref<128x128xf32, #tpu.memory_space<vmem>>, vector<16xf32>,
      tpu.vector_store %arg18[%parallel_loop3A_456, %parallel_loop3A_457], %parallel_loop3A_455 {strides = array<i32>} : memref<128x128xf32, #tpu.memory_space<vmem>>, vector<16xf32>,
      %parallel_loop3A_459 = arith.index_cast %parallel_loop3A_393 : i32 to index
      %parallel_loop3A_460 = arith.constant 80 : index
      %parallel_loop3A_461 = tpu.vector_load %arg14[%parallel_loop3A_459, %parallel_loop3A_460] {strides = array<i32>} : memref<128x128xf32, #tpu.memory_space<vmem>>, vector<16xf32>,
      %parallel_loop3A_462 = arith.index_cast %parallel_loop3A_393 : i32 to index
      %parallel_loop3A_463 = arith.constant 80 : index
      %parallel_loop3A_464 = tpu.vector_load %arg16[%parallel_loop3A_462, %parallel_loop3A_463] {strides = array<i32>} : memref<128x128xf32, #tpu.memory_space<vmem>>, vector<16xf32>,
      %parallel_loop3A_465 = arith.mulf %parallel_loop3A_397, %parallel_loop3A_461 : vector<16xf32>
      %parallel_loop3A_466 = arith.mulf %parallel_loop3A_398, %parallel_loop3A_464 : vector<16xf32>
      %parallel_loop3A_467 = arith.addf %parallel_loop3A_465, %parallel_loop3A_466 : vector<16xf32>
      %parallel_loop3A_468 = arith.index_cast %parallel_loop3A_393 : i32 to index
      %parallel_loop3A_469 = arith.constant 80 : index
      %parallel_loop3A_470 = tpu.vector_load %arg18[%parallel_loop3A_468, %parallel_loop3A_469] {strides = array<i32>} : memref<128x128xf32, #tpu.memory_space<vmem>>, vector<16xf32>,
      tpu.vector_store %arg18[%parallel_loop3A_468, %parallel_loop3A_469], %parallel_loop3A_467 {strides = array<i32>} : memref<128x128xf32, #tpu.memory_space<vmem>>, vector<16xf32>,
      %parallel_loop3A_471 = arith.index_cast %parallel_loop3A_393 : i32 to index
      %parallel_loop3A_472 = arith.constant 96 : index
      %parallel_loop3A_473 = tpu.vector_load %arg14[%parallel_loop3A_471, %parallel_loop3A_472] {strides = array<i32>} : memref<128x128xf32, #tpu.memory_space<vmem>>, vector<16xf32>,
      %parallel_loop3A_474 = arith.index_cast %parallel_loop3A_393 : i32 to index
      %parallel_loop3A_475 = arith.constant 96 : index
      %parallel_loop3A_476 = tpu.vector_load %arg16[%parallel_loop3A_474, %parallel_loop3A_475] {strides = array<i32>} : memref<128x128xf32, #tpu.memory_space<vmem>>, vector<16xf32>,
      %parallel_loop3A_477 = arith.mulf %parallel_loop3A_397, %parallel_loop3A_473 : vector<16xf32>
      %parallel_loop3A_478 = arith.mulf %parallel_loop3A_398, %parallel_loop3A_476 : vector<16xf32>
      %parallel_loop3A_479 = arith.addf %parallel_loop3A_477, %parallel_loop3A_478 : vector<16xf32>
      %parallel_loop3A_480 = arith.index_cast %parallel_loop3A_393 : i32 to index
      %parallel_loop3A_481 = arith.constant 96 : index
      %parallel_loop3A_482 = tpu.vector_load %arg18[%parallel_loop3A_480, %parallel_loop3A_481] {strides = array<i32>} : memref<128x128xf32, #tpu.memory_space<vmem>>, vector<16xf32>,
      tpu.vector_store %arg18[%parallel_loop3A_480, %parallel_loop3A_481], %parallel_loop3A_479 {strides = array<i32>} : memref<128x128xf32, #tpu.memory_space<vmem>>, vector<16xf32>,
      %parallel_loop3A_483 = arith.index_cast %parallel_loop3A_393 : i32 to index
      %parallel_loop3A_484 = arith.constant 112 : index
      %parallel_loop3A_485 = tpu.vector_load %arg14[%parallel_loop3A_483, %parallel_loop3A_484] {strides = array<i32>} : memref<128x128xf32, #tpu.memory_space<vmem>>, vector<16xf32>,
      %parallel_loop3A_486 = arith.index_cast %parallel_loop3A_393 : i32 to index
      %parallel_loop3A_487 = arith.constant 112 : index
      %parallel_loop3A_488 = tpu.vector_load %arg16[%parallel_loop3A_486, %parallel_loop3A_487] {strides = array<i32>} : memref<128x128xf32, #tpu.memory_space<vmem>>, vector<16xf32>,
      %parallel_loop3A_489 = arith.mulf %parallel_loop3A_397, %parallel_loop3A_485 : vector<16xf32>
      %parallel_loop3A_490 = arith.mulf %parallel_loop3A_398, %parallel_loop3A_488 : vector<16xf32>
      %parallel_loop3A_491 = arith.addf %parallel_loop3A_489, %parallel_loop3A_490 : vector<16xf32>
      %parallel_loop3A_492 = arith.index_cast %parallel_loop3A_393 : i32 to index
      %parallel_loop3A_493 = arith.constant 112 : index
      %parallel_loop3A_494 = tpu.vector_load %arg18[%parallel_loop3A_492, %parallel_loop3A_493] {strides = array<i32>} : memref<128x128xf32, #tpu.memory_space<vmem>>, vector<16xf32>,
      tpu.vector_store %arg18[%parallel_loop3A_492, %parallel_loop3A_493], %parallel_loop3A_491 {strides = array<i32>} : memref<128x128xf32, #tpu.memory_space<vmem>>, vector<16xf32>,
    } {sc.loop_unroll_factor = 4 : i64, sc.parallel_access}
    %add3A_315 = arith.constant 128 : i32
    %add3A_316 = arith.addi %mul3A_2, %add3A_315 : i32
    %dma_start3A_317 = arith.constant 0 : i32
    %dma_start3A_318 = tpu.memref_slice %arg7[%add3A_316, %dma_start3A_317] : memref<16384x128xf32, #tpu.memory_space<hbm>> -> memref<128x128xf32, #tpu.memory_space<hbm>>
    %dma_start3A_319 = arith.constant 0 : i32
    %dma_start3A_320 = tpu.memref_slice %arg7[%add3A_316, %dma_start3A_319] : memref<16384x128xf32, #tpu.memory_space<hbm>> -> memref<128x128xf32, #tpu.memory_space<hbm>>
    tpu.enqueue_dma source(%arg18 : memref<128x128xf32, #tpu.memory_space<vmem>>) target(%dma_start3A_320 : memref<128x128xf32, #tpu.memory_space<hbm>>) target_semaphore(%arg24 : memref<!tpu.dma_semaphore, #tpu.memory_space<semaphore_mem>>)
    %add3A_321 = arith.constant 384 : i32
    %add3A_322 = arith.addi %mul3A_2, %add3A_321 : i32
    %dma_start3A_323 = arith.constant 0 : i32
    %dma_start3A_324 = tpu.memref_slice %arg2[%add3A_322, %dma_start3A_323] : memref<16384x128xf32, #tpu.memory_space<hbm>> -> memref<128x128xf32, #tpu.memory_space<hbm>>
    %dma_start3A_325 = arith.constant 0 : i32
    %dma_start3A_326 = tpu.memref_slice %arg2[%add3A_322, %dma_start3A_325] : memref<16384x128xf32, #tpu.memory_space<hbm>> -> memref<128x128xf32, #tpu.memory_space<hbm>>
    tpu.enqueue_dma source(%dma_start3A_326 : memref<128x128xf32, #tpu.memory_space<hbm>>) target(%arg14 : memref<128x128xf32, #tpu.memory_space<vmem>>) target_semaphore(%arg20 : memref<!tpu.dma_semaphore, #tpu.memory_space<semaphore_mem>>)
    %dma_start3A_327 = arith.constant 0 : i32
    %dma_start3A_328 = tpu.memref_slice %arg4[%add3A_322, %dma_start3A_327] : memref<16384x128xf32, #tpu.memory_space<hbm>> -> memref<128x128xf32, #tpu.memory_space<hbm>>
    %dma_start3A_329 = arith.constant 0 : i32
    %dma_start3A_330 = tpu.memref_slice %arg4[%add3A_322, %dma_start3A_329] : memref<16384x128xf32, #tpu.memory_space<hbm>> -> memref<128x128xf32, #tpu.memory_space<hbm>>
    tpu.enqueue_dma source(%dma_start3A_330 : memref<128x128xf32, #tpu.memory_space<hbm>>) target(%arg16 : memref<128x128xf32, #tpu.memory_space<vmem>>) target_semaphore(%arg22 : memref<!tpu.dma_semaphore, #tpu.memory_space<semaphore_mem>>)
    %add3A_331 = arith.constant 256 : i32
    %add3A_332 = arith.addi %mul3A_2, %add3A_331 : i32
    %dma_wait3A_333 = arith.constant 0 : i32
    %dma_wait3A_334 = tpu.memref_slice %arg2[%add3A_332, %dma_wait3A_333] : memref<16384x128xf32, #tpu.memory_space<hbm>> -> memref<128x128xf32, #tpu.memory_space<hbm>>
    %dma_wait3A_335 = arith.constant 0 : i32
    %dma_wait3A_336 = tpu.memref_slice %arg2[%add3A_332, %dma_wait3A_335] : memref<16384x128xf32, #tpu.memory_space<hbm>> -> memref<128x128xf32, #tpu.memory_space<hbm>>
    tpu.wait_dma2 semaphore(%arg19 : memref<!tpu.dma_semaphore, #tpu.memory_space<semaphore_mem>>) src(%dma_wait3A_336 : memref<128x128xf32, #tpu.memory_space<hbm>>) dst(%arg13 : memref<128x128xf32, #tpu.memory_space<vmem>>)
    %dma_wait3A_337 = arith.constant 0 : i32
    %dma_wait3A_338 = tpu.memref_slice %arg4[%add3A_332, %dma_wait3A_337] : memref<16384x128xf32, #tpu.memory_space<hbm>> -> memref<128x128xf32, #tpu.memory_space<hbm>>
    %dma_wait3A_339 = arith.constant 0 : i32
    %dma_wait3A_340 = tpu.memref_slice %arg4[%add3A_332, %dma_wait3A_339] : memref<16384x128xf32, #tpu.memory_space<hbm>> -> memref<128x128xf32, #tpu.memory_space<hbm>>
    tpu.wait_dma2 semaphore(%arg21 : memref<!tpu.dma_semaphore, #tpu.memory_space<semaphore_mem>>) src(%dma_wait3A_340 : memref<128x128xf32, #tpu.memory_space<hbm>>) dst(%arg15 : memref<128x128xf32, #tpu.memory_space<vmem>>)
    %add3A_341 = arith.constant 0 : i32
    %add3A_342 = arith.addi %mul3A_2, %add3A_341 : i32
    %dma_wait3A_343 = arith.constant 0 : i32
    %dma_wait3A_344 = tpu.memref_slice %arg7[%add3A_342, %dma_wait3A_343] : memref<16384x128xf32, #tpu.memory_space<hbm>> -> memref<128x128xf32, #tpu.memory_space<hbm>>
    %dma_wait3A_345 = arith.constant 0 : i32
    %dma_wait3A_346 = tpu.memref_slice %arg7[%add3A_342, %dma_wait3A_345] : memref<16384x128xf32, #tpu.memory_space<hbm>> -> memref<128x128xf32, #tpu.memory_space<hbm>>
    tpu.wait_dma2 semaphore(%arg23 : memref<!tpu.dma_semaphore, #tpu.memory_space<semaphore_mem>>) src(%arg17 : memref<128x128xf32, #tpu.memory_space<vmem>>) dst(%dma_wait3A_346 : memref<128x128xf32, #tpu.memory_space<hbm>>)
    %parallel_loop3A_347 = arith.constant 0 : i32
    %parallel_loop3A_348 = arith.constant 128 : i32
    %parallel_loop3A_349 = arith.constant 1 : i32
    scf.for %parallel_loop3A_393 = %parallel_loop3A_347 to %parallel_loop3A_348 step %parallel_loop3A_349  : i32 {
      %parallel_loop3A_394 = arith.constant 256 : i32
      %parallel_loop3A_395 = arith.addi %parallel_loop3A_394, %parallel_loop3A_393 : i32
      %parallel_loop3A_396 = vector.broadcast %parallel_loop3A_395 : i32 to vector<16xi32>
      %parallel_loop3A_397 = tpu.vector_load_idx %arg11[%parallel_loop3A_396] : memref<512xf32, #tpu.memory_space<vmem>>[vector<16xi32>], vector<16xf32>,
      %parallel_loop3A_398 = tpu.vector_load_idx %arg12[%parallel_loop3A_396] : memref<512xf32, #tpu.memory_space<vmem>>[vector<16xi32>], vector<16xf32>,
      %parallel_loop3A_399 = arith.index_cast %parallel_loop3A_393 : i32 to index
      %parallel_loop3A_400 = arith.constant 0 : index
      %parallel_loop3A_401 = tpu.vector_load %arg13[%parallel_loop3A_399, %parallel_loop3A_400] {strides = array<i32>} : memref<128x128xf32, #tpu.memory_space<vmem>>, vector<16xf32>,
      %parallel_loop3A_402 = arith.index_cast %parallel_loop3A_393 : i32 to index
      %parallel_loop3A_403 = arith.constant 0 : index
      %parallel_loop3A_404 = tpu.vector_load %arg15[%parallel_loop3A_402, %parallel_loop3A_403] {strides = array<i32>} : memref<128x128xf32, #tpu.memory_space<vmem>>, vector<16xf32>,
      %parallel_loop3A_405 = arith.mulf %parallel_loop3A_397, %parallel_loop3A_401 : vector<16xf32>
      %parallel_loop3A_406 = arith.mulf %parallel_loop3A_398, %parallel_loop3A_404 : vector<16xf32>
      %parallel_loop3A_407 = arith.addf %parallel_loop3A_405, %parallel_loop3A_406 : vector<16xf32>
      %parallel_loop3A_408 = arith.index_cast %parallel_loop3A_393 : i32 to index
      %parallel_loop3A_409 = arith.constant 0 : index
      %parallel_loop3A_410 = tpu.vector_load %arg17[%parallel_loop3A_408, %parallel_loop3A_409] {strides = array<i32>} : memref<128x128xf32, #tpu.memory_space<vmem>>, vector<16xf32>,
      tpu.vector_store %arg17[%parallel_loop3A_408, %parallel_loop3A_409], %parallel_loop3A_407 {strides = array<i32>} : memref<128x128xf32, #tpu.memory_space<vmem>>, vector<16xf32>,
      %parallel_loop3A_411 = arith.index_cast %parallel_loop3A_393 : i32 to index
      %parallel_loop3A_412 = arith.constant 16 : index
      %parallel_loop3A_413 = tpu.vector_load %arg13[%parallel_loop3A_411, %parallel_loop3A_412] {strides = array<i32>} : memref<128x128xf32, #tpu.memory_space<vmem>>, vector<16xf32>,
      %parallel_loop3A_414 = arith.index_cast %parallel_loop3A_393 : i32 to index
      %parallel_loop3A_415 = arith.constant 16 : index
      %parallel_loop3A_416 = tpu.vector_load %arg15[%parallel_loop3A_414, %parallel_loop3A_415] {strides = array<i32>} : memref<128x128xf32, #tpu.memory_space<vmem>>, vector<16xf32>,
      %parallel_loop3A_417 = arith.mulf %parallel_loop3A_397, %parallel_loop3A_413 : vector<16xf32>
      %parallel_loop3A_418 = arith.mulf %parallel_loop3A_398, %parallel_loop3A_416 : vector<16xf32>
      %parallel_loop3A_419 = arith.addf %parallel_loop3A_417, %parallel_loop3A_418 : vector<16xf32>
      %parallel_loop3A_420 = arith.index_cast %parallel_loop3A_393 : i32 to index
      %parallel_loop3A_421 = arith.constant 16 : index
      %parallel_loop3A_422 = tpu.vector_load %arg17[%parallel_loop3A_420, %parallel_loop3A_421] {strides = array<i32>} : memref<128x128xf32, #tpu.memory_space<vmem>>, vector<16xf32>,
      tpu.vector_store %arg17[%parallel_loop3A_420, %parallel_loop3A_421], %parallel_loop3A_419 {strides = array<i32>} : memref<128x128xf32, #tpu.memory_space<vmem>>, vector<16xf32>,
      %parallel_loop3A_423 = arith.index_cast %parallel_loop3A_393 : i32 to index
      %parallel_loop3A_424 = arith.constant 32 : index
      %parallel_loop3A_425 = tpu.vector_load %arg13[%parallel_loop3A_423, %parallel_loop3A_424] {strides = array<i32>} : memref<128x128xf32, #tpu.memory_space<vmem>>, vector<16xf32>,
      %parallel_loop3A_426 = arith.index_cast %parallel_loop3A_393 : i32 to index
      %parallel_loop3A_427 = arith.constant 32 : index
      %parallel_loop3A_428 = tpu.vector_load %arg15[%parallel_loop3A_426, %parallel_loop3A_427] {strides = array<i32>} : memref<128x128xf32, #tpu.memory_space<vmem>>, vector<16xf32>,
      %parallel_loop3A_429 = arith.mulf %parallel_loop3A_397, %parallel_loop3A_425 : vector<16xf32>
      %parallel_loop3A_430 = arith.mulf %parallel_loop3A_398, %parallel_loop3A_428 : vector<16xf32>
      %parallel_loop3A_431 = arith.addf %parallel_loop3A_429, %parallel_loop3A_430 : vector<16xf32>
      %parallel_loop3A_432 = arith.index_cast %parallel_loop3A_393 : i32 to index
      %parallel_loop3A_433 = arith.constant 32 : index
      %parallel_loop3A_434 = tpu.vector_load %arg17[%parallel_loop3A_432, %parallel_loop3A_433] {strides = array<i32>} : memref<128x128xf32, #tpu.memory_space<vmem>>, vector<16xf32>,
      tpu.vector_store %arg17[%parallel_loop3A_432, %parallel_loop3A_433], %parallel_loop3A_431 {strides = array<i32>} : memref<128x128xf32, #tpu.memory_space<vmem>>, vector<16xf32>,
      %parallel_loop3A_435 = arith.index_cast %parallel_loop3A_393 : i32 to index
      %parallel_loop3A_436 = arith.constant 48 : index
      %parallel_loop3A_437 = tpu.vector_load %arg13[%parallel_loop3A_435, %parallel_loop3A_436] {strides = array<i32>} : memref<128x128xf32, #tpu.memory_space<vmem>>, vector<16xf32>,
      %parallel_loop3A_438 = arith.index_cast %parallel_loop3A_393 : i32 to index
      %parallel_loop3A_439 = arith.constant 48 : index
      %parallel_loop3A_440 = tpu.vector_load %arg15[%parallel_loop3A_438, %parallel_loop3A_439] {strides = array<i32>} : memref<128x128xf32, #tpu.memory_space<vmem>>, vector<16xf32>,
      %parallel_loop3A_441 = arith.mulf %parallel_loop3A_397, %parallel_loop3A_437 : vector<16xf32>
      %parallel_loop3A_442 = arith.mulf %parallel_loop3A_398, %parallel_loop3A_440 : vector<16xf32>
      %parallel_loop3A_443 = arith.addf %parallel_loop3A_441, %parallel_loop3A_442 : vector<16xf32>
      %parallel_loop3A_444 = arith.index_cast %parallel_loop3A_393 : i32 to index
      %parallel_loop3A_445 = arith.constant 48 : index
      %parallel_loop3A_446 = tpu.vector_load %arg17[%parallel_loop3A_444, %parallel_loop3A_445] {strides = array<i32>} : memref<128x128xf32, #tpu.memory_space<vmem>>, vector<16xf32>,
      tpu.vector_store %arg17[%parallel_loop3A_444, %parallel_loop3A_445], %parallel_loop3A_443 {strides = array<i32>} : memref<128x128xf32, #tpu.memory_space<vmem>>, vector<16xf32>,
      %parallel_loop3A_447 = arith.index_cast %parallel_loop3A_393 : i32 to index
      %parallel_loop3A_448 = arith.constant 64 : index
      %parallel_loop3A_449 = tpu.vector_load %arg13[%parallel_loop3A_447, %parallel_loop3A_448] {strides = array<i32>} : memref<128x128xf32, #tpu.memory_space<vmem>>, vector<16xf32>,
      %parallel_loop3A_450 = arith.index_cast %parallel_loop3A_393 : i32 to index
      %parallel_loop3A_451 = arith.constant 64 : index
      %parallel_loop3A_452 = tpu.vector_load %arg15[%parallel_loop3A_450, %parallel_loop3A_451] {strides = array<i32>} : memref<128x128xf32, #tpu.memory_space<vmem>>, vector<16xf32>,
      %parallel_loop3A_453 = arith.mulf %parallel_loop3A_397, %parallel_loop3A_449 : vector<16xf32>
      %parallel_loop3A_454 = arith.mulf %parallel_loop3A_398, %parallel_loop3A_452 : vector<16xf32>
      %parallel_loop3A_455 = arith.addf %parallel_loop3A_453, %parallel_loop3A_454 : vector<16xf32>
      %parallel_loop3A_456 = arith.index_cast %parallel_loop3A_393 : i32 to index
      %parallel_loop3A_457 = arith.constant 64 : index
      %parallel_loop3A_458 = tpu.vector_load %arg17[%parallel_loop3A_456, %parallel_loop3A_457] {strides = array<i32>} : memref<128x128xf32, #tpu.memory_space<vmem>>, vector<16xf32>,
      tpu.vector_store %arg17[%parallel_loop3A_456, %parallel_loop3A_457], %parallel_loop3A_455 {strides = array<i32>} : memref<128x128xf32, #tpu.memory_space<vmem>>, vector<16xf32>,
      %parallel_loop3A_459 = arith.index_cast %parallel_loop3A_393 : i32 to index
      %parallel_loop3A_460 = arith.constant 80 : index
      %parallel_loop3A_461 = tpu.vector_load %arg13[%parallel_loop3A_459, %parallel_loop3A_460] {strides = array<i32>} : memref<128x128xf32, #tpu.memory_space<vmem>>, vector<16xf32>,
      %parallel_loop3A_462 = arith.index_cast %parallel_loop3A_393 : i32 to index
      %parallel_loop3A_463 = arith.constant 80 : index
      %parallel_loop3A_464 = tpu.vector_load %arg15[%parallel_loop3A_462, %parallel_loop3A_463] {strides = array<i32>} : memref<128x128xf32, #tpu.memory_space<vmem>>, vector<16xf32>,
      %parallel_loop3A_465 = arith.mulf %parallel_loop3A_397, %parallel_loop3A_461 : vector<16xf32>
      %parallel_loop3A_466 = arith.mulf %parallel_loop3A_398, %parallel_loop3A_464 : vector<16xf32>
      %parallel_loop3A_467 = arith.addf %parallel_loop3A_465, %parallel_loop3A_466 : vector<16xf32>
      %parallel_loop3A_468 = arith.index_cast %parallel_loop3A_393 : i32 to index
      %parallel_loop3A_469 = arith.constant 80 : index
      %parallel_loop3A_470 = tpu.vector_load %arg17[%parallel_loop3A_468, %parallel_loop3A_469] {strides = array<i32>} : memref<128x128xf32, #tpu.memory_space<vmem>>, vector<16xf32>,
      tpu.vector_store %arg17[%parallel_loop3A_468, %parallel_loop3A_469], %parallel_loop3A_467 {strides = array<i32>} : memref<128x128xf32, #tpu.memory_space<vmem>>, vector<16xf32>,
      %parallel_loop3A_471 = arith.index_cast %parallel_loop3A_393 : i32 to index
      %parallel_loop3A_472 = arith.constant 96 : index
      %parallel_loop3A_473 = tpu.vector_load %arg13[%parallel_loop3A_471, %parallel_loop3A_472] {strides = array<i32>} : memref<128x128xf32, #tpu.memory_space<vmem>>, vector<16xf32>,
      %parallel_loop3A_474 = arith.index_cast %parallel_loop3A_393 : i32 to index
      %parallel_loop3A_475 = arith.constant 96 : index
      %parallel_loop3A_476 = tpu.vector_load %arg15[%parallel_loop3A_474, %parallel_loop3A_475] {strides = array<i32>} : memref<128x128xf32, #tpu.memory_space<vmem>>, vector<16xf32>,
      %parallel_loop3A_477 = arith.mulf %parallel_loop3A_397, %parallel_loop3A_473 : vector<16xf32>
      %parallel_loop3A_478 = arith.mulf %parallel_loop3A_398, %parallel_loop3A_476 : vector<16xf32>
      %parallel_loop3A_479 = arith.addf %parallel_loop3A_477, %parallel_loop3A_478 : vector<16xf32>
      %parallel_loop3A_480 = arith.index_cast %parallel_loop3A_393 : i32 to index
      %parallel_loop3A_481 = arith.constant 96 : index
      %parallel_loop3A_482 = tpu.vector_load %arg17[%parallel_loop3A_480, %parallel_loop3A_481] {strides = array<i32>} : memref<128x128xf32, #tpu.memory_space<vmem>>, vector<16xf32>,
      tpu.vector_store %arg17[%parallel_loop3A_480, %parallel_loop3A_481], %parallel_loop3A_479 {strides = array<i32>} : memref<128x128xf32, #tpu.memory_space<vmem>>, vector<16xf32>,
      %parallel_loop3A_483 = arith.index_cast %parallel_loop3A_393 : i32 to index
      %parallel_loop3A_484 = arith.constant 112 : index
      %parallel_loop3A_485 = tpu.vector_load %arg13[%parallel_loop3A_483, %parallel_loop3A_484] {strides = array<i32>} : memref<128x128xf32, #tpu.memory_space<vmem>>, vector<16xf32>,
      %parallel_loop3A_486 = arith.index_cast %parallel_loop3A_393 : i32 to index
      %parallel_loop3A_487 = arith.constant 112 : index
      %parallel_loop3A_488 = tpu.vector_load %arg15[%parallel_loop3A_486, %parallel_loop3A_487] {strides = array<i32>} : memref<128x128xf32, #tpu.memory_space<vmem>>, vector<16xf32>,
      %parallel_loop3A_489 = arith.mulf %parallel_loop3A_397, %parallel_loop3A_485 : vector<16xf32>
      %parallel_loop3A_490 = arith.mulf %parallel_loop3A_398, %parallel_loop3A_488 : vector<16xf32>
      %parallel_loop3A_491 = arith.addf %parallel_loop3A_489, %parallel_loop3A_490 : vector<16xf32>
      %parallel_loop3A_492 = arith.index_cast %parallel_loop3A_393 : i32 to index
      %parallel_loop3A_493 = arith.constant 112 : index
      %parallel_loop3A_494 = tpu.vector_load %arg17[%parallel_loop3A_492, %parallel_loop3A_493] {strides = array<i32>} : memref<128x128xf32, #tpu.memory_space<vmem>>, vector<16xf32>,
      tpu.vector_store %arg17[%parallel_loop3A_492, %parallel_loop3A_493], %parallel_loop3A_491 {strides = array<i32>} : memref<128x128xf32, #tpu.memory_space<vmem>>, vector<16xf32>,
    } {sc.loop_unroll_factor = 4 : i64, sc.parallel_access}
    %add3A_350 = arith.constant 256 : i32
    %add3A_351 = arith.addi %mul3A_2, %add3A_350 : i32
    %dma_start3A_352 = arith.constant 0 : i32
    %dma_start3A_353 = tpu.memref_slice %arg7[%add3A_351, %dma_start3A_352] : memref<16384x128xf32, #tpu.memory_space<hbm>> -> memref<128x128xf32, #tpu.memory_space<hbm>>
    %dma_start3A_354 = arith.constant 0 : i32
    %dma_start3A_355 = tpu.memref_slice %arg7[%add3A_351, %dma_start3A_354] : memref<16384x128xf32, #tpu.memory_space<hbm>> -> memref<128x128xf32, #tpu.memory_space<hbm>>
    tpu.enqueue_dma source(%arg17 : memref<128x128xf32, #tpu.memory_space<vmem>>) target(%dma_start3A_355 : memref<128x128xf32, #tpu.memory_space<hbm>>) target_semaphore(%arg23 : memref<!tpu.dma_semaphore, #tpu.memory_space<semaphore_mem>>)
    %add3A_356 = arith.constant 384 : i32
    %add3A_357 = arith.addi %mul3A_2, %add3A_356 : i32
    %dma_wait3A_358 = arith.constant 0 : i32
    %dma_wait3A_359 = tpu.memref_slice %arg2[%add3A_357, %dma_wait3A_358] : memref<16384x128xf32, #tpu.memory_space<hbm>> -> memref<128x128xf32, #tpu.memory_space<hbm>>
    %dma_wait3A_360 = arith.constant 0 : i32
    %dma_wait3A_361 = tpu.memref_slice %arg2[%add3A_357, %dma_wait3A_360] : memref<16384x128xf32, #tpu.memory_space<hbm>> -> memref<128x128xf32, #tpu.memory_space<hbm>>
    tpu.wait_dma2 semaphore(%arg20 : memref<!tpu.dma_semaphore, #tpu.memory_space<semaphore_mem>>) src(%dma_wait3A_361 : memref<128x128xf32, #tpu.memory_space<hbm>>) dst(%arg14 : memref<128x128xf32, #tpu.memory_space<vmem>>)
    %dma_wait3A_362 = arith.constant 0 : i32
    %dma_wait3A_363 = tpu.memref_slice %arg4[%add3A_357, %dma_wait3A_362] : memref<16384x128xf32, #tpu.memory_space<hbm>> -> memref<128x128xf32, #tpu.memory_space<hbm>>
    %dma_wait3A_364 = arith.constant 0 : i32
    %dma_wait3A_365 = tpu.memref_slice %arg4[%add3A_357, %dma_wait3A_364] : memref<16384x128xf32, #tpu.memory_space<hbm>> -> memref<128x128xf32, #tpu.memory_space<hbm>>
    tpu.wait_dma2 semaphore(%arg22 : memref<!tpu.dma_semaphore, #tpu.memory_space<semaphore_mem>>) src(%dma_wait3A_365 : memref<128x128xf32, #tpu.memory_space<hbm>>) dst(%arg16 : memref<128x128xf32, #tpu.memory_space<vmem>>)
    %add3A_366 = arith.constant 128 : i32
    %add3A_367 = arith.addi %mul3A_2, %add3A_366 : i32
    %dma_wait3A_368 = arith.constant 0 : i32
    %dma_wait3A_369 = tpu.memref_slice %arg7[%add3A_367, %dma_wait3A_368] : memref<16384x128xf32, #tpu.memory_space<hbm>> -> memref<128x128xf32, #tpu.memory_space<hbm>>
    %dma_wait3A_370 = arith.constant 0 : i32
    %dma_wait3A_371 = tpu.memref_slice %arg7[%add3A_367, %dma_wait3A_370] : memref<16384x128xf32, #tpu.memory_space<hbm>> -> memref<128x128xf32, #tpu.memory_space<hbm>>
    tpu.wait_dma2 semaphore(%arg24 : memref<!tpu.dma_semaphore, #tpu.memory_space<semaphore_mem>>) src(%arg18 : memref<128x128xf32, #tpu.memory_space<vmem>>) dst(%dma_wait3A_371 : memref<128x128xf32, #tpu.memory_space<hbm>>)
    %parallel_loop3A_372 = arith.constant 0 : i32
    %parallel_loop3A_373 = arith.constant 128 : i32
    %parallel_loop3A_374 = arith.constant 1 : i32
    scf.for %parallel_loop3A_393 = %parallel_loop3A_372 to %parallel_loop3A_373 step %parallel_loop3A_374  : i32 {
      %parallel_loop3A_394 = arith.constant 384 : i32
      %parallel_loop3A_395 = arith.addi %parallel_loop3A_394, %parallel_loop3A_393 : i32
      %parallel_loop3A_396 = vector.broadcast %parallel_loop3A_395 : i32 to vector<16xi32>
      %parallel_loop3A_397 = tpu.vector_load_idx %arg11[%parallel_loop3A_396] : memref<512xf32, #tpu.memory_space<vmem>>[vector<16xi32>], vector<16xf32>,
      %parallel_loop3A_398 = tpu.vector_load_idx %arg12[%parallel_loop3A_396] : memref<512xf32, #tpu.memory_space<vmem>>[vector<16xi32>], vector<16xf32>,
      %parallel_loop3A_399 = arith.index_cast %parallel_loop3A_393 : i32 to index
      %parallel_loop3A_400 = arith.constant 0 : index
      %parallel_loop3A_401 = tpu.vector_load %arg14[%parallel_loop3A_399, %parallel_loop3A_400] {strides = array<i32>} : memref<128x128xf32, #tpu.memory_space<vmem>>, vector<16xf32>,
      %parallel_loop3A_402 = arith.index_cast %parallel_loop3A_393 : i32 to index
      %parallel_loop3A_403 = arith.constant 0 : index
      %parallel_loop3A_404 = tpu.vector_load %arg16[%parallel_loop3A_402, %parallel_loop3A_403] {strides = array<i32>} : memref<128x128xf32, #tpu.memory_space<vmem>>, vector<16xf32>,
      %parallel_loop3A_405 = arith.mulf %parallel_loop3A_397, %parallel_loop3A_401 : vector<16xf32>
      %parallel_loop3A_406 = arith.mulf %parallel_loop3A_398, %parallel_loop3A_404 : vector<16xf32>
      %parallel_loop3A_407 = arith.addf %parallel_loop3A_405, %parallel_loop3A_406 : vector<16xf32>
      %parallel_loop3A_408 = arith.index_cast %parallel_loop3A_393 : i32 to index
      %parallel_loop3A_409 = arith.constant 0 : index
      %parallel_loop3A_410 = tpu.vector_load %arg18[%parallel_loop3A_408, %parallel_loop3A_409] {strides = array<i32>} : memref<128x128xf32, #tpu.memory_space<vmem>>, vector<16xf32>,
      tpu.vector_store %arg18[%parallel_loop3A_408, %parallel_loop3A_409], %parallel_loop3A_407 {strides = array<i32>} : memref<128x128xf32, #tpu.memory_space<vmem>>, vector<16xf32>,
      %parallel_loop3A_411 = arith.index_cast %parallel_loop3A_393 : i32 to index
      %parallel_loop3A_412 = arith.constant 16 : index
      %parallel_loop3A_413 = tpu.vector_load %arg14[%parallel_loop3A_411, %parallel_loop3A_412] {strides = array<i32>} : memref<128x128xf32, #tpu.memory_space<vmem>>, vector<16xf32>,
      %parallel_loop3A_414 = arith.index_cast %parallel_loop3A_393 : i32 to index
      %parallel_loop3A_415 = arith.constant 16 : index
      %parallel_loop3A_416 = tpu.vector_load %arg16[%parallel_loop3A_414, %parallel_loop3A_415] {strides = array<i32>} : memref<128x128xf32, #tpu.memory_space<vmem>>, vector<16xf32>,
      %parallel_loop3A_417 = arith.mulf %parallel_loop3A_397, %parallel_loop3A_413 : vector<16xf32>
      %parallel_loop3A_418 = arith.mulf %parallel_loop3A_398, %parallel_loop3A_416 : vector<16xf32>
      %parallel_loop3A_419 = arith.addf %parallel_loop3A_417, %parallel_loop3A_418 : vector<16xf32>
      %parallel_loop3A_420 = arith.index_cast %parallel_loop3A_393 : i32 to index
      %parallel_loop3A_421 = arith.constant 16 : index
      %parallel_loop3A_422 = tpu.vector_load %arg18[%parallel_loop3A_420, %parallel_loop3A_421] {strides = array<i32>} : memref<128x128xf32, #tpu.memory_space<vmem>>, vector<16xf32>,
      tpu.vector_store %arg18[%parallel_loop3A_420, %parallel_loop3A_421], %parallel_loop3A_419 {strides = array<i32>} : memref<128x128xf32, #tpu.memory_space<vmem>>, vector<16xf32>,
      %parallel_loop3A_423 = arith.index_cast %parallel_loop3A_393 : i32 to index
      %parallel_loop3A_424 = arith.constant 32 : index
      %parallel_loop3A_425 = tpu.vector_load %arg14[%parallel_loop3A_423, %parallel_loop3A_424] {strides = array<i32>} : memref<128x128xf32, #tpu.memory_space<vmem>>, vector<16xf32>,
      %parallel_loop3A_426 = arith.index_cast %parallel_loop3A_393 : i32 to index
      %parallel_loop3A_427 = arith.constant 32 : index
      %parallel_loop3A_428 = tpu.vector_load %arg16[%parallel_loop3A_426, %parallel_loop3A_427] {strides = array<i32>} : memref<128x128xf32, #tpu.memory_space<vmem>>, vector<16xf32>,
      %parallel_loop3A_429 = arith.mulf %parallel_loop3A_397, %parallel_loop3A_425 : vector<16xf32>
      %parallel_loop3A_430 = arith.mulf %parallel_loop3A_398, %parallel_loop3A_428 : vector<16xf32>
      %parallel_loop3A_431 = arith.addf %parallel_loop3A_429, %parallel_loop3A_430 : vector<16xf32>
      %parallel_loop3A_432 = arith.index_cast %parallel_loop3A_393 : i32 to index
      %parallel_loop3A_433 = arith.constant 32 : index
      %parallel_loop3A_434 = tpu.vector_load %arg18[%parallel_loop3A_432, %parallel_loop3A_433] {strides = array<i32>} : memref<128x128xf32, #tpu.memory_space<vmem>>, vector<16xf32>,
      tpu.vector_store %arg18[%parallel_loop3A_432, %parallel_loop3A_433], %parallel_loop3A_431 {strides = array<i32>} : memref<128x128xf32, #tpu.memory_space<vmem>>, vector<16xf32>,
      %parallel_loop3A_435 = arith.index_cast %parallel_loop3A_393 : i32 to index
      %parallel_loop3A_436 = arith.constant 48 : index
      %parallel_loop3A_437 = tpu.vector_load %arg14[%parallel_loop3A_435, %parallel_loop3A_436] {strides = array<i32>} : memref<128x128xf32, #tpu.memory_space<vmem>>, vector<16xf32>,
      %parallel_loop3A_438 = arith.index_cast %parallel_loop3A_393 : i32 to index
      %parallel_loop3A_439 = arith.constant 48 : index
      %parallel_loop3A_440 = tpu.vector_load %arg16[%parallel_loop3A_438, %parallel_loop3A_439] {strides = array<i32>} : memref<128x128xf32, #tpu.memory_space<vmem>>, vector<16xf32>,
      %parallel_loop3A_441 = arith.mulf %parallel_loop3A_397, %parallel_loop3A_437 : vector<16xf32>
      %parallel_loop3A_442 = arith.mulf %parallel_loop3A_398, %parallel_loop3A_440 : vector<16xf32>
      %parallel_loop3A_443 = arith.addf %parallel_loop3A_441, %parallel_loop3A_442 : vector<16xf32>
      %parallel_loop3A_444 = arith.index_cast %parallel_loop3A_393 : i32 to index
      %parallel_loop3A_445 = arith.constant 48 : index
      %parallel_loop3A_446 = tpu.vector_load %arg18[%parallel_loop3A_444, %parallel_loop3A_445] {strides = array<i32>} : memref<128x128xf32, #tpu.memory_space<vmem>>, vector<16xf32>,
      tpu.vector_store %arg18[%parallel_loop3A_444, %parallel_loop3A_445], %parallel_loop3A_443 {strides = array<i32>} : memref<128x128xf32, #tpu.memory_space<vmem>>, vector<16xf32>,
      %parallel_loop3A_447 = arith.index_cast %parallel_loop3A_393 : i32 to index
      %parallel_loop3A_448 = arith.constant 64 : index
      %parallel_loop3A_449 = tpu.vector_load %arg14[%parallel_loop3A_447, %parallel_loop3A_448] {strides = array<i32>} : memref<128x128xf32, #tpu.memory_space<vmem>>, vector<16xf32>,
      %parallel_loop3A_450 = arith.index_cast %parallel_loop3A_393 : i32 to index
      %parallel_loop3A_451 = arith.constant 64 : index
      %parallel_loop3A_452 = tpu.vector_load %arg16[%parallel_loop3A_450, %parallel_loop3A_451] {strides = array<i32>} : memref<128x128xf32, #tpu.memory_space<vmem>>, vector<16xf32>,
      %parallel_loop3A_453 = arith.mulf %parallel_loop3A_397, %parallel_loop3A_449 : vector<16xf32>
      %parallel_loop3A_454 = arith.mulf %parallel_loop3A_398, %parallel_loop3A_452 : vector<16xf32>
      %parallel_loop3A_455 = arith.addf %parallel_loop3A_453, %parallel_loop3A_454 : vector<16xf32>
      %parallel_loop3A_456 = arith.index_cast %parallel_loop3A_393 : i32 to index
      %parallel_loop3A_457 = arith.constant 64 : index
      %parallel_loop3A_458 = tpu.vector_load %arg18[%parallel_loop3A_456, %parallel_loop3A_457] {strides = array<i32>} : memref<128x128xf32, #tpu.memory_space<vmem>>, vector<16xf32>,
      tpu.vector_store %arg18[%parallel_loop3A_456, %parallel_loop3A_457], %parallel_loop3A_455 {strides = array<i32>} : memref<128x128xf32, #tpu.memory_space<vmem>>, vector<16xf32>,
      %parallel_loop3A_459 = arith.index_cast %parallel_loop3A_393 : i32 to index
      %parallel_loop3A_460 = arith.constant 80 : index
      %parallel_loop3A_461 = tpu.vector_load %arg14[%parallel_loop3A_459, %parallel_loop3A_460] {strides = array<i32>} : memref<128x128xf32, #tpu.memory_space<vmem>>, vector<16xf32>,
      %parallel_loop3A_462 = arith.index_cast %parallel_loop3A_393 : i32 to index
      %parallel_loop3A_463 = arith.constant 80 : index
      %parallel_loop3A_464 = tpu.vector_load %arg16[%parallel_loop3A_462, %parallel_loop3A_463] {strides = array<i32>} : memref<128x128xf32, #tpu.memory_space<vmem>>, vector<16xf32>,
      %parallel_loop3A_465 = arith.mulf %parallel_loop3A_397, %parallel_loop3A_461 : vector<16xf32>
      %parallel_loop3A_466 = arith.mulf %parallel_loop3A_398, %parallel_loop3A_464 : vector<16xf32>
      %parallel_loop3A_467 = arith.addf %parallel_loop3A_465, %parallel_loop3A_466 : vector<16xf32>
      %parallel_loop3A_468 = arith.index_cast %parallel_loop3A_393 : i32 to index
      %parallel_loop3A_469 = arith.constant 80 : index
      %parallel_loop3A_470 = tpu.vector_load %arg18[%parallel_loop3A_468, %parallel_loop3A_469] {strides = array<i32>} : memref<128x128xf32, #tpu.memory_space<vmem>>, vector<16xf32>,
      tpu.vector_store %arg18[%parallel_loop3A_468, %parallel_loop3A_469], %parallel_loop3A_467 {strides = array<i32>} : memref<128x128xf32, #tpu.memory_space<vmem>>, vector<16xf32>,
      %parallel_loop3A_471 = arith.index_cast %parallel_loop3A_393 : i32 to index
      %parallel_loop3A_472 = arith.constant 96 : index
      %parallel_loop3A_473 = tpu.vector_load %arg14[%parallel_loop3A_471, %parallel_loop3A_472] {strides = array<i32>} : memref<128x128xf32, #tpu.memory_space<vmem>>, vector<16xf32>,
      %parallel_loop3A_474 = arith.index_cast %parallel_loop3A_393 : i32 to index
      %parallel_loop3A_475 = arith.constant 96 : index
      %parallel_loop3A_476 = tpu.vector_load %arg16[%parallel_loop3A_474, %parallel_loop3A_475] {strides = array<i32>} : memref<128x128xf32, #tpu.memory_space<vmem>>, vector<16xf32>,
      %parallel_loop3A_477 = arith.mulf %parallel_loop3A_397, %parallel_loop3A_473 : vector<16xf32>
      %parallel_loop3A_478 = arith.mulf %parallel_loop3A_398, %parallel_loop3A_476 : vector<16xf32>
      %parallel_loop3A_479 = arith.addf %parallel_loop3A_477, %parallel_loop3A_478 : vector<16xf32>
      %parallel_loop3A_480 = arith.index_cast %parallel_loop3A_393 : i32 to index
      %parallel_loop3A_481 = arith.constant 96 : index
      %parallel_loop3A_482 = tpu.vector_load %arg18[%parallel_loop3A_480, %parallel_loop3A_481] {strides = array<i32>} : memref<128x128xf32, #tpu.memory_space<vmem>>, vector<16xf32>,
      tpu.vector_store %arg18[%parallel_loop3A_480, %parallel_loop3A_481], %parallel_loop3A_479 {strides = array<i32>} : memref<128x128xf32, #tpu.memory_space<vmem>>, vector<16xf32>,
      %parallel_loop3A_483 = arith.index_cast %parallel_loop3A_393 : i32 to index
      %parallel_loop3A_484 = arith.constant 112 : index
      %parallel_loop3A_485 = tpu.vector_load %arg14[%parallel_loop3A_483, %parallel_loop3A_484] {strides = array<i32>} : memref<128x128xf32, #tpu.memory_space<vmem>>, vector<16xf32>,
      %parallel_loop3A_486 = arith.index_cast %parallel_loop3A_393 : i32 to index
      %parallel_loop3A_487 = arith.constant 112 : index
      %parallel_loop3A_488 = tpu.vector_load %arg16[%parallel_loop3A_486, %parallel_loop3A_487] {strides = array<i32>} : memref<128x128xf32, #tpu.memory_space<vmem>>, vector<16xf32>,
      %parallel_loop3A_489 = arith.mulf %parallel_loop3A_397, %parallel_loop3A_485 : vector<16xf32>
      %parallel_loop3A_490 = arith.mulf %parallel_loop3A_398, %parallel_loop3A_488 : vector<16xf32>
      %parallel_loop3A_491 = arith.addf %parallel_loop3A_489, %parallel_loop3A_490 : vector<16xf32>
      %parallel_loop3A_492 = arith.index_cast %parallel_loop3A_393 : i32 to index
      %parallel_loop3A_493 = arith.constant 112 : index
      %parallel_loop3A_494 = tpu.vector_load %arg18[%parallel_loop3A_492, %parallel_loop3A_493] {strides = array<i32>} : memref<128x128xf32, #tpu.memory_space<vmem>>, vector<16xf32>,
      tpu.vector_store %arg18[%parallel_loop3A_492, %parallel_loop3A_493], %parallel_loop3A_491 {strides = array<i32>} : memref<128x128xf32, #tpu.memory_space<vmem>>, vector<16xf32>,
    } {sc.loop_unroll_factor = 4 : i64, sc.parallel_access}
    %add3A_375 = arith.constant 384 : i32
    %add3A_376 = arith.addi %mul3A_2, %add3A_375 : i32
    %dma_start3A_377 = arith.constant 0 : i32
    %dma_start3A_378 = tpu.memref_slice %arg7[%add3A_376, %dma_start3A_377] : memref<16384x128xf32, #tpu.memory_space<hbm>> -> memref<128x128xf32, #tpu.memory_space<hbm>>
    %dma_start3A_379 = arith.constant 0 : i32
    %dma_start3A_380 = tpu.memref_slice %arg7[%add3A_376, %dma_start3A_379] : memref<16384x128xf32, #tpu.memory_space<hbm>> -> memref<128x128xf32, #tpu.memory_space<hbm>>
    tpu.enqueue_dma source(%arg18 : memref<128x128xf32, #tpu.memory_space<vmem>>) target(%dma_start3A_380 : memref<128x128xf32, #tpu.memory_space<hbm>>) target_semaphore(%arg24 : memref<!tpu.dma_semaphore, #tpu.memory_space<semaphore_mem>>)
    %add3A_381 = arith.constant 256 : i32
    %add3A_382 = arith.addi %mul3A_2, %add3A_381 : i32
    %dma_wait3A_383 = arith.constant 0 : i32
    %dma_wait3A_384 = tpu.memref_slice %arg7[%add3A_382, %dma_wait3A_383] : memref<16384x128xf32, #tpu.memory_space<hbm>> -> memref<128x128xf32, #tpu.memory_space<hbm>>
    %dma_wait3A_385 = arith.constant 0 : i32
    %dma_wait3A_386 = tpu.memref_slice %arg7[%add3A_382, %dma_wait3A_385] : memref<16384x128xf32, #tpu.memory_space<hbm>> -> memref<128x128xf32, #tpu.memory_space<hbm>>
    tpu.wait_dma2 semaphore(%arg23 : memref<!tpu.dma_semaphore, #tpu.memory_space<semaphore_mem>>) src(%arg17 : memref<128x128xf32, #tpu.memory_space<vmem>>) dst(%dma_wait3A_386 : memref<128x128xf32, #tpu.memory_space<hbm>>)
    %add3A_387 = arith.constant 384 : i32
    %add3A_388 = arith.addi %mul3A_2, %add3A_387 : i32
    %dma_wait3A_389 = arith.constant 0 : i32
    %dma_wait3A_390 = tpu.memref_slice %arg7[%add3A_388, %dma_wait3A_389] : memref<16384x128xf32, #tpu.memory_space<hbm>> -> memref<128x128xf32, #tpu.memory_space<hbm>>
    %dma_wait3A_391 = arith.constant 0 : i32
    %dma_wait3A_392 = tpu.memref_slice %arg7[%add3A_388, %dma_wait3A_391] : memref<16384x128xf32, #tpu.memory_space<hbm>> -> memref<128x128xf32, #tpu.memory_space<hbm>>
    tpu.wait_dma2 semaphore(%arg24 : memref<!tpu.dma_semaphore, #tpu.memory_space<semaphore_mem>>) src(%arg18 : memref<128x128xf32, #tpu.memory_space<vmem>>) dst(%dma_wait3A_392 : memref<128x128xf32, #tpu.memory_space<hbm>>)
    return
  }
}

</mosaic_0001>

<sc_bundles>
// kernel: kernel.3.cloned.1.call-start
scs
__scs_entry_jumppad:
0x0: {  	(pc) =	sbr.rel $0x88, $3  }
0x1: {  	(tag) =	ssettag $0x0;
	lr =	simm.s32 $0x1  }
0x2: {  	[smem:$0x3F9C] =	sst lr;
	_ =	strace $0xD0000000  }
0x3: {  	_ = 	snop  }
0x4: {  	_ = 	snop  }
0x5: {  	_ = 	snop  }
0x6: {  	_ = 	snop  }
0x7: {  	_ = 	snop  }
__scs_overlays_trampoline_lowered:
0x8: {  	[smem:$0x3FAB] =	sst s0  }
0x9: {  	[smem:$0x3FAC] =	sst s1  }
0xa: {  	[smem:$0x3FAD] =	sst s2  }
0xb: {  	[smem:$0x3FAE] =	sst s3  }
0xc: {  	[smem:$0x3FAF] =	sst s4  }
0xd: {  	[smem:$0x3FB0] =	sst s5  }
0xe: {  	[smem:$0x3FB1] =	sst s6  }
0xf: {  	[smem:$0x3FB2] =	sst s7  }
0x10: {  	[smem:$0x3FB3] =	sst s8  }
0x11: {  	[smem:$0x3FB4] =	sst s9;
	s0 =	simm.s32 @!p0 $0x0  }
0x12: {  	s1 =	sld [smem:$0x3F9A];
	s0 =	simm.s32 @p0 $0x1  }
0x13: {  	[smem:$0x3FB5] =	sst s0;
	s0 =	simm.s32 @!p1 $0x0  }
0x14: {  	s2 =	sld [smem:$0x3F99];
	s0 =	simm.s32 @p1 $0x1  }
0x15: {  	[smem:$0x3FB6] =	sst s0;
	s0 =	simm.s32 @!p2 $0x0  }
0x16: {  	s3 =	sld [smem:$0x3FDB];
	s0 =	simm.s32 @p2 $0x1  }
0x17: {  	s4 =	simm.s32 $0x1BF5;
	[smem:$0x3FB8] =	sst s0  }
0x18: {  	s0 =	sld [smem:$0x3F9B];
	_ =	swait.ge [sflag:s4], $0x0  }
0x19: {  	s7 =	sld [smem:$0x3F9C]  }
0x1a: {  	s8 =	sadd.s32 $0xFFFFE003, lr  }
0x1b: {  	s9 =	sadd.s32 $0xFFFFFEF7, lr;
	s5 =	simm.s32 $0xFFFFFFFF;
	p2 =	slt.u32 s8, $0xFFFFF086  }
0x1c: {  	p1 =	slt.u32 s9, $0xF7A;
	s5 =	simm.s32 @!p2 $0x0  }
0x1d: {  	s5 =	simm.s32 @p1 $0x1;
	p0 =	seq.s32 s7, s2  }
0x1e: {  	s7 =	smul.u32 @!p0 $0xF7A, s2;
	p2 =	seq.s32 @!p0 s5, $0x0  }
0x1f: {  	s9 =	smul.u32 $0xF7A, s1;
	s8 =	simm.s32 @!p0 $0x1BF5;
	p2 =	por !p2, p0  }
0x20: {  	[sflag:s8] =	ssyncset.s32 @!p0 $0xFFFFF086;
	s6 =	sadd.s32 @!p0 s3, s7;
	s7 =	simm.s32 @!p0 $0x108  }
0x21: {  	s3 =	sadd.s32 s3, s9;
	s6 =	sadd.s32 @!p0 $0x88, s6;
	s7 =	simm.s32 @p2 $0x1082  }
0x22: {  	[simem:s7], [sflag:s8] =	dma.local @!p0 [hbm:s6], $0xF7A  }
0x23: {  	s9 =	sor.u32 $0xD0000000, s2;
	s6 =	simm.s32 $0x108;
	_ =	swait.ge @!p0 [sflag:s8], $0x0  }
0x24: {  	s3 =	sadd.s32 $0x88, s3;
	s6 =	simm.s32 @!p1 $0x1082;
	[sflag:s4] =	ssyncset.s32 $0xFFFFF086  }
0x25: {  	[simem:s6], [sflag:s4] =	dma.local [hbm:s3], $0xF7A  }
0x26: {  	[smem:$0x3F9C] =	sst s1;
	(tag) =	ssettag s2;
	_ =	strace s9  }
0x27: {  	s1 =	sld [smem:$0x3FAC]  }
0x28: {  	s2 =	sld [smem:$0x3FAD]  }
0x29: {  	s4 =	sld [smem:$0x3FAF]  }
0x2a: {  	p0 =	seq.s32 s5, $0x0;
	s5 =	sld [smem:$0x3FB0]  }
0x2b: {  	s6 =	sld [smem:$0x3FB1]  }
0x2c: {  	s7 =	sld [smem:$0x3FB2]  }
0x2d: {  	s3 =	simm.s32 $0x108;
	s8 =	sld [smem:$0x3FB3]  }
0x2e: {  	s3 =	simm.s32 @!p0 $0x1082;
	s9 =	sld [smem:$0x3FB4]  }
0x2f: {  	lr =	sadd.s32 s0, s3;
	s0 =	sld [smem:$0x3FAB]  }
0x30: {  	s3 =	sld [smem:$0x3FAE]  }
0x31: {  	[smem:$0x3FB7] =	sst s10  }
0x32: {  	s10 =	sld [smem:$0x3FB5];
	_ =	sdelay $0x3  }
0x33: {  	p0 =	seq.s32 s10, $0x1;
	s10 =	sld [smem:$0x3FB7];
	_ =	sdelay $0x3  }
0x34: {  	[smem:$0x3FB7] =	sst s10  }
0x35: {  	s10 =	sld [smem:$0x3FB6];
	_ =	sdelay $0x3  }
0x36: {  	p1 =	seq.s32 s10, $0x1;
	s10 =	sld [smem:$0x3FB7];
	_ =	sdelay $0x3  }
0x37: {  	[smem:$0x3FB7] =	sst s10  }
0x38: {  	s10 =	sld [smem:$0x3FB8]  }
0x39: {  	_ = 	snop;
	(pc) =	sbr.ind lr, $3  }
0x3a: {  	_ = 	snop  }
0x3b: {  	_ = 	snop  }
0x3c: {  	p2 =	seq.s32 s10, $0x1;
	s10 =	sld [smem:$0x3FB7]  }
0x3d: {  	_ =	shalt  }
0x3e: {  	_ =	shalt  }
0x3f: {  	_ =	shalt  }
0x40: {  	_ =	shalt  }
0x41: {  	_ =	shalt  }
0x42: {  	_ =	shalt  }
0x43: {  	_ =	shalt  }
0x44: {  	_ =	shalt  }
0x45: {  	_ =	shalt  }
0x46: {  	_ =	shalt  }
0x47: {  	_ =	shalt  }
0x48: {  	_ =	shalt  }
0x49: {  	_ =	shalt  }
0x4a: {  	_ =	shalt  }
0x4b: {  	_ =	shalt  }
0x4c: {  	_ =	shalt  }
0x4d: {  	_ =	shalt  }
0x4e: {  	_ =	shalt  }
0x4f: {  	_ =	shalt  }
0x50: {  	_ =	shalt  }
0x51: {  	_ =	shalt  }
0x52: {  	_ =	shalt  }
0x53: {  	_ =	shalt  }
0x54: {  	_ =	shalt  }
0x55: {  	_ =	shalt  }
0x56: {  	_ =	shalt  }
0x57: {  	_ =	shalt  }
0x58: {  	_ =	shalt  }
0x59: {  	_ =	shalt  }
0x5a: {  	_ =	shalt  }
0x5b: {  	_ =	shalt  }
0x5c: {  	_ =	shalt  }
0x5d: {  	_ =	shalt  }
0x5e: {  	_ =	shalt  }
0x5f: {  	_ =	shalt  }
0x60: {  	_ =	shalt  }
0x61: {  	_ =	shalt  }
0x62: {  	_ =	shalt  }
0x63: {  	_ =	shalt  }
0x64: {  	_ =	shalt  }
0x65: {  	_ =	shalt  }
0x66: {  	_ =	shalt  }
0x67: {  	_ =	shalt  }
0x68: {  	_ =	shalt  }
0x69: {  	_ =	shalt  }
0x6a: {  	_ =	shalt  }
0x6b: {  	_ =	shalt  }
0x6c: {  	_ =	shalt  }
0x6d: {  	_ =	shalt  }
0x6e: {  	_ =	shalt  }
0x6f: {  	_ =	shalt  }
0x70: {  	_ =	shalt  }
0x71: {  	_ =	shalt  }
0x72: {  	_ =	shalt  }
0x73: {  	_ =	shalt  }
0x74: {  	_ =	shalt  }
0x75: {  	_ =	shalt  }
0x76: {  	_ =	shalt  }
0x77: {  	_ =	shalt  }
0x78: {  	_ =	shalt  }
0x79: {  	_ =	shalt  }
0x7a: {  	_ =	shalt  }
0x7b: {  	_ =	shalt  }
0x7c: {  	_ =	shalt  }
0x7d: {  	_ =	shalt  }
0x7e: {  	_ =	shalt  }
0x7f: {  	_ =	shalt  }
0x80: {  	_ =	shalt  }
0x81: {  	_ =	shalt  }
0x82: {  	_ =	shalt  }
0x83: {  	_ =	shalt  }
0x84: {  	_ =	shalt  }
0x85: {  	_ =	shalt  }
0x86: {  	_ =	shalt  }
0x87: {  	_ =	shalt  }
.Lfunc_end0:
.L_simem_size_0:
called_computation_lowered:
.L_overlay_start_0:
0x88: {  	s2 =	sld [smem:$0x3FD9]  }
0x89: {  	s3 =	sld [smem:$0x3FFE];
	_ =	sdelay $0x1  }
0x8a: {  	s1 =	srdreg.scid  }
0x8b: {  	s0 =	sand.u32 $0x1, s1  }
0x8c: {  	s18 =	sshll.u32 s0, $0xA;
	s2 =	sadd.s32 s3, s2  }
0x8d: {  	s2 =	sadd.s32 s2, s18  }
0x8e: {  	[smem:$0x3FC3] =	sst s2  }
0x8f: {  	_ = 	snop  }
0x90: {  	s2 =	sld [smem:$0x3FC9]  }
0x91: {  	s19 =	sld [smem:$0x3FC8]  }
0x92: {  	s4 =	sld [smem:$0x3FC7]  }
0x93: {  	s5 =	sld [smem:$0x3FC6]  }
0x94: {  	s6 =	sld [smem:$0x3FC5]  }
0x95: {  	s7 =	sld [smem:$0x3FD0];
	(tm) =	ssettm $0x1  }
0x96: {  	s8 =	sld [smem:$0x3FFB];
	_ =	sdelay $0x3  }
0x97: {  	_ =	strace s8  }
0x98: {  	s8 =	sld [smem:$0x3FFC];
	_ =	sdelay $0x3  }
0x99: {  	_ =	strace s8  }
0x9a: {  	s8 =	sld [smem:$0x3FFD];
	_ =	sdelay $0x3  }
0x9b: {  	_ =	strace s8  }
0x9c: {  	_ =	strace $0x8FFFFFFF  }
0x9d: {  	s20 =	sld [smem:$0x3FDB];
	_ =	sdelay $0x1  }
0x9e: {  	s9 =	simm.s32 $_scs_section_size  }
0x9f: {  	s10 =	simm.s32 $_size__tile_overlayer_lowered;
	s11 =	simm.s32 $_tile_overlayer_lowered  }
0xa0: {  	s23 =	simm.s32 $0x1BFF;
	s22 =	sshll.u32 s11, $0x1;
	s8 =	sadd.s32 s9, s20  }
0xa1: {  	s12 =	simm.s32 $0x0;
	s21 =	sshll.u32 s10, $0x1;
	s10 =	sadd.s32 s22, s8  }
0xa2: {  	[timem:s12], [sflag:s23] =	dma.local [hbm:s10], s21  }
0xa3: {  	_ =	swait.ge [sflag:s23], s21  }
0xa4: {  	s9 =	ssub.s32 $0x0, s21;
	[sflag:s23] =	ssyncset.done $0x0  }
0xa5: {  	[sflag:s23] =	ssyncadd.s32 s9;
	_ =	sdelay $0x1  }
0xa6: {  	s24 =	simm.s32 $0x1B8B  }
0xa7: {  	_ =	swait.ge [sflag:s24], $0x1  }
0xa8: {  	[sflag:s24] =	ssyncset.done $0x0  }
0xa9: {  	s25 =	simm.s32 $0x1B8E;
	[sflag:s24] =	ssyncadd.s32 $0xFFFFFFFF  }
0xaa: {  	s26 =	simm.s32 $execute0_lowered;
	[smem:$0x3FD2] =	sst s25  }
0xab: {  	s9 =	sshll.u32 s26, $0x1;
	_ =	strace $0x80000046;
	[dreg:$0x1] =	wrdreg $0xFFFFFFFF  }
0xac: {  	s28 =	simm.s32 $_size_execute0_lowered;
	s8 =	sadd.s32 s8, s9;
	[dreg:$0x0] =	wrdreg $0x0  }
0xad: {  	s9 =	sshll.u32 s28, $0x1;
	[dreg:$0x2] =	wrdreg s8  }
0xae: {  	[dreg:$0x3] =	wrdreg s9  }
0xaf: {  	[dreg:$0x4] =	wrdreg $0xC0  }
0xb0: {  	_ =	task [dreg:s12], $0x5FFFF  }
0xb1: {  	[dreg:$0x1] =	wrdreg $0xFFFFFFFF  }
0xb2: {  	[dreg:$0x0] =	wrdreg $0x60  }
0xb3: {  	[dreg:$0x2] =	wrdreg s2  }
0xb4: {  	[dreg:$0x3] =	wrdreg s19  }
0xb5: {  	[dreg:$0x4] =	wrdreg s4  }
0xb6: {  	[dreg:$0x5] =	wrdreg s5  }
0xb7: {  	[dreg:$0x6] =	wrdreg s6  }
0xb8: {  	[dreg:$0x7] =	wrdreg s7  }
0xb9: {  	[dreg:$0x8] =	wrdreg $0x9  }
0xba: {  	_ =	task.clear_ibuf [dreg:s12], $0x9FFFF;
	_ =	strace $0x90000046  }
0xbb: {  	s29 =	simm.s32 $0x9;
	_ =	strace $0x80000048  }
0xbc: {  	_ =	swait.ge [sflag:s29], $0x1  }
0xbd: {  	[sflag:s29] =	ssyncadd.s32 $0xFFFFFFFF  }
0xbe: {  	_ =	strace $0x90000048  }
0xbf: {  	_ =	sfence  }
0xc0: {  	s30 =	sld [smem:$0x0];
	_ =	sdelay $0x2  }
0xc1: {  	s31 =	sshll.u32 s1, $0xD;
	s1 =	sshrl.u32 s1, $0x2  }
0xc2: {  	s3 =	sand.u32 $0x4000, s31;
	s1 =	sadd.s32 s1, s30  }
0xc3: {  	s0 =	sor.u32 s3, s0;
	s1 =	sshll.u32 s1, $0x11  }
0xc4: {  	s0 =	sor.u32 s1, s0  }
0xc5: {  	s0 =	sadd.s32 $0x8F2B, s0  }
0xc6: {  	[sflag:s0] =	ssyncadd.remote.s32 $0x1  }
0xc7: {  	_ =	sfence.sel $0xFFFF  }
0xc8: {  	[dreg:$0x0] =	wrdreg $0xFFFFFFFF;
	(pc) =	sbr.abs _section_cstart, $3  }
0xc9: {  	[dreg:$0x1] =	wrdreg $0xFFFFFFFF  }
0xca: {  	_ =	task.clear_ibuf [dreg:s12], $0x2FFFF;
	_ =	strace $0x9FFFFFFF  }
0xcb: {  	(tm) =	ssettm $0x7FFFFFFF  }
tec
execute0_lowered:
.L_overlay_start_1:
0x0: {  	(tag) =	ssettag $0x1  }
0x1: {  	s0 =	rddreg [dreg:$0x0]  }
0x2: {  	s1 =	rddreg [dreg:$0x1]  }
0x3: {  	s2 =	rddreg [dreg:$0x2]  }
0x4: {  	s3 =	rddreg [dreg:$0x5];
	s5 =	srdreg.scid;
	s4 =	simm.s32 $0x0  }
0x5: {  	s7 =	stileid.u32;
	s28 =	simm.s32 $0x3;
	s29 =	simm.s32 $0xA00  }
0x6: {  	s30 =	simm.s32 $0xC00;
	s19 =	simm.s32 $0x6;
	s5 =	sand.u32 $0x1, s5  }
0x7: {  	s7 =	sshll.u32 s7, $0xA;
	s6 =	ssub.s32 $0x2, s5;
	s5 =	sshll.u32 s5, $0x9  }
0x8: {  	s20 =	simm.s32 $0x0;
	[smem:$0x7FF] =	sst s4;
	s5 =	sor.u32 s5, s7  }
0x9: {  	_ =	strace $0x80000047;
	s8 =	sshrl.u32 s6, $0x1;
	s7 =	sshll.u32 s5, $0x4  }
0xa: {  	s6 =	ssub.s32 s6, s8;
	s5 =	sshrl.u32 s5, $0x3;
	s22 =	sadd.s32 s0, s7  }
0xb: {  	s23 =	sadd.s32 s2, s7;
	s13 =	sor.u32 $0x800, s7;
	s9 =	sadd.s32 s1, s5  }
0xc: {  	s10 =	sadd.s32 s3, s7;
	s26 =	sor.u32 $0x1000, s7;
	[dreg:$0x7] =	wrdreg s22  }
0xd: {  	s31 =	sor.u32 $0x1800, s7;
	s18 =	smax.u32 s6, $0x1;
	[dreg:$0x8] =	wrdreg s23  }
0xe: {  	s24 =	sadd.s32 s0, s13;
	s25 =	sadd.s32 s2, s13;
	s11 =	sadd.s32 s0, s26  }
0xf: {  	s12 =	sadd.s32 s2, s26;
	s13 =	sadd.s32 s3, s13;
	s14 =	sadd.s32 s0, s31  }
0x10: {  	s15 =	sadd.s32 s2, s31;
	s16 =	sadd.s32 s3, s26;
	s17 =	sadd.s32 s3, s31  }
0x11: {  	s23 =	simm.s32 $0x7;
	s26 =	simm.s32 $0x1;
	s0 =	simm.s32 $0x2  }
0x12: {  	s3 =	simm.s32 $0x4;
	s2 =	simm.s32 $0x5;
	[dreg:$0x9] =	wrdreg s24  }
0x13: {  	[dreg:$0xa] =	wrdreg s25;
	s24 =	simm.s32 $0x200;
	s25 =	simm.s32 $0x600  }
.LBB2_1:
0x14: {  	s1 =	rddreg [dreg:$0x7];
	s5 =	simm.s32 $0xE00  }
0x15: {  	[tilespmem:s5], [sflag:$0x1] =	stream.linear.gather [hbm4b:s1+s4], $0x4000, $0x38;
	[tilespmem:$0x18E00] =	vst v63  }
0x16: {  	s21 =	rddreg [dreg:$0x8];
	s22 =	simm.s32 $0x8E00  }
0x17: {  	[tilespmem:s22], [sflag:$0x3] =	stream.linear.gather [hbm4b:s21+s4], $0x4000, $0x38;
	[tilespmem:$0x18E00] =	vst v63  }
0x18: {  	s6 =	simm.s32 $0x4E00;
	s5 =	rddreg [dreg:$0x9]  }
0x19: {  	[tilespmem:s6], [sflag:$0x2] =	stream.linear.gather [hbm4b:s5+s4], $0x4000, $0x38;
	[tilespmem:$0x18E00] =	vst v63  }
0x1a: {  	s7 =	rddreg [dreg:$0xa];
	s8 =	simm.s32 $0xCE00  }
0x1b: {  	[tilespmem:s8], [sflag:$0x4] =	stream.linear.gather [hbm4b:s7+s4], $0x4000, $0x38;
	[tilespmem:$0x18E00] =	vst v63  }
0x1c: {  	_ = 	snop  }
0x1d: {  	[tilespmem:s4], [sflag:$0x7] =	stream.linear.gather [hbm4b:s9+s4], $0x200, $0x38;
	[tilespmem:$0x18E00] =	vst v63  }
0x1e: {  	_ =	swait.ge [sflag:s23], $0x200  }
0x1f: {  	[sflag:s23] =	ssyncset.done $0x0  }
0x20: {  	[sflag:s23] =	ssyncadd.s32 $0xFFFFFE00  }
0x21: {  	s21 =	rddreg [dreg:$0x3]  }
0x22: {  	[tilespmem:s24], [sflag:$0x7] =	stream.linear.gather [hbm4b:s21+s4], $0x400, $0x38;
	[tilespmem:$0x18E00] =	vst v63  }
0x23: {  	_ =	swait.ge [sflag:s23], $0x400  }
0x24: {  	[sflag:s23] =	ssyncset.done $0x0  }
0x25: {  	[sflag:s23] =	ssyncadd.s32 $0xFFFFFC00  }
0x26: {  	s22 =	rddreg [dreg:$0x4]  }
0x27: {  	[tilespmem:s25], [sflag:$0x7] =	stream.linear.gather [hbm4b:s22+s4], $0x400, $0x38;
	[tilespmem:$0x18E00] =	vst v63  }
0x28: {  	_ =	swait.ge [sflag:s23], $0x400  }
0x29: {  	[sflag:s23] =	ssyncset.done $0x0  }
0x2a: {  	[sflag:s23] =	ssyncadd.s32 $0xFFFFFC00  }
0x2b: {  	v0 =	vld [tilespmem:$0x0];
	_ =	sdelay $0x7  }
0x2c: {  	v1 =	vld.idx.msk [tilespmem:v0+s24+$0x0], $0xffff;
	_ =	sdelay $0x3  }
0x2d: {  	v2 =	vld [tilespmem:$0x10]  }
0x2e: {  	[tilespmem:$0xA00] =	vst v1  }
0x2f: {  	v0 =	vld.idx.msk [tilespmem:v0+s25+$0x0], $0xffff;
	_ =	sdelay $0x4  }
0x30: {  	[tilespmem:$0xC00] =	vst v0  }
0x31: {  	v0 =	vld.idx.msk [tilespmem:v2+s24+$0x0], $0xffff;
	_ =	sdelay $0x3  }
0x32: {  	v1 =	vld [tilespmem:$0x20]  }
0x33: {  	[tilespmem:$0xA10] =	vst v0  }
0x34: {  	v0 =	vld.idx.msk [tilespmem:v2+s25+$0x0], $0xffff;
	_ =	sdelay $0x4  }
0x35: {  	[tilespmem:$0xC10] =	vst v0  }
0x36: {  	v0 =	vld.idx.msk [tilespmem:v1+s24+$0x0], $0xffff;
	_ =	sdelay $0x3  }
0x37: {  	v2 =	vld [tilespmem:$0x30]  }
0x38: {  	[tilespmem:$0xA20] =	vst v0  }
0x39: {  	v0 =	vld.idx.msk [tilespmem:v1+s25+$0x0], $0xffff;
	_ =	sdelay $0x4  }
0x3a: {  	[tilespmem:$0xC20] =	vst v0  }
0x3b: {  	v0 =	vld.idx.msk [tilespmem:v2+s24+$0x0], $0xffff;
	_ =	sdelay $0x3  }
0x3c: {  	v1 =	vld [tilespmem:$0x40]  }
0x3d: {  	[tilespmem:$0xA30] =	vst v0  }
0x3e: {  	v0 =	vld.idx.msk [tilespmem:v2+s25+$0x0], $0xffff;
	_ =	sdelay $0x4  }
0x3f: {  	[tilespmem:$0xC30] =	vst v0  }
0x40: {  	v0 =	vld.idx.msk [tilespmem:v1+s24+$0x0], $0xffff;
	_ =	sdelay $0x3  }
0x41: {  	v2 =	vld [tilespmem:$0x50]  }
0x42: {  	[tilespmem:$0xA40] =	vst v0  }
0x43: {  	v0 =	vld.idx.msk [tilespmem:v1+s25+$0x0], $0xffff;
	_ =	sdelay $0x4  }
0x44: {  	[tilespmem:$0xC40] =	vst v0  }
0x45: {  	v0 =	vld.idx.msk [tilespmem:v2+s24+$0x0], $0xffff;
	_ =	sdelay $0x3  }
0x46: {  	v1 =	vld [tilespmem:$0x60]  }
0x47: {  	[tilespmem:$0xA50] =	vst v0  }
0x48: {  	v0 =	vld.idx.msk [tilespmem:v2+s25+$0x0], $0xffff;
	_ =	sdelay $0x4  }
0x49: {  	[tilespmem:$0xC50] =	vst v0  }
0x4a: {  	v0 =	vld.idx.msk [tilespmem:v1+s24+$0x0], $0xffff;
	_ =	sdelay $0x3  }
0x4b: {  	v2 =	vld [tilespmem:$0x70]  }
0x4c: {  	[tilespmem:$0xA60] =	vst v0  }
0x4d: {  	v0 =	vld.idx.msk [tilespmem:v1+s25+$0x0], $0xffff;
	_ =	sdelay $0x4  }
0x4e: {  	[tilespmem:$0xC60] =	vst v0  }
0x4f: {  	v0 =	vld.idx.msk [tilespmem:v2+s24+$0x0], $0xffff;
	_ =	sdelay $0x3  }
0x50: {  	v1 =	vld [tilespmem:$0x80]  }
0x51: {  	[tilespmem:$0xA70] =	vst v0  }
0x52: {  	v0 =	vld.idx.msk [tilespmem:v2+s25+$0x0], $0xffff;
	_ =	sdelay $0x4  }
0x53: {  	[tilespmem:$0xC70] =	vst v0  }
0x54: {  	v0 =	vld.idx.msk [tilespmem:v1+s24+$0x0], $0xffff;
	_ =	sdelay $0x3  }
0x55: {  	v2 =	vld [tilespmem:$0x90]  }
0x56: {  	[tilespmem:$0xA80] =	vst v0  }
0x57: {  	v0 =	vld.idx.msk [tilespmem:v1+s25+$0x0], $0xffff;
	_ =	sdelay $0x4  }
0x58: {  	[tilespmem:$0xC80] =	vst v0  }
0x59: {  	v0 =	vld.idx.msk [tilespmem:v2+s24+$0x0], $0xffff;
	_ =	sdelay $0x3  }
0x5a: {  	v1 =	vld [tilespmem:$0xA0]  }
0x5b: {  	[tilespmem:$0xA90] =	vst v0  }
0x5c: {  	v0 =	vld.idx.msk [tilespmem:v2+s25+$0x0], $0xffff;
	_ =	sdelay $0x4  }
0x5d: {  	[tilespmem:$0xC90] =	vst v0  }
0x5e: {  	v0 =	vld.idx.msk [tilespmem:v1+s24+$0x0], $0xffff;
	_ =	sdelay $0x3  }
0x5f: {  	v2 =	vld [tilespmem:$0xB0]  }
0x60: {  	[tilespmem:$0xAA0] =	vst v0  }
0x61: {  	v0 =	vld.idx.msk [tilespmem:v1+s25+$0x0], $0xffff;
	_ =	sdelay $0x4  }
0x62: {  	[tilespmem:$0xCA0] =	vst v0  }
0x63: {  	v0 =	vld.idx.msk [tilespmem:v2+s24+$0x0], $0xffff;
	_ =	sdelay $0x3  }
0x64: {  	v1 =	vld [tilespmem:$0xC0]  }
0x65: {  	[tilespmem:$0xAB0] =	vst v0  }
0x66: {  	v0 =	vld.idx.msk [tilespmem:v2+s25+$0x0], $0xffff;
	_ =	sdelay $0x4  }
0x67: {  	[tilespmem:$0xCB0] =	vst v0  }
0x68: {  	v0 =	vld.idx.msk [tilespmem:v1+s24+$0x0], $0xffff;
	_ =	sdelay $0x3  }
0x69: {  	v2 =	vld [tilespmem:$0xD0]  }
0x6a: {  	[tilespmem:$0xAC0] =	vst v0  }
0x6b: {  	v0 =	vld.idx.msk [tilespmem:v1+s25+$0x0], $0xffff;
	_ =	sdelay $0x4  }
0x6c: {  	[tilespmem:$0xCC0] =	vst v0  }
0x6d: {  	v0 =	vld.idx.msk [tilespmem:v2+s24+$0x0], $0xffff;
	_ =	sdelay $0x3  }
0x6e: {  	v1 =	vld [tilespmem:$0xE0]  }
0x6f: {  	[tilespmem:$0xAD0] =	vst v0  }
0x70: {  	v0 =	vld.idx.msk [tilespmem:v2+s25+$0x0], $0xffff;
	_ =	sdelay $0x4  }
0x71: {  	[tilespmem:$0xCD0] =	vst v0  }
0x72: {  	v0 =	vld.idx.msk [tilespmem:v1+s24+$0x0], $0xffff;
	_ =	sdelay $0x3  }
0x73: {  	v2 =	vld [tilespmem:$0xF0]  }
0x74: {  	[tilespmem:$0xAE0] =	vst v0  }
0x75: {  	v0 =	vld.idx.msk [tilespmem:v1+s25+$0x0], $0xffff;
	_ =	sdelay $0x4  }
0x76: {  	[tilespmem:$0xCE0] =	vst v0  }
0x77: {  	v0 =	vld.idx.msk [tilespmem:v2+s24+$0x0], $0xffff;
	_ =	sdelay $0x3  }
0x78: {  	v1 =	vld [tilespmem:$0x100]  }
0x79: {  	[tilespmem:$0xAF0] =	vst v0  }
0x7a: {  	v0 =	vld.idx.msk [tilespmem:v2+s25+$0x0], $0xffff;
	_ =	sdelay $0x4  }
0x7b: {  	[tilespmem:$0xCF0] =	vst v0  }
0x7c: {  	v0 =	vld.idx.msk [tilespmem:v1+s24+$0x0], $0xffff;
	_ =	sdelay $0x3  }
0x7d: {  	v2 =	vld [tilespmem:$0x110]  }
0x7e: {  	[tilespmem:$0xB00] =	vst v0  }
0x7f: {  	v0 =	vld.idx.msk [tilespmem:v1+s25+$0x0], $0xffff;
	_ =	sdelay $0x4  }
0x80: {  	[tilespmem:$0xD00] =	vst v0  }
0x81: {  	v0 =	vld.idx.msk [tilespmem:v2+s24+$0x0], $0xffff;
	_ =	sdelay $0x3  }
0x82: {  	v1 =	vld [tilespmem:$0x120]  }
0x83: {  	[tilespmem:$0xB10] =	vst v0  }
0x84: {  	v0 =	vld.idx.msk [tilespmem:v2+s25+$0x0], $0xffff;
	_ =	sdelay $0x4  }
0x85: {  	[tilespmem:$0xD10] =	vst v0  }
0x86: {  	v0 =	vld.idx.msk [tilespmem:v1+s24+$0x0], $0xffff;
	_ =	sdelay $0x3  }
0x87: {  	v2 =	vld [tilespmem:$0x130]  }
0x88: {  	[tilespmem:$0xB20] =	vst v0  }
0x89: {  	v0 =	vld.idx.msk [tilespmem:v1+s25+$0x0], $0xffff;
	_ =	sdelay $0x4  }
0x8a: {  	[tilespmem:$0xD20] =	vst v0  }
0x8b: {  	v0 =	vld.idx.msk [tilespmem:v2+s24+$0x0], $0xffff;
	_ =	sdelay $0x3  }
0x8c: {  	v1 =	vld [tilespmem:$0x140]  }
0x8d: {  	[tilespmem:$0xB30] =	vst v0  }
0x8e: {  	v0 =	vld.idx.msk [tilespmem:v2+s25+$0x0], $0xffff;
	_ =	sdelay $0x4  }
0x8f: {  	[tilespmem:$0xD30] =	vst v0  }
0x90: {  	v0 =	vld.idx.msk [tilespmem:v1+s24+$0x0], $0xffff;
	_ =	sdelay $0x3  }
0x91: {  	v2 =	vld [tilespmem:$0x150]  }
0x92: {  	[tilespmem:$0xB40] =	vst v0  }
0x93: {  	v0 =	vld.idx.msk [tilespmem:v1+s25+$0x0], $0xffff;
	_ =	sdelay $0x4  }
0x94: {  	[tilespmem:$0xD40] =	vst v0  }
0x95: {  	v0 =	vld.idx.msk [tilespmem:v2+s24+$0x0], $0xffff;
	_ =	sdelay $0x3  }
0x96: {  	v1 =	vld [tilespmem:$0x160]  }
0x97: {  	[tilespmem:$0xB50] =	vst v0  }
0x98: {  	v0 =	vld.idx.msk [tilespmem:v2+s25+$0x0], $0xffff;
	_ =	sdelay $0x4  }
0x99: {  	[tilespmem:$0xD50] =	vst v0  }
0x9a: {  	v0 =	vld.idx.msk [tilespmem:v1+s24+$0x0], $0xffff;
	_ =	sdelay $0x3  }
0x9b: {  	v2 =	vld [tilespmem:$0x170]  }
0x9c: {  	[tilespmem:$0xB60] =	vst v0  }
0x9d: {  	v0 =	vld.idx.msk [tilespmem:v1+s25+$0x0], $0xffff;
	_ =	sdelay $0x4  }
0x9e: {  	[tilespmem:$0xD60] =	vst v0  }
0x9f: {  	v0 =	vld.idx.msk [tilespmem:v2+s24+$0x0], $0xffff;
	_ =	sdelay $0x3  }
0xa0: {  	v1 =	vld [tilespmem:$0x180]  }
0xa1: {  	[tilespmem:$0xB70] =	vst v0  }
0xa2: {  	v0 =	vld.idx.msk [tilespmem:v2+s25+$0x0], $0xffff;
	_ =	sdelay $0x4  }
0xa3: {  	[tilespmem:$0xD70] =	vst v0  }
0xa4: {  	v0 =	vld.idx.msk [tilespmem:v1+s24+$0x0], $0xffff;
	_ =	sdelay $0x3  }
0xa5: {  	v2 =	vld [tilespmem:$0x190]  }
0xa6: {  	[tilespmem:$0xB80] =	vst v0  }
0xa7: {  	v0 =	vld.idx.msk [tilespmem:v1+s25+$0x0], $0xffff;
	_ =	sdelay $0x4  }
0xa8: {  	[tilespmem:$0xD80] =	vst v0  }
0xa9: {  	v0 =	vld.idx.msk [tilespmem:v2+s24+$0x0], $0xffff;
	_ =	sdelay $0x3  }
0xaa: {  	v1 =	vld [tilespmem:$0x1A0]  }
0xab: {  	[tilespmem:$0xB90] =	vst v0  }
0xac: {  	v0 =	vld.idx.msk [tilespmem:v2+s25+$0x0], $0xffff;
	_ =	sdelay $0x4  }
0xad: {  	[tilespmem:$0xD90] =	vst v0  }
0xae: {  	v0 =	vld.idx.msk [tilespmem:v1+s24+$0x0], $0xffff;
	_ =	sdelay $0x3  }
0xaf: {  	v2 =	vld [tilespmem:$0x1B0]  }
0xb0: {  	[tilespmem:$0xBA0] =	vst v0  }
0xb1: {  	v0 =	vld.idx.msk [tilespmem:v1+s25+$0x0], $0xffff;
	_ =	sdelay $0x4  }
0xb2: {  	[tilespmem:$0xDA0] =	vst v0  }
0xb3: {  	v0 =	vld.idx.msk [tilespmem:v2+s24+$0x0], $0xffff;
	_ =	sdelay $0x3  }
0xb4: {  	v1 =	vld [tilespmem:$0x1C0]  }
0xb5: {  	[tilespmem:$0xBB0] =	vst v0  }
0xb6: {  	v0 =	vld.idx.msk [tilespmem:v2+s25+$0x0], $0xffff;
	_ =	sdelay $0x4  }
0xb7: {  	[tilespmem:$0xDB0] =	vst v0  }
0xb8: {  	v0 =	vld.idx.msk [tilespmem:v1+s24+$0x0], $0xffff;
	_ =	sdelay $0x3  }
0xb9: {  	v2 =	vld [tilespmem:$0x1D0]  }
0xba: {  	[tilespmem:$0xBC0] =	vst v0  }
0xbb: {  	v0 =	vld.idx.msk [tilespmem:v1+s25+$0x0], $0xffff;
	_ =	sdelay $0x4  }
0xbc: {  	[tilespmem:$0xDC0] =	vst v0  }
0xbd: {  	v0 =	vld.idx.msk [tilespmem:v2+s24+$0x0], $0xffff;
	_ =	sdelay $0x3  }
0xbe: {  	v1 =	vld [tilespmem:$0x1E0]  }
0xbf: {  	[tilespmem:$0xBD0] =	vst v0  }
0xc0: {  	v0 =	vld.idx.msk [tilespmem:v2+s25+$0x0], $0xffff;
	_ =	sdelay $0x4  }
0xc1: {  	[tilespmem:$0xDD0] =	vst v0  }
0xc2: {  	v0 =	vld.idx.msk [tilespmem:v1+s24+$0x0], $0xffff;
	_ =	sdelay $0x3  }
0xc3: {  	v2 =	vld [tilespmem:$0x1F0]  }
0xc4: {  	[tilespmem:$0xBE0] =	vst v0  }
0xc5: {  	v0 =	vld.idx.msk [tilespmem:v1+s25+$0x0], $0xffff;
	_ =	sdelay $0x4  }
0xc6: {  	[tilespmem:$0xDE0] =	vst v0  }
0xc7: {  	v0 =	vld.idx.msk [tilespmem:v2+s24+$0x0], $0xffff;
	_ =	sdelay $0x4  }
0xc8: {  	[tilespmem:$0xBF0] =	vst v0  }
0xc9: {  	v0 =	vld.idx.msk [tilespmem:v2+s25+$0x0], $0xffff;
	_ =	sdelay $0x4  }
0xca: {  	[tilespmem:$0xDF0] =	vst v0  }
0xcb: {  	s5 =	simm.s32 $0x3;
	_ =	swait.ge [sflag:s26], $0x4000  }
0xcc: {  	v1 =	vmov s5;
	v0 =	vmov s4;
	[sflag:s26] =	ssyncset.done $0x0  }
0xcd: {  	s6 =	simm.s32 $0x2;
	v0 =	vand.u32 $0xFFFFFFFC, v0;
	[sflag:s26] =	ssyncadd.s32 $0xFFFFC000  }
0xce: {  	v3 =	vbroadcast v0, $0x0;
	v0 =	vmov s6;
	_ =	swait.ge [sflag:s28], $0x4000  }
0xcf: {  	v0 =	vand.u32 $0xFFFFFFFE, v0;
	[sflag:s28] =	ssyncset.done $0x0  }
0xd0: {  	v5 =	vbroadcast v0, $0x0;
	[sflag:s28] =	ssyncadd.s32 $0xFFFFC000  }
0xd1: {  	s21 =	simm.s32 $0xF00;
	v0 =	vld.idx.msk [tilespmem:v1+s29+$0x0], $0xffff  }
0xd2: {  	s7 =	simm.s32 $0x1;
	s6 =	simm.s32 $0x8F00;
	v8 =	vld [tilespmem:s21+$0x0]  }
0xd3: {  	v4 =	vmov s7;
	v9 =	vld [tilespmem:s6+$0x0]  }
0xd4: {  	v4 =	vand.u32 $0xFFFFFFFD, v4;
	v10 =	vld [tilespmem:s21+$0xFFFFFF00]  }
0xd5: {  	v7 =	vbroadcast v4, $0x0;
	v11 =	vld [tilespmem:s6+$0xFFFFFF00]  }
0xd6: {  	v4 =	vld.idx.msk [tilespmem:v5+s29+$0x0], $0xffff  }
0xd7: {  	v5 =	vld.idx.msk [tilespmem:v5+s30+$0x0], $0xffff  }
0xd8: {  	v2 =	vld.idx.msk [tilespmem:v3+s29+$0x0], $0xffff  }
0xd9: {  	v3 =	vld.idx.msk [tilespmem:v3+s30+$0x0], $0xffff  }
0xda: {  	v1 =	vld.idx.msk [tilespmem:v1+s30+$0x0], $0xffff  }
0xdb: {  	v6 =	vld.idx.msk [tilespmem:v7+s29+$0x0], $0xffff  }
0xdc: {  	v7 =	vld.idx.msk [tilespmem:v7+s30+$0x0], $0xffff;
	v8 =	vmul.f32 v8, v4;
	v9 =	vmul.f32 v9, v5  }
0xdd: {  	v12 =	vld [tilespmem:s21+$0xFFFFFF80]  }
0xde: {  	v13 =	vld [tilespmem:s6+$0xFFFFFF80];
	v10 =	vmul.f32 v10, v2;
	v11 =	vmul.f32 v11, v3;
	v8 =	vadd.f32 v9, v8  }
0xdf: {  	s22 =	simm.s32 $0x10F00;
	v14 =	vld [tilespmem:s6+$0x80]  }
0xe0: {  	v10 =	vadd.f32 v11, v10;
	v9 =	vld [tilespmem:s21+$0x80];
	[tilespmem:s22+$0x0] =	vst v8  }
0xe1: {  	v8 =	vld [tilespmem:s21+$0x10]  }
0xe2: {  	v11 =	vmul.f32 v12, v6;
	[tilespmem:s22+$0xFFFFFF00] =	vst v10;
	v12 =	vld [tilespmem:s6+$0x10]  }
0xe3: {  	v10 =	vmul.f32 v13, v7;
	v13 =	vld [tilespmem:s21+$0xFFFFFF10]  }
0xe4: {  	v15 =	vld [tilespmem:s6+$0xFFFFFF10]  }
0xe5: {  	v10 =	vadd.f32 v10, v11;
	v11 =	vmul.f32 v14, v1;
	v9 =	vmul.f32 v9, v0;
	_ =	sdelay $0x1  }
0xe6: {  	[tilespmem:s22+$0xFFFFFF80] =	vst v10;
	v9 =	vadd.f32 v11, v9;
	v8 =	vmul.f32 v8, v4;
	v11 =	vmul.f32 v12, v5  }
0xe7: {  	v12 =	vld [tilespmem:s6+$0xFFFFFF90]  }
0xe8: {  	v10 =	vld [tilespmem:s21+$0xFFFFFF90];
	[tilespmem:s22+$0x80] =	vst v9;
	v9 =	vmul.f32 v13, v2;
	v13 =	vmul.f32 v15, v3;
	v8 =	vadd.f32 v11, v8  }
0xe9: {  	v11 =	vld [tilespmem:s21+$0x90]  }
0xea: {  	v14 =	vld [tilespmem:s6+$0x90];
	v9 =	vadd.f32 v13, v9;
	[tilespmem:s22+$0x10] =	vst v8  }
0xeb: {  	v8 =	vld [tilespmem:s21+$0x20]  }
0xec: {  	[tilespmem:s22+$0xFFFFFF10] =	vst v9;
	v9 =	vmul.f32 v12, v7;
	v12 =	vld [tilespmem:s6+$0x20]  }
0xed: {  	v10 =	vmul.f32 v10, v6;
	v13 =	vld [tilespmem:s21+$0xFFFFFF20]  }
0xee: {  	v15 =	vld [tilespmem:s6+$0xFFFFFF20]  }
0xef: {  	v11 =	vmul.f32 v11, v0;
	v9 =	vadd.f32 v9, v10;
	v10 =	vmul.f32 v14, v1;
	_ =	sdelay $0x1  }
0xf0: {  	[tilespmem:s22+$0xFFFFFF90] =	vst v9;
	v9 =	vadd.f32 v10, v11;
	v8 =	vmul.f32 v8, v4;
	v11 =	vmul.f32 v12, v5  }
0xf1: {  	v12 =	vld [tilespmem:s6+$0xFFFFFFA0]  }
0xf2: {  	v10 =	vld [tilespmem:s21+$0xFFFFFFA0];
	[tilespmem:s22+$0x90] =	vst v9;
	v9 =	vmul.f32 v13, v2;
	v13 =	vmul.f32 v15, v3;
	v8 =	vadd.f32 v11, v8  }
0xf3: {  	v11 =	vld [tilespmem:s21+$0xA0]  }
0xf4: {  	v14 =	vld [tilespmem:s6+$0xA0];
	v9 =	vadd.f32 v13, v9;
	[tilespmem:s22+$0x20] =	vst v8  }
0xf5: {  	v8 =	vld [tilespmem:s21+$0x30]  }
0xf6: {  	[tilespmem:s22+$0xFFFFFF20] =	vst v9;
	v9 =	vmul.f32 v12, v7;
	v12 =	vld [tilespmem:s6+$0x30]  }
0xf7: {  	v10 =	vmul.f32 v10, v6;
	v13 =	vld [tilespmem:s21+$0xFFFFFF30]  }
0xf8: {  	v15 =	vld [tilespmem:s6+$0xFFFFFF30]  }
0xf9: {  	v11 =	vmul.f32 v11, v0;
	v9 =	vadd.f32 v9, v10;
	v10 =	vmul.f32 v14, v1;
	_ =	sdelay $0x1  }
0xfa: {  	[tilespmem:s22+$0xFFFFFFA0] =	vst v9;
	v9 =	vadd.f32 v10, v11;
	v8 =	vmul.f32 v8, v4;
	v11 =	vmul.f32 v12, v5  }
0xfb: {  	v10 =	vld [tilespmem:s21+$0xFFFFFFB0]  }
0xfc: {  	v12 =	vld [tilespmem:s6+$0xFFFFFFB0];
	[tilespmem:s22+$0xA0] =	vst v9;
	v9 =	vmul.f32 v13, v2;
	v13 =	vmul.f32 v15, v3;
	v8 =	vadd.f32 v11, v8  }
0xfd: {  	s8 =	simm.s32 $0x7;
	v11 =	vld [tilespmem:s21+$0xB0]  }
0xfe: {  	v15 =	vmov s8;
	v14 =	vld [tilespmem:s6+$0xB0];
	v9 =	vadd.f32 v13, v9;
	[tilespmem:s22+$0x30] =	vst v8  }
0xff: {  	v13 =	vld [tilespmem:s21+$0x40]  }
0x100: {  	v8 =	vmul.f32 v10, v6;
	[tilespmem:s22+$0xFFFFFF30] =	vst v9;
	v10 =	vld [tilespmem:s6+$0x40]  }
0x101: {  	v9 =	vmul.f32 v12, v7;
	v16 =	vld [tilespmem:s21+$0xFFFFFF40]  }
0x102: {  	v17 =	vld [tilespmem:s6+$0xFFFFFF40]  }
0x103: {  	v11 =	vmul.f32 v11, v0;
	v18 =	vadd.f32 v9, v8;
	v14 =	vmul.f32 v14, v1;
	v9 =	vld.idx.msk [tilespmem:v15+s29+$0x0], $0xffff  }
0x104: {  	v8 =	vld.idx.msk [tilespmem:v15+s30+$0x0], $0xffff  }
0x105: {  	[tilespmem:s22+$0xFFFFFFB0] =	vst v18;
	v11 =	vadd.f32 v14, v11;
	v13 =	vmul.f32 v13, v4;
	v10 =	vmul.f32 v10, v5  }
0x106: {  	s7 =	simm.s32 $0x5;
	v14 =	vld [tilespmem:s21+$0xFFFFFFC0];
	v15 =	vmul.f32 v16, v2  }
0x107: {  	s5 =	simm.s32 $0x4;
	v16 =	vld [tilespmem:s6+$0xFFFFFFC0];
	[tilespmem:s22+$0xB0] =	vst v11;
	v11 =	vmov s7;
	v17 =	vmul.f32 v17, v3;
	v13 =	vadd.f32 v10, v13  }
0x108: {  	v12 =	vmov s5;
	v18 =	vld [tilespmem:s21+$0xC0];
	v11 =	vand.u32 $0xFFFFFFFD, v11  }
0x109: {  	v12 =	vand.u32 $0xFFFFFFFC, v12;
	v19 =	vld [tilespmem:s6+$0xC0];
	v20 =	vbroadcast v11, $0x0;
	v11 =	vadd.f32 v17, v15;
	[tilespmem:s22+$0x40] =	vst v13  }
0x10a: {  	v12 =	vbroadcast v12, $0x0;
	v13 =	vld [tilespmem:s21+$0x50]  }
0x10b: {  	[tilespmem:s22+$0xFFFFFF40] =	vst v11;
	v15 =	vld [tilespmem:s6+$0x50]  }
0x10c: {  	v14 =	vmul.f32 v14, v6;
	v11 =	vmul.f32 v16, v7;
	v16 =	vld [tilespmem:s21+$0xFFFFFF50]  }
0x10d: {  	v17 =	vmul.f32 v18, v0;
	v18 =	vld [tilespmem:s6+$0xFFFFFF50]  }
0x10e: {  	v19 =	vmul.f32 v19, v1;
	v14 =	vadd.f32 v11, v14;
	_ =	sdelay $0x1  }
0x10f: {  	v10 =	vld.idx.msk [tilespmem:v12+s29+$0x0], $0xffff;
	[tilespmem:s22+$0xFFFFFFC0] =	vst v14;
	v14 =	vadd.f32 v19, v17  }
0x110: {  	v11 =	vld.idx.msk [tilespmem:v12+s30+$0x0], $0xffff;
	v13 =	vmul.f32 v13, v4;
	v15 =	vmul.f32 v15, v5  }
0x111: {  	v12 =	vld.idx.msk [tilespmem:v20+s29+$0x0], $0xffff;
	[tilespmem:s22+$0xC0] =	vst v14;
	v14 =	vmul.f32 v16, v2;
	v16 =	vmul.f32 v18, v3  }
0x112: {  	v17 =	vld [tilespmem:s21+$0xFFFFFFD0];
	v15 =	vadd.f32 v15, v13  }
0x113: {  	s8 =	simm.s32 $0x6;
	v19 =	vld [tilespmem:s6+$0xFFFFFFD0];
	v14 =	vadd.f32 v16, v14  }
0x114: {  	v18 =	vld [tilespmem:s21+$0xD0];
	[tilespmem:s22+$0x50] =	vst v15;
	v15 =	vmov s8  }
0x115: {  	v23 =	vld [tilespmem:s6+$0xD0];
	[tilespmem:s22+$0xFFFFFF50] =	vst v14;
	v14 =	vand.u32 $0xFFFFFFFE, v15  }
0x116: {  	v13 =	vld.idx.msk [tilespmem:v20+s30+$0x0], $0xffff;
	v15 =	vbroadcast v14, $0x0  }
0x117: {  	v20 =	vld [tilespmem:s21+$0x60]  }
0x118: {  	v21 =	vld [tilespmem:s6+$0x60];
	v22 =	vmul.f32 v17, v6;
	v19 =	vmul.f32 v19, v7  }
0x119: {  	v16 =	vld [tilespmem:s21+$0xFFFFFF60]  }
0x11a: {  	s1 =	simm.s32 $0x1100;
	v17 =	vld [tilespmem:s6+$0xFFFFFF60];
	v18 =	vmul.f32 v18, v0;
	v22 =	vadd.f32 v19, v22;
	v19 =	vmul.f32 v23, v1  }
0x11b: {  	s31 =	simm.s32 $0x10F00;
	s5 =	simm.s32 $0x8F00;
	s7 =	simm.s32 $0x8;
	v23 =	vld [tilespmem:s1+$0x0]  }
.LBB2_2:
0x11c: {  	p0 =	slt.u32 s7, $0x7C;
	v14 =	vld.idx.msk [tilespmem:v15+s29+$0x0], $0xffff;
	[tilespmem:s22+$0xFFFFFFD0] =	vst v22;
	v18 =	vadd.f32 v19, v18  }
0x11d: {  	v19 =	vmul.f32 v20, v4;
	s6 =	sadd.s32 $0x200, s6;
	v15 =	vld.idx.msk [tilespmem:v15+s30+$0x0], $0xffff;
	v20 =	vmul.f32 v21, v5  }
0x11e: {  	v21 =	vld [tilespmem:s6+$0x0];
	v16 =	vmul.f32 v16, v2;
	[tilespmem:s22+$0xD0] =	vst v18  }
0x11f: {  	v18 =	vld [tilespmem:s1+$0xFFFFFF00];
	v17 =	vmul.f32 v17, v3;
	v19 =	vadd.f32 v20, v19  }
0x120: {  	v20 =	vld [tilespmem:s6+$0xFFFFFF00]  }
0x121: {  	v22 =	vld [tilespmem:s1+$0xFFFFFF80];
	v16 =	vadd.f32 v17, v16;
	[tilespmem:s22+$0x60] =	vst v19  }
0x122: {  	v17 =	vld [tilespmem:s21+$0x70]  }
0x123: {  	v19 =	vmul.f32 v23, v14;
	v21 =	vmul.f32 v21, v15;
	[tilespmem:s22+$0xFFFFFF60] =	vst v16;
	v16 =	vld [tilespmem:s5+$0x70]  }
0x124: {  	v18 =	vmul.f32 v18, v10;
	v23 =	vld [tilespmem:s6+$0xFFFFFF80]  }
0x125: {  	v20 =	vmul.f32 v20, v11;
	v19 =	vadd.f32 v21, v19;
	v21 =	vld [tilespmem:s1+$0x80]  }
0x126: {  	s22 =	sadd.s32 $0x200, s22;
	v22 =	vmul.f32 v22, v12;
	v24 =	vld [tilespmem:s6+$0x80]  }
0x127: {  	v18 =	vadd.f32 v20, v18;
	[tilespmem:s22+$0x0] =	vst v19;
	v19 =	vld [tilespmem:s21+$0xFFFFFFE0]  }
0x128: {  	v17 =	vmul.f32 v17, v4;
	v4 =	vmovc v14;
	v20 =	vld [tilespmem:s1+$0x10];
	v16 =	vmul.f32 v16, v5;
	v5 =	vmov v15  }
0x129: {  	[tilespmem:s22+$0xFFFFFF00] =	vst v18;
	v14 =	vmul.f32 v23, v13;
	v15 =	vld [tilespmem:s6+$0x10]  }
0x12a: {  	v18 =	vld [tilespmem:s1+$0xFFFFFF10];
	v21 =	vmul.f32 v21, v9;
	v16 =	vadd.f32 v16, v17  }
0x12b: {  	v17 =	vld [tilespmem:s6+$0xFFFFFF10];
	v14 =	vadd.f32 v14, v22;
	v22 =	vmul.f32 v24, v8  }
0x12c: {  	v23 =	vld [tilespmem:s5+$0xFFFFFFE0];
	v19 =	vmul.f32 v19, v6;
	[tilespmem:s31+$0x70] =	vst v16  }
0x12d: {  	[tilespmem:s22+$0xFFFFFF80] =	vst v14;
	v14 =	vadd.f32 v22, v21;
	v16 =	vld [tilespmem:s21+$0xE0]  }
0x12e: {  	v20 =	vmul.f32 v20, v4;
	v21 =	vld [tilespmem:s1+$0xFFFFFF90];
	v15 =	vmul.f32 v15, v5  }
0x12f: {  	v18 =	vmul.f32 v18, v10;
	v22 =	vld [tilespmem:s6+$0xFFFFFF90];
	[tilespmem:s22+$0x80] =	vst v14  }
0x130: {  	v14 =	vmul.f32 v17, v11;
	v15 =	vadd.f32 v15, v20;
	v17 =	vld [tilespmem:s1+$0x90]  }
0x131: {  	v20 =	vld [tilespmem:s6+$0x90];
	v23 =	vmul.f32 v23, v7  }
0x132: {  	v14 =	vadd.f32 v14, v18;
	[tilespmem:s22+$0x10] =	vst v15;
	v15 =	vld [tilespmem:s5+$0xE0];
	v16 =	vmul.f32 v16, v0  }
0x133: {  	v18 =	vmul.f32 v21, v12;
	v21 =	vld [tilespmem:s1+$0x20];
	v19 =	vadd.f32 v23, v19  }
0x134: {  	[tilespmem:s22+$0xFFFFFF10] =	vst v14;
	v14 =	vmul.f32 v22, v13;
	v22 =	vld [tilespmem:s6+$0x20]  }
0x135: {  	v23 =	vld [tilespmem:s1+$0xFFFFFF20];
	v17 =	vmul.f32 v17, v9;
	[tilespmem:s31+$0xFFFFFFE0] =	vst v19  }
0x136: {  	v19 =	vld [tilespmem:s6+$0xFFFFFF20];
	v14 =	vadd.f32 v14, v18;
	v18 =	vmul.f32 v20, v8  }
0x137: {  	v20 =	vld [tilespmem:s21+$0xFFFFFFF0];
	v15 =	vmul.f32 v15, v1  }
0x138: {  	[tilespmem:s22+$0xFFFFFF90] =	vst v14;
	v14 =	vadd.f32 v18, v17;
	v17 =	vld [tilespmem:s5+$0xFFFFFFF0]  }
0x139: {  	v21 =	vmul.f32 v21, v4;
	v18 =	vld [tilespmem:s1+$0xFFFFFFA0];
	v22 =	vmul.f32 v22, v5;
	v15 =	vadd.f32 v15, v16  }
0x13a: {  	v16 =	vmul.f32 v23, v10;
	v23 =	vld [tilespmem:s6+$0xFFFFFFA0];
	[tilespmem:s22+$0x90] =	vst v14  }
0x13b: {  	v14 =	vmul.f32 v19, v11;
	v19 =	vadd.f32 v22, v21;
	v21 =	vld [tilespmem:s1+$0xA0];
	[tilespmem:s31+$0xE0] =	vst v15  }
0x13c: {  	v15 =	vld [tilespmem:s6+$0xA0];
	v20 =	vmul.f32 v20, v6;
	v6 =	vmov v12  }
0x13d: {  	v12 =	vadd.f32 v14, v16;
	[tilespmem:s22+$0x20] =	vst v19;
	v14 =	vld [tilespmem:s21+$0xFFFFFF70];
	v16 =	vmul.f32 v17, v7;
	v7 =	vmov v13  }
0x13e: {  	v13 =	vmul.f32 v18, v6;
	v17 =	vld [tilespmem:s1+$0x30]  }
0x13f: {  	[tilespmem:s22+$0xFFFFFF20] =	vst v12;
	v12 =	vmul.f32 v23, v7;
	v18 =	vld [tilespmem:s6+$0x30];
	v16 =	vadd.f32 v16, v20  }
0x140: {  	v19 =	vld [tilespmem:s1+$0xFFFFFF30];
	v20 =	vmul.f32 v21, v9  }
0x141: {  	v21 =	vld [tilespmem:s6+$0xFFFFFF30];
	v12 =	vadd.f32 v12, v13;
	v13 =	vmul.f32 v15, v8;
	[tilespmem:s31+$0xFFFFFFF0] =	vst v16  }
0x142: {  	v15 =	vld [tilespmem:s5+$0xFFFFFF70];
	v14 =	vmul.f32 v14, v2;
	v2 =	vmov v10  }
0x143: {  	[tilespmem:s22+$0xFFFFFFA0] =	vst v12;
	v10 =	vadd.f32 v13, v20;
	v12 =	vld [tilespmem:s21+$0xF0];
	s21 =	smov.u32 s1  }
0x144: {  	v16 =	vmul.f32 v17, v4;
	v13 =	vld [tilespmem:s1+$0xFFFFFFB0];
	v17 =	vmul.f32 v18, v5  }
0x145: {  	v18 =	vmul.f32 v19, v2;
	v19 =	vld [tilespmem:s6+$0xFFFFFFB0];
	[tilespmem:s22+$0xA0] =	vst v10  }
0x146: {  	v10 =	vmul.f32 v21, v11;
	v16 =	vadd.f32 v17, v16;
	v17 =	vld [tilespmem:s1+$0xB0]  }
0x147: {  	s8 =	sadd.s32 $0x3, s7;
	v20 =	vld [tilespmem:s6+$0xB0];
	v15 =	vmul.f32 v15, v3;
	v3 =	vmov v11  }
0x148: {  	v11 =	vmov s8;
	v10 =	vadd.f32 v10, v18;
	[tilespmem:s22+$0x30] =	vst v16;
	v16 =	vld [tilespmem:s5+$0xF0];
	v12 =	vmul.f32 v12, v0;
	v0 =	vmovc v9;
	s5 =	smov.u32 s6  }
0x149: {  	v9 =	vmul.f32 v13, v6;
	v13 =	vld [tilespmem:s1+$0x40];
	v14 =	vadd.f32 v15, v14  }
0x14a: {  	[tilespmem:s22+$0xFFFFFF30] =	vst v10;
	v10 =	vmul.f32 v19, v7;
	v15 =	vld [tilespmem:s6+$0x40]  }
0x14b: {  	v18 =	vmov s7;
	v19 =	vld [tilespmem:s1+$0xFFFFFF40];
	v17 =	vmul.f32 v17, v0;
	[tilespmem:s31+$0xFFFFFF70] =	vst v14  }
0x14c: {  	v14 =	vand.u32 $0xFFFFFFFC, v18;
	v18 =	vld [tilespmem:s6+$0xFFFFFF40];
	v10 =	vadd.f32 v10, v9;
	v20 =	vmul.f32 v20, v8  }
0x14d: {  	v14 =	vbroadcast v14, $0x0;
	v9 =	vld.idx.msk [tilespmem:v11+s29+$0x0], $0xffff;
	v16 =	vmul.f32 v16, v1;
	v1 =	vmov v8  }
0x14e: {  	v8 =	vld.idx.msk [tilespmem:v11+s30+$0x0], $0xffff;
	[tilespmem:s22+$0xFFFFFFB0] =	vst v10;
	v10 =	vadd.f32 v20, v17  }
0x14f: {  	v13 =	vmul.f32 v13, v4;
	v11 =	vld [tilespmem:s1+$0xFFFFFFC0];
	v15 =	vmul.f32 v15, v5;
	v12 =	vadd.f32 v16, v12  }
0x150: {  	s8 =	sadd.s32 $0x1, s7;
	v16 =	vmul.f32 v19, v2;
	v17 =	vld [tilespmem:s6+$0xFFFFFFC0];
	[tilespmem:s22+$0xB0] =	vst v10  }
0x151: {  	v10 =	vmov s8;
	v18 =	vmul.f32 v18, v3;
	v13 =	vadd.f32 v15, v13;
	v15 =	vld [tilespmem:s1+$0xC0];
	[tilespmem:s31+$0xF0] =	vst v12;
	s31 =	smov.u32 s22  }
0x152: {  	v12 =	vand.u32 $0xFFFFFFFD, v10;
	v19 =	vld [tilespmem:s6+$0xC0]  }
0x153: {  	v20 =	vbroadcast v12, $0x0;
	v10 =	vld.idx.msk [tilespmem:v14+s29+$0x0], $0xffff;
	v12 =	vadd.f32 v18, v16;
	[tilespmem:s22+$0x40] =	vst v13  }
0x154: {  	v11 =	vmul.f32 v11, v6;
	v13 =	vld [tilespmem:s1+$0x50]  }
0x155: {  	[tilespmem:s22+$0xFFFFFF40] =	vst v12;
	v12 =	vmul.f32 v17, v7;
	v16 =	vld [tilespmem:s6+$0x50]  }
0x156: {  	v17 =	vld [tilespmem:s1+$0xFFFFFF50];
	v15 =	vmul.f32 v15, v0  }
0x157: {  	v18 =	vld [tilespmem:s6+$0xFFFFFF50];
	v21 =	vadd.f32 v12, v11;
	v19 =	vmul.f32 v19, v1  }
0x158: {  	v11 =	vld.idx.msk [tilespmem:v14+s30+$0x0], $0xffff  }
0x159: {  	v12 =	vld.idx.msk [tilespmem:v20+s29+$0x0], $0xffff;
	[tilespmem:s22+$0xFFFFFFC0] =	vst v21;
	v14 =	vadd.f32 v19, v15  }
0x15a: {  	v13 =	vmul.f32 v13, v4;
	v19 =	vld [tilespmem:s1+$0xFFFFFFD0];
	v15 =	vmul.f32 v16, v5  }
0x15b: {  	s8 =	sadd.s32 $0x2, s7;
	v16 =	vmul.f32 v17, v2;
	v17 =	vld [tilespmem:s6+$0xFFFFFFD0];
	[tilespmem:s22+$0xC0] =	vst v14  }
0x15c: {  	v14 =	vmov s8;
	v18 =	vmul.f32 v18, v3;
	v21 =	vadd.f32 v15, v13;
	v22 =	vld [tilespmem:s1+$0xD0]  }
0x15d: {  	v14 =	vand.u32 $0xFFFFFFFE, v14;
	v23 =	vld [tilespmem:s6+$0xD0]  }
0x15e: {  	v15 =	vbroadcast v14, $0x0;
	v13 =	vld.idx.msk [tilespmem:v20+s30+$0x0], $0xffff;
	v14 =	vadd.f32 v18, v16;
	[tilespmem:s22+$0x50] =	vst v21  }
.Ltmp0:
0x15f: {  	v19 =	vmul.f32 v19, v6;
	v20 =	vld [tilespmem:s1+$0x60];
	(pc) =	sbr.rel @p0 .LBB2_2-.Ltmp0, $4  }
0x160: {  	[tilespmem:s22+$0xFFFFFF50] =	vst v14;
	v14 =	vmul.f32 v17, v7;
	v21 =	vld [tilespmem:s6+$0x60]  }
0x161: {  	v16 =	vld [tilespmem:s1+$0xFFFFFF60];
	v18 =	vmul.f32 v22, v0  }
0x162: {  	s1 =	sadd.s32 $0x200, s1;
	v17 =	vld [tilespmem:s6+$0xFFFFFF60];
	v22 =	vadd.f32 v14, v19;
	v19 =	vmul.f32 v23, v1  }
0x163: {  	s7 =	sadd.s32 $0x4, s7;
	v23 =	vld [tilespmem:s1+$0x0]  }
0x164: {  	_ =	sdelay $0x3  }
0x165: {  	v14 =	vld.idx.msk [tilespmem:v15+s29+$0x0], $0xffff  }
0x166: {  	v15 =	vld.idx.msk [tilespmem:v15+s30+$0x0], $0xffff;
	s7 =	sadd.s32 $0x200, s6  }
0x167: {  	v24 =	vld [tilespmem:s7+$0x0]  }
0x168: {  	v27 =	vld [tilespmem:s1+$0xFFFFFF00]  }
0x169: {  	v28 =	vld [tilespmem:s7+$0xFFFFFF00]  }
0x16a: {  	v25 =	vld [tilespmem:s1+$0xFFFFFF80]  }
0x16b: {  	v26 =	vld [tilespmem:s7+$0xFFFFFF80]  }
0x16c: {  	v23 =	vmul.f32 v23, v14;
	v24 =	vmul.f32 v24, v15  }
0x16d: {  	v29 =	vld [tilespmem:s1+$0x80]  }
0x16e: {  	v30 =	vld [tilespmem:s7+$0x80];
	v52 =	vmul.f32 v27, v10;
	v53 =	vmul.f32 v28, v11;
	v23 =	vadd.f32 v24, v23  }
0x16f: {  	s8 =	sadd.s32 $0x200, s22  }
0x170: {  	v50 =	vmul.f32 v25, v12;
	v51 =	vmul.f32 v26, v13;
	v56 =	vadd.f32 v53, v52;
	[tilespmem:s8+$0x0] =	vst v23  }
0x171: {  	v55 =	vld [tilespmem:s1+$0x10]  }
0x172: {  	v54 =	vadd.f32 v51, v50;
	[tilespmem:s8+$0xFFFFFF00] =	vst v56;
	v57 =	vld [tilespmem:s7+$0x10]  }
0x173: {  	v58 =	vmul.f32 v29, v9;
	v59 =	vmul.f32 v30, v8;
	v62 =	vld [tilespmem:s1+$0xFFFFFF10]  }
0x174: {  	[tilespmem:s8+$0xFFFFFF80] =	vst v54;
	v63 =	vld [tilespmem:s7+$0xFFFFFF10]  }
0x175: {  	v60 =	vadd.f32 v59, v58;
	v23 =	vld [tilespmem:s1+$0xFFFFFF90]  }
0x176: {  	v61 =	vld [tilespmem:s7+$0xFFFFFF90]  }
0x177: {  	[tilespmem:s8+$0x80] =	vst v60;
	v24 =	vmul.f32 v55, v14;
	v33 =	vmul.f32 v57, v15  }
0x178: {  	v34 =	vld [tilespmem:s1+$0x90]  }
0x179: {  	v35 =	vld [tilespmem:s7+$0x90];
	v37 =	vmul.f32 v62, v10;
	v38 =	vmul.f32 v63, v11;
	v24 =	vadd.f32 v33, v24;
	_ =	sdelay $0x1  }
0x17a: {  	v23 =	vmul.f32 v23, v12;
	v36 =	vmul.f32 v61, v13;
	v39 =	vadd.f32 v38, v37;
	[tilespmem:s8+$0x10] =	vst v24  }
0x17b: {  	v24 =	vld [tilespmem:s1+$0x20]  }
0x17c: {  	v23 =	vadd.f32 v36, v23;
	[tilespmem:s8+$0xFFFFFF10] =	vst v39;
	v40 =	vld [tilespmem:s7+$0x20]  }
0x17d: {  	v26 =	vmul.f32 v34, v9;
	v41 =	vmul.f32 v35, v8;
	v44 =	vld [tilespmem:s1+$0xFFFFFF20]  }
0x17e: {  	[tilespmem:s8+$0xFFFFFF90] =	vst v23;
	v45 =	vld [tilespmem:s7+$0xFFFFFF20]  }
0x17f: {  	v42 =	vadd.f32 v41, v26;
	v23 =	vld [tilespmem:s1+$0xFFFFFFA0]  }
0x180: {  	v43 =	vld [tilespmem:s7+$0xFFFFFFA0]  }
0x181: {  	[tilespmem:s8+$0x90] =	vst v42;
	v24 =	vmul.f32 v24, v14;
	v46 =	vmul.f32 v40, v15  }
0x182: {  	v47 =	vld [tilespmem:s1+$0xA0]  }
0x183: {  	v48 =	vld [tilespmem:s7+$0xA0];
	v50 =	vmul.f32 v44, v10;
	v51 =	vmul.f32 v45, v11;
	v24 =	vadd.f32 v46, v24;
	_ =	sdelay $0x1  }
0x184: {  	v23 =	vmul.f32 v23, v12;
	v49 =	vmul.f32 v43, v13;
	v52 =	vadd.f32 v51, v50;
	[tilespmem:s8+$0x20] =	vst v24  }
0x185: {  	v24 =	vld [tilespmem:s1+$0x30]  }
0x186: {  	v23 =	vadd.f32 v49, v23;
	[tilespmem:s8+$0xFFFFFF20] =	vst v52;
	v53 =	vld [tilespmem:s7+$0x30]  }
0x187: {  	v27 =	vmul.f32 v47, v9;
	v54 =	vmul.f32 v48, v8;
	v57 =	vld [tilespmem:s1+$0xFFFFFF30]  }
0x188: {  	[tilespmem:s8+$0xFFFFFFA0] =	vst v23;
	v58 =	vld [tilespmem:s7+$0xFFFFFF30]  }
0x189: {  	v20 =	vmul.f32 v20, v4;
	v21 =	vmul.f32 v21, v5;
	v55 =	vadd.f32 v54, v27;
	v23 =	vld [tilespmem:s1+$0xFFFFFFB0]  }
0x18a: {  	v56 =	vld [tilespmem:s7+$0xFFFFFFB0]  }
0x18b: {  	v20 =	vadd.f32 v21, v20;
	[tilespmem:s8+$0xA0] =	vst v55;
	v24 =	vmul.f32 v24, v14;
	v59 =	vmul.f32 v53, v15  }
0x18c: {  	[tilespmem:s22+$0xFFFFFFD0] =	vst v22;
	v18 =	vadd.f32 v19, v18;
	v60 =	vld [tilespmem:s1+$0xB0]  }
0x18d: {  	[tilespmem:s22+$0x60] =	vst v20;
	v20 =	vld [tilespmem:s7+$0xB0];
	v28 =	vmul.f32 v57, v10;
	v21 =	vmul.f32 v58, v11;
	v24 =	vadd.f32 v59, v24  }
0x18e: {  	[tilespmem:s22+$0xD0] =	vst v18  }
0x18f: {  	v18 =	vld [tilespmem:s5+$0xFFFFFFE0];
	v23 =	vmul.f32 v23, v12;
	v61 =	vmul.f32 v56, v13;
	v21 =	vadd.f32 v21, v28;
	[tilespmem:s8+$0x30] =	vst v24  }
0x190: {  	v24 =	vld [tilespmem:s1+$0x40]  }
0x191: {  	v23 =	vadd.f32 v61, v23;
	[tilespmem:s8+$0xFFFFFF30] =	vst v21;
	v63 =	vld [tilespmem:s7+$0x40]  }
0x192: {  	v26 =	vmul.f32 v60, v9;
	v20 =	vmul.f32 v20, v8;
	v33 =	vld [tilespmem:s1+$0xFFFFFF40]  }
0x193: {  	[tilespmem:s8+$0xFFFFFFB0] =	vst v23;
	v34 =	vld [tilespmem:s7+$0xFFFFFF40]  }
0x194: {  	v20 =	vadd.f32 v20, v26;
	v23 =	vld [tilespmem:s1+$0xFFFFFFC0]  }
0x195: {  	v32 =	vld [tilespmem:s7+$0xFFFFFFC0]  }
0x196: {  	v29 =	vld [tilespmem:s21+$0x70];
	[tilespmem:s8+$0xB0] =	vst v20;
	v19 =	vmul.f32 v24, v14;
	v20 =	vmul.f32 v63, v15  }
0x197: {  	v22 =	vld [tilespmem:s5+$0x70]  }
0x198: {  	v35 =	vld [tilespmem:s1+$0xC0];
	v26 =	vmul.f32 v33, v10;
	v28 =	vmul.f32 v34, v11;
	v19 =	vadd.f32 v20, v19  }
0x199: {  	v36 =	vld [tilespmem:s7+$0xC0]  }
0x19a: {  	v62 =	vld [tilespmem:s21+$0xFFFFFFE0];
	v21 =	vmul.f32 v32, v13;
	v20 =	vmul.f32 v23, v12;
	v26 =	vadd.f32 v28, v26;
	[tilespmem:s8+$0x40] =	vst v19  }
0x19b: {  	v38 =	vld [tilespmem:s1+$0x50]  }
0x19c: {  	v20 =	vadd.f32 v21, v20;
	[tilespmem:s8+$0xFFFFFF40] =	vst v26;
	v39 =	vld [tilespmem:s7+$0x50]  }
0x19d: {  	v16 =	vmul.f32 v16, v2;
	v17 =	vmul.f32 v17, v3;
	v26 =	vld [tilespmem:s1+$0xFFFFFF50]  }
0x19e: {  	v24 =	vmul.f32 v35, v9;
	v25 =	vmul.f32 v36, v8;
	v41 =	vld [tilespmem:s7+$0xFFFFFF50];
	[tilespmem:s8+$0xFFFFFFC0] =	vst v20  }
0x19f: {  	v16 =	vadd.f32 v17, v16;
	v20 =	vld [tilespmem:s1+$0xFFFFFFD0]  }
0x1a0: {  	v18 =	vmul.f32 v18, v7;
	v27 =	vmul.f32 v62, v6;
	v24 =	vadd.f32 v25, v24;
	v40 =	vld [tilespmem:s7+$0xFFFFFFD0]  }
0x1a1: {  	[tilespmem:s22+$0xFFFFFF60] =	vst v16;
	v37 =	vld [tilespmem:s21+$0xE0];
	v21 =	vmul.f32 v38, v14;
	v42 =	vmul.f32 v39, v15  }
0x1a2: {  	v45 =	vld [tilespmem:s21+$0xFFFFFF70];
	v18 =	vadd.f32 v18, v27;
	[tilespmem:s8+$0xC0] =	vst v24  }
0x1a3: {  	v43 =	vld [tilespmem:s1+$0xD0];
	v26 =	vmul.f32 v26, v10;
	v27 =	vmul.f32 v41, v11;
	v21 =	vadd.f32 v42, v21  }
0x1a4: {  	v17 =	vld [tilespmem:s7+$0xD0]  }
0x1a5: {  	v19 =	vld [tilespmem:s5+$0xE0];
	v20 =	vmul.f32 v20, v12;
	v44 =	vmul.f32 v40, v13;
	v46 =	vadd.f32 v27, v26;
	[tilespmem:s8+$0x50] =	vst v21  }
0x1a6: {  	v21 =	vld [tilespmem:s1+$0x60]  }
0x1a7: {  	v20 =	vadd.f32 v44, v20;
	[tilespmem:s8+$0xFFFFFF50] =	vst v46;
	v47 =	vld [tilespmem:s7+$0x60]  }
0x1a8: {  	v50 =	vld [tilespmem:s1+$0xFFFFFF60]  }
0x1a9: {  	v48 =	vmul.f32 v43, v9;
	v17 =	vmul.f32 v17, v8;
	v51 =	vld [tilespmem:s7+$0xFFFFFF60];
	[tilespmem:s8+$0xFFFFFFD0] =	vst v20  }
0x1aa: {  	v20 =	vld [tilespmem:s1+$0xFFFFFFE0]  }
0x1ab: {  	[tilespmem:s31+$0xFFFFFFE0] =	vst v18;
	v17 =	vadd.f32 v17, v48;
	v49 =	vld [tilespmem:s7+$0xFFFFFFE0]  }
0x1ac: {  	v18 =	vld [tilespmem:s21+$0xFFFFFFF0];
	v23 =	vmul.f32 v37, v0;
	v19 =	vmul.f32 v19, v1  }
0x1ad: {  	v16 =	vld [tilespmem:s5+$0xFFFFFFF0];
	[tilespmem:s8+$0xD0] =	vst v17  }
0x1ae: {  	v17 =	vadd.f32 v19, v23;
	v53 =	vld [tilespmem:s1+$0xE0];
	v19 =	vmul.f32 v21, v14;
	v52 =	vmul.f32 v47, v15  }
0x1af: {  	v54 =	vld [tilespmem:s7+$0xE0];
	v27 =	vmul.f32 v50, v10;
	v28 =	vmul.f32 v51, v11  }
0x1b0: {  	[tilespmem:s31+$0xE0] =	vst v17;
	v17 =	vld [tilespmem:s5+$0xFFFFFF70];
	v19 =	vadd.f32 v52, v19;
	v20 =	vmul.f32 v20, v12;
	v55 =	vmul.f32 v49, v13  }
0x1b1: {  	v56 =	vld [tilespmem:s21+$0xF0];
	v27 =	vadd.f32 v28, v27  }
0x1b2: {  	[tilespmem:s8+$0x60] =	vst v19;
	v19 =	vld [tilespmem:s5+$0xF0];
	v20 =	vadd.f32 v55, v20  }
0x1b3: {  	[tilespmem:s8+$0xFFFFFF60] =	vst v27;
	v57 =	vld [tilespmem:s1+$0x70]  }
0x1b4: {  	v23 =	vmul.f32 v53, v9;
	v58 =	vld [tilespmem:s7+$0x70];
	[tilespmem:s8+$0xFFFFFFE0] =	vst v20;
	v20 =	vmul.f32 v54, v8  }
0x1b5: {  	v61 =	vld [tilespmem:s1+$0xFFFFFF70]  }
0x1b6: {  	v59 =	vld [tilespmem:s1+$0xFFFFFFF0];
	v20 =	vadd.f32 v20, v23  }
0x1b7: {  	v60 =	vld [tilespmem:s7+$0xFFFFFFF0]  }
0x1b8: {  	v4 =	vmul.f32 v29, v4;
	v5 =	vmul.f32 v22, v5;
	[tilespmem:s8+$0xE0] =	vst v20;
	v20 =	vld [tilespmem:s7+$0xFFFFFF70]  }
0x1b9: {  	v6 =	vmul.f32 v18, v6;
	v7 =	vmul.f32 v16, v7;
	v16 =	vld [tilespmem:s1+$0xF0]  }
0x1ba: {  	v4 =	vadd.f32 v5, v4;
	v2 =	vmul.f32 v45, v2;
	v3 =	vmul.f32 v17, v3;
	v5 =	vld [tilespmem:s7+$0xF0]  }
0x1bb: {  	v6 =	vadd.f32 v7, v6;
	v0 =	vmul.f32 v56, v0;
	v1 =	vmul.f32 v19, v1  }
0x1bc: {  	[tilespmem:s31+$0x70] =	vst v4;
	v2 =	vadd.f32 v3, v2;
	v3 =	vmul.f32 v57, v14;
	v4 =	vmul.f32 v58, v15  }
0x1bd: {  	[tilespmem:s31+$0xFFFFFFF0] =	vst v6;
	v0 =	vadd.f32 v1, v0;
	v1 =	vmul.f32 v59, v12;
	v6 =	vmul.f32 v60, v13  }
0x1be: {  	[tilespmem:s31+$0xFFFFFF70] =	vst v2;
	v2 =	vadd.f32 v4, v3;
	v3 =	vmul.f32 v61, v10;
	v4 =	vmul.f32 v20, v11  }
0x1bf: {  	[tilespmem:s31+$0xF0] =	vst v0;
	v0 =	vadd.f32 v6, v1;
	v1 =	vmul.f32 v16, v9;
	v5 =	vmul.f32 v5, v8  }
0x1c0: {  	[tilespmem:s8+$0x70] =	vst v2;
	v2 =	vadd.f32 v4, v3  }
0x1c1: {  	[tilespmem:s8+$0xFFFFFFF0] =	vst v0;
	v0 =	vadd.f32 v5, v1  }
0x1c2: {  	[tilespmem:s8+$0xFFFFFF70] =	vst v2  }
0x1c3: {  	s6 =	simm.s32 $0x10E00;
	[tilespmem:s8+$0xF0] =	vst v0  }
0x1c4: {  	[hbm4b:s10+s4] =	stream.linear.scatter [tilespmem:s6], [sflag:$0x5], $0x4000, $0x38;
	[tilespmem:$0x18E00] =	vst v63  }
0x1c5: {  	s7 =	simm.s32 $0xE00  }
0x1c6: {  	[tilespmem:s7], [sflag:$0x1] =	stream.linear.gather [hbm4b:s11+s4], $0x4000, $0x38;
	[tilespmem:$0x18E00] =	vst v63  }
0x1c7: {  	s21 =	simm.s32 $0x80;
	s8 =	simm.s32 $0x8E00  }
0x1c8: {  	v0 =	vmov s21;
	[tilespmem:s8], [sflag:$0x3] =	stream.linear.gather [hbm4b:s12+s4], $0x4000, $0x38;
	[tilespmem:$0x18E00] =	vst v63  }
0x1c9: {  	s22 =	simm.s32 $0x83;
	v0 =	vand.u32 $0xFFFFFFFC, v0;
	_ =	swait.ge [sflag:s0], $0x4000  }
0x1ca: {  	v1 =	vmov s22;
	s6 =	simm.s32 $0x82;
	v2 =	vbroadcast v0, $0x0;
	[sflag:s0] =	ssyncset.done $0x0  }
0x1cb: {  	v0 =	vmov s6;
	[sflag:s0] =	ssyncadd.s32 $0xFFFFC000  }
0x1cc: {  	v0 =	vand.u32 $0xFFFFFFFE, v0;
	_ =	swait.ge [sflag:s3], $0x4000  }
0x1cd: {  	v3 =	vbroadcast v0, $0x0;
	[sflag:s3] =	ssyncset.done $0x0  }
0x1ce: {  	[sflag:s3] =	ssyncadd.s32 $0xFFFFC000  }
0x1cf: {  	s7 =	simm.s32 $0x81;
	v0 =	vld.idx.msk [tilespmem:v1+s29+$0x0], $0xffff  }
0x1d0: {  	v4 =	vmov s7;
	v11 =	vld.idx.msk [tilespmem:v2+s29+$0x0], $0xffff  }
0x1d1: {  	s6 =	simm.s32 $0x4F00;
	v4 =	vand.u32 $0xFFFFFFFD, v4;
	v13 =	vld.idx.msk [tilespmem:v2+s30+$0x0], $0xffff  }
0x1d2: {  	v2 =	vbroadcast v4, $0x0;
	v4 =	vld [tilespmem:s6+$0x0]  }
0x1d3: {  	v14 =	vld.idx.msk [tilespmem:v3+s29+$0x0], $0xffff  }
0x1d4: {  	s22 =	simm.s32 $0xCF00;
	v15 =	vld.idx.msk [tilespmem:v3+s30+$0x0], $0xffff  }
0x1d5: {  	v3 =	vld [tilespmem:s22+$0x0]  }
0x1d6: {  	v5 =	vld [tilespmem:s6+$0xFFFFFF00]  }
0x1d7: {  	v6 =	vld [tilespmem:s22+$0xFFFFFF00]  }
0x1d8: {  	v1 =	vld.idx.msk [tilespmem:v1+s30+$0x0], $0xffff  }
0x1d9: {  	v7 =	vld [tilespmem:s6+$0xFFFFFF80]  }
0x1da: {  	v8 =	vld [tilespmem:s22+$0xFFFFFF80];
	v4 =	vmul.f32 v4, v14;
	v3 =	vmul.f32 v3, v15  }
0x1db: {  	v12 =	vld.idx.msk [tilespmem:v2+s29+$0x0], $0xffff  }
0x1dc: {  	v5 =	vmul.f32 v5, v11;
	v6 =	vmul.f32 v6, v13;
	v2 =	vld.idx.msk [tilespmem:v2+s30+$0x0], $0xffff;
	v3 =	vadd.f32 v3, v4  }
0x1dd: {  	s21 =	simm.s32 $0x14F00;
	v9 =	vld [tilespmem:s22+$0x80]  }
0x1de: {  	v4 =	vld [tilespmem:s6+$0x80];
	v5 =	vadd.f32 v6, v5;
	[tilespmem:s21+$0x0] =	vst v3  }
0x1df: {  	v3 =	vld [tilespmem:s6+$0x10]  }
0x1e0: {  	[tilespmem:s21+$0xFFFFFF00] =	vst v5;
	v6 =	vmul.f32 v7, v12;
	v7 =	vld [tilespmem:s22+$0x10]  }
0x1e1: {  	v10 =	vld [tilespmem:s22+$0xFFFFFF10];
	v5 =	vmul.f32 v8, v2  }
0x1e2: {  	v8 =	vld [tilespmem:s6+$0xFFFFFF10]  }
0x1e3: {  	v4 =	vmul.f32 v4, v0;
	v5 =	vadd.f32 v5, v6;
	v6 =	vmul.f32 v9, v1;
	_ =	sdelay $0x1  }
0x1e4: {  	[tilespmem:s21+$0xFFFFFF80] =	vst v5;
	v4 =	vadd.f32 v6, v4;
	v3 =	vmul.f32 v3, v14;
	v6 =	vmul.f32 v7, v15  }
0x1e5: {  	v7 =	vld [tilespmem:s22+$0xFFFFFF90]  }
0x1e6: {  	v5 =	vld [tilespmem:s6+$0xFFFFFF90];
	[tilespmem:s21+$0x80] =	vst v4;
	v4 =	vmul.f32 v8, v11;
	v8 =	vmul.f32 v10, v13;
	v3 =	vadd.f32 v6, v3  }
0x1e7: {  	v6 =	vld [tilespmem:s6+$0x90]  }
0x1e8: {  	v9 =	vld [tilespmem:s22+$0x90];
	v4 =	vadd.f32 v8, v4;
	[tilespmem:s21+$0x10] =	vst v3  }
0x1e9: {  	v3 =	vld [tilespmem:s6+$0x20]  }
0x1ea: {  	[tilespmem:s21+$0xFFFFFF10] =	vst v4;
	v4 =	vmul.f32 v7, v2;
	v7 =	vld [tilespmem:s22+$0x20]  }
0x1eb: {  	v5 =	vmul.f32 v5, v12;
	v8 =	vld [tilespmem:s6+$0xFFFFFF20]  }
0x1ec: {  	v10 =	vld [tilespmem:s22+$0xFFFFFF20]  }
0x1ed: {  	v6 =	vmul.f32 v6, v0;
	v4 =	vadd.f32 v4, v5;
	v5 =	vmul.f32 v9, v1;
	_ =	sdelay $0x1  }
0x1ee: {  	[tilespmem:s21+$0xFFFFFF90] =	vst v4;
	v4 =	vadd.f32 v5, v6;
	v3 =	vmul.f32 v3, v14;
	v6 =	vmul.f32 v7, v15  }
0x1ef: {  	v7 =	vld [tilespmem:s22+$0xFFFFFFA0]  }
0x1f0: {  	v5 =	vld [tilespmem:s6+$0xFFFFFFA0];
	[tilespmem:s21+$0x90] =	vst v4;
	v4 =	vmul.f32 v8, v11;
	v8 =	vmul.f32 v10, v13;
	v3 =	vadd.f32 v6, v3  }
0x1f1: {  	v6 =	vld [tilespmem:s6+$0xA0]  }
0x1f2: {  	v9 =	vld [tilespmem:s22+$0xA0];
	v4 =	vadd.f32 v8, v4;
	[tilespmem:s21+$0x20] =	vst v3  }
0x1f3: {  	v3 =	vld [tilespmem:s6+$0x30]  }
0x1f4: {  	[tilespmem:s21+$0xFFFFFF20] =	vst v4;
	v4 =	vmul.f32 v7, v2;
	v7 =	vld [tilespmem:s22+$0x30]  }
0x1f5: {  	v5 =	vmul.f32 v5, v12;
	v8 =	vld [tilespmem:s6+$0xFFFFFF30]  }
0x1f6: {  	v10 =	vld [tilespmem:s22+$0xFFFFFF30]  }
0x1f7: {  	v6 =	vmul.f32 v6, v0;
	v4 =	vadd.f32 v4, v5;
	v5 =	vmul.f32 v9, v1  }
0x1f8: {  	s1 =	simm.s32 $0xD100  }
0x1f9: {  	v34 =	vld [tilespmem:s1+$0x0];
	[tilespmem:s21+$0xFFFFFFA0] =	vst v4;
	v4 =	vadd.f32 v5, v6;
	v3 =	vmul.f32 v3, v14;
	v6 =	vmul.f32 v7, v15  }
0x1fa: {  	v5 =	vld [tilespmem:s6+$0xFFFFFFB0]  }
0x1fb: {  	v7 =	vld [tilespmem:s22+$0xFFFFFFB0];
	[tilespmem:s21+$0xA0] =	vst v4;
	v4 =	vmul.f32 v8, v11;
	v8 =	vmul.f32 v10, v13;
	v3 =	vadd.f32 v6, v3  }
0x1fc: {  	s8 =	simm.s32 $0x87;
	v6 =	vld [tilespmem:s6+$0xB0]  }
0x1fd: {  	v10 =	vmov s8;
	v9 =	vld [tilespmem:s22+$0xB0];
	v4 =	vadd.f32 v8, v4;
	[tilespmem:s21+$0x30] =	vst v3  }
0x1fe: {  	v8 =	vld [tilespmem:s6+$0x40]  }
0x1ff: {  	v3 =	vmul.f32 v5, v12;
	[tilespmem:s21+$0xFFFFFF30] =	vst v4;
	v5 =	vld [tilespmem:s22+$0x40]  }
0x200: {  	v4 =	vmul.f32 v7, v2;
	v16 =	vld [tilespmem:s6+$0xFFFFFF40]  }
0x201: {  	v17 =	vld [tilespmem:s22+$0xFFFFFF40]  }
0x202: {  	s5 =	simm.s32 $0x84;
	v6 =	vmul.f32 v6, v0;
	v18 =	vadd.f32 v4, v3;
	v9 =	vmul.f32 v9, v1;
	v4 =	vld.idx.msk [tilespmem:v10+s29+$0x0], $0xffff  }
0x203: {  	v7 =	vmov s5;
	s5 =	simm.s32 $0x5100;
	v3 =	vld.idx.msk [tilespmem:v10+s30+$0x0], $0xffff  }
0x204: {  	v33 =	vld [tilespmem:s5+$0x0];
	[tilespmem:s21+$0xFFFFFFB0] =	vst v18;
	v6 =	vadd.f32 v9, v6;
	v8 =	vmul.f32 v8, v14;
	v5 =	vmul.f32 v5, v15  }
0x205: {  	s7 =	simm.s32 $0x85;
	v9 =	vld [tilespmem:s6+$0xFFFFFFC0];
	v10 =	vmul.f32 v16, v11  }
0x206: {  	v16 =	vld [tilespmem:s22+$0xFFFFFFC0];
	[tilespmem:s21+$0xB0] =	vst v6;
	v6 =	vmov s7;
	v17 =	vmul.f32 v17, v13;
	v8 =	vadd.f32 v5, v8  }
0x207: {  	v18 =	vld [tilespmem:s6+$0xC0];
	v6 =	vand.u32 $0xFFFFFFFD, v6  }
0x208: {  	v19 =	vld [tilespmem:s22+$0xC0];
	v20 =	vbroadcast v6, $0x0;
	v6 =	vadd.f32 v17, v10;
	[tilespmem:s21+$0x40] =	vst v8  }
0x209: {  	v7 =	vand.u32 $0xFFFFFFFC, v7;
	v8 =	vld [tilespmem:s6+$0x50]  }
0x20a: {  	v7 =	vbroadcast v7, $0x0;
	[tilespmem:s21+$0xFFFFFF40] =	vst v6;
	v10 =	vld [tilespmem:s22+$0x50]  }
0x20b: {  	v9 =	vmul.f32 v9, v12;
	v6 =	vmul.f32 v16, v2;
	v16 =	vld [tilespmem:s6+$0xFFFFFF50]  }
0x20c: {  	v17 =	vmul.f32 v18, v0;
	v18 =	vld [tilespmem:s22+$0xFFFFFF50]  }
0x20d: {  	v35 =	vld [tilespmem:s5+$0xFFFFFF00];
	v19 =	vmul.f32 v19, v1;
	v9 =	vadd.f32 v6, v9  }
0x20e: {  	v36 =	vld [tilespmem:s5+$0xFFFFFF80]  }
0x20f: {  	v38 =	vld [tilespmem:s5+$0x80];
	[tilespmem:s21+$0xFFFFFFC0] =	vst v9;
	v9 =	vadd.f32 v19, v17;
	v8 =	vmul.f32 v8, v14;
	v10 =	vmul.f32 v10, v15  }
0x210: {  	s8 =	simm.s32 $0x86;
	v5 =	vld.idx.msk [tilespmem:v7+s29+$0x0], $0xffff;
	v16 =	vmul.f32 v16, v11  }
0x211: {  	v6 =	vld.idx.msk [tilespmem:v20+s29+$0x0], $0xffff;
	[tilespmem:s21+$0xC0] =	vst v9;
	v9 =	vmov s8;
	v18 =	vmul.f32 v18, v13;
	v8 =	vadd.f32 v10, v8  }
0x212: {  	v17 =	vld [tilespmem:s6+$0xFFFFFFD0];
	v9 =	vand.u32 $0xFFFFFFFE, v9  }
0x213: {  	v19 =	vld [tilespmem:s22+$0xFFFFFFD0];
	v9 =	vbroadcast v9, $0x0;
	v16 =	vadd.f32 v18, v16;
	[tilespmem:s21+$0x50] =	vst v8  }
0x214: {  	v18 =	vld [tilespmem:s6+$0x60]  }
0x215: {  	[tilespmem:s21+$0xFFFFFF50] =	vst v16;
	v16 =	vld [tilespmem:s22+$0x60]  }
0x216: {  	v10 =	vld.idx.msk [tilespmem:v20+s30+$0x0], $0xffff  }
0x217: {  	v20 =	vld [tilespmem:s6+$0xFFFFFF60]  }
0x218: {  	v32 =	vld [tilespmem:s22+$0xFFFFFF60]  }
0x219: {  	v8 =	vld.idx.msk [tilespmem:v9+s29+$0x0], $0xffff  }
0x21a: {  	v9 =	vld.idx.msk [tilespmem:v9+s30+$0x0], $0xffff;
	v18 =	vmul.f32 v18, v14;
	v16 =	vmul.f32 v16, v15  }
0x21b: {  	v7 =	vld.idx.msk [tilespmem:v7+s30+$0x0], $0xffff  }
0x21c: {  	v16 =	vadd.f32 v16, v18;
	v18 =	vld [tilespmem:s1+$0xFFFFFF00]  }
0x21d: {  	v62 =	vld [tilespmem:s6+$0xD0];
	v20 =	vmul.f32 v20, v11;
	v23 =	vmul.f32 v32, v13  }
0x21e: {  	v63 =	vld [tilespmem:s22+$0xD0];
	[tilespmem:s21+$0x60] =	vst v16;
	v16 =	vmul.f32 v17, v12;
	v17 =	vmul.f32 v19, v2  }
0x21f: {  	v20 =	vadd.f32 v23, v20;
	v24 =	vmul.f32 v33, v8;
	v25 =	vmul.f32 v34, v9;
	v19 =	vld [tilespmem:s6+$0x70]  }
0x220: {  	v16 =	vadd.f32 v17, v16;
	v17 =	vld [tilespmem:s1+$0xFFFFFF80]  }
0x221: {  	v26 =	vmul.f32 v35, v5;
	v37 =	vld [tilespmem:s22+$0x70];
	[tilespmem:s21+$0xFFFFFF60] =	vst v20;
	v24 =	vadd.f32 v25, v24;
	v18 =	vmul.f32 v18, v7  }
0x222: {  	s31 =	simm.s32 $0x15100;
	[tilespmem:s21+$0xFFFFFFD0] =	vst v16;
	v16 =	vld [tilespmem:s1+$0x80]  }
0x223: {  	v55 =	vld [tilespmem:s6+$0xFFFFFF70];
	[tilespmem:s31+$0x0] =	vst v24;
	v18 =	vadd.f32 v18, v26  }
0x224: {  	v40 =	vld [tilespmem:s5+$0x10]  }
0x225: {  	v27 =	vmul.f32 v36, v6;
	[tilespmem:s31+$0xFFFFFF00] =	vst v18;
	v17 =	vmul.f32 v17, v10;
	v18 =	vld [tilespmem:s1+$0x10]  }
0x226: {  	v41 =	vld [tilespmem:s5+$0xFFFFFF10]  }
0x227: {  	v25 =	vmul.f32 v38, v4;
	v42 =	vld [tilespmem:s1+$0xFFFFFF10];
	v17 =	vadd.f32 v17, v27;
	v16 =	vmul.f32 v16, v3  }
0x228: {  	v39 =	vld [tilespmem:s6+$0xFFFFFFE0]  }
0x229: {  	v21 =	vmul.f32 v62, v0;
	v22 =	vmul.f32 v63, v1;
	v43 =	vld [tilespmem:s22+$0xFFFFFFE0];
	[tilespmem:s31+$0xFFFFFF80] =	vst v17;
	v16 =	vadd.f32 v16, v25  }
0x22a: {  	v26 =	vmul.f32 v40, v8;
	v44 =	vld [tilespmem:s5+$0xFFFFFF90];
	v18 =	vmul.f32 v18, v9  }
0x22b: {  	v21 =	vadd.f32 v22, v21;
	v45 =	vld [tilespmem:s1+$0xFFFFFF90];
	[tilespmem:s31+$0x80] =	vst v16  }
0x22c: {  	v16 =	vmul.f32 v41, v5;
	v46 =	vmul.f32 v42, v7;
	v18 =	vadd.f32 v18, v26;
	v47 =	vld [tilespmem:s5+$0x90]  }
0x22d: {  	[tilespmem:s21+$0xD0] =	vst v21;
	v48 =	vld [tilespmem:s1+$0x90]  }
0x22e: {  	v24 =	vmul.f32 v39, v12;
	v21 =	vmul.f32 v43, v2;
	v17 =	vld [tilespmem:s6+$0xE0];
	v16 =	vadd.f32 v46, v16;
	[tilespmem:s31+$0x10] =	vst v18  }
0x22f: {  	v49 =	vld [tilespmem:s5+$0x20]  }
0x230: {  	v21 =	vadd.f32 v21, v24;
	v50 =	vmul.f32 v44, v6;
	[tilespmem:s31+$0xFFFFFF10] =	vst v16;
	v16 =	vmul.f32 v45, v10;
	v51 =	vld [tilespmem:s1+$0x20]  }
0x231: {  	v52 =	vld [tilespmem:s5+$0xFFFFFF20]  }
0x232: {  	[tilespmem:s21+$0xFFFFFFE0] =	vst v21;
	v53 =	vld [tilespmem:s1+$0xFFFFFF20];
	v20 =	vmul.f32 v47, v4;
	v16 =	vadd.f32 v16, v50;
	v54 =	vmul.f32 v48, v3  }
0x233: {  	v60 =	vld [tilespmem:s6+$0xFFFFFFF0]  }
0x234: {  	v18 =	vld [tilespmem:s22+$0xE0];
	[tilespmem:s31+$0xFFFFFF90] =	vst v16;
	v16 =	vadd.f32 v54, v20  }
0x235: {  	v56 =	vld [tilespmem:s5+$0xFFFFFFA0];
	v22 =	vmul.f32 v49, v8;
	v25 =	vmul.f32 v51, v9  }
0x236: {  	[tilespmem:s31+$0x90] =	vst v16;
	v16 =	vld [tilespmem:s1+$0xFFFFFFA0]  }
0x237: {  	v57 =	vmul.f32 v52, v5;
	v26 =	vmul.f32 v53, v7;
	v22 =	vadd.f32 v25, v22;
	v58 =	vld [tilespmem:s5+$0xA0]  }
0x238: {  	v59 =	vld [tilespmem:s1+$0xA0]  }
0x239: {  	v20 =	vld [tilespmem:s22+$0xFFFFFF70];
	v24 =	vadd.f32 v26, v57;
	[tilespmem:s31+$0x20] =	vst v22  }
0x23a: {  	v17 =	vmul.f32 v17, v0;
	v18 =	vmul.f32 v18, v1;
	v61 =	vld [tilespmem:s5+$0x30]  }
0x23b: {  	v23 =	vmul.f32 v56, v6;
	[tilespmem:s31+$0xFFFFFF20] =	vst v24;
	v62 =	vld [tilespmem:s1+$0x30];
	v16 =	vmul.f32 v16, v10  }
0x23c: {  	v14 =	vmul.f32 v19, v14;
	v15 =	vmul.f32 v37, v15;
	v17 =	vadd.f32 v18, v17;
	v18 =	vld [tilespmem:s5+$0xFFFFFF30]  }
0x23d: {  	v63 =	vld [tilespmem:s1+$0xFFFFFF30];
	v19 =	vmul.f32 v58, v4;
	v21 =	vmul.f32 v59, v3;
	v16 =	vadd.f32 v16, v23  }
0x23e: {  	v14 =	vadd.f32 v15, v14;
	v15 =	vmul.f32 v55, v11;
	[tilespmem:s21+$0xE0] =	vst v17;
	v17 =	vmul.f32 v20, v13;
	v13 =	vld [tilespmem:s22+$0xFFFFFFF0]  }
0x23f: {  	v11 =	vld [tilespmem:s6+$0xF0];
	[tilespmem:s31+$0xFFFFFFA0] =	vst v16;
	v16 =	vadd.f32 v21, v19  }
0x240: {  	[tilespmem:s21+$0x70] =	vst v14;
	v17 =	vadd.f32 v17, v15;
	v19 =	vmul.f32 v61, v8;
	v20 =	vmul.f32 v62, v9;
	v14 =	vld [tilespmem:s5+$0xFFFFFFB0]  }
0x241: {  	v12 =	vmul.f32 v60, v12;
	v15 =	vld [tilespmem:s1+$0xFFFFFFB0];
	[tilespmem:s31+$0xA0] =	vst v16  }
0x242: {  	s7 =	simm.s32 $0x4;
	s6 =	simm.s32 $0x5100;
	[tilespmem:s21+$0xFFFFFF70] =	vst v17;
	v17 =	vmul.f32 v18, v5;
	v18 =	vmul.f32 v63, v7;
	v19 =	vadd.f32 v20, v19;
	v16 =	vld [tilespmem:s5+$0xB0]  }
.LBB2_4:
0x243: {  	s8 =	sadd.s32 $0x87, s7;
	v20 =	vld [tilespmem:s1+$0xB0];
	v13 =	vmul.f32 v13, v2;
	v2 =	vmov v10  }
0x244: {  	v10 =	vmov s8;
	v17 =	vadd.f32 v18, v17;
	[tilespmem:s31+$0x30] =	vst v19;
	v18 =	vld [tilespmem:s22+$0xF0];
	v11 =	vmul.f32 v11, v0;
	v0 =	vmovc v4;
	s22 =	smov.u32 s1  }
0x245: {  	v4 =	vmul.f32 v14, v6;
	v14 =	vld [tilespmem:s5+$0x40];
	v12 =	vadd.f32 v13, v12  }
0x246: {  	s8 =	sadd.s32 $0x84, s7;
	[tilespmem:s31+$0xFFFFFF30] =	vst v17;
	v13 =	vmul.f32 v15, v2;
	v15 =	vld [tilespmem:s1+$0x40]  }
0x247: {  	v17 =	vmov s8;
	v19 =	vld [tilespmem:s5+$0xFFFFFF40];
	v16 =	vmul.f32 v16, v0;
	[tilespmem:s21+$0xFFFFFFF0] =	vst v12  }
0x248: {  	v12 =	vand.u32 $0xFFFFFFFC, v17;
	v17 =	vld [tilespmem:s1+$0xFFFFFF40];
	v13 =	vadd.f32 v13, v4;
	v20 =	vmul.f32 v20, v3  }
0x249: {  	v21 =	vbroadcast v12, $0x0;
	v4 =	vld.idx.msk [tilespmem:v10+s29+$0x0], $0xffff;
	v12 =	vmul.f32 v18, v1;
	v1 =	vmov v3  }
0x24a: {  	v3 =	vld.idx.msk [tilespmem:v10+s30+$0x0], $0xffff;
	[tilespmem:s31+$0xFFFFFFB0] =	vst v13;
	v10 =	vadd.f32 v20, v16  }
0x24b: {  	v14 =	vmul.f32 v14, v8;
	v13 =	vld [tilespmem:s5+$0xFFFFFFC0];
	v15 =	vmul.f32 v15, v9;
	v11 =	vadd.f32 v12, v11  }
0x24c: {  	s8 =	sadd.s32 $0x85, s7;
	v16 =	vmul.f32 v19, v5;
	v18 =	vld [tilespmem:s1+$0xFFFFFFC0];
	[tilespmem:s31+$0xB0] =	vst v10  }
0x24d: {  	v10 =	vmov s8;
	v17 =	vmul.f32 v17, v7;
	v14 =	vadd.f32 v15, v14;
	v15 =	vld [tilespmem:s5+$0xC0];
	[tilespmem:s21+$0xF0] =	vst v11;
	s21 =	smov.u32 s31  }
0x24e: {  	v10 =	vand.u32 $0xFFFFFFFD, v10;
	v11 =	vld [tilespmem:s1+$0xC0]  }
0x24f: {  	v10 =	vbroadcast v10, $0x0;
	v12 =	vld.idx.msk [tilespmem:v21+s29+$0x0], $0xffff;
	v16 =	vadd.f32 v17, v16;
	[tilespmem:s31+$0x40] =	vst v14  }
0x250: {  	v13 =	vmul.f32 v13, v6;
	v14 =	vld [tilespmem:s5+$0x50]  }
0x251: {  	[tilespmem:s31+$0xFFFFFF40] =	vst v16;
	v16 =	vmul.f32 v18, v2;
	v17 =	vld [tilespmem:s1+$0x50]  }
0x252: {  	v18 =	vld [tilespmem:s5+$0xFFFFFF50];
	v15 =	vmul.f32 v15, v0  }
0x253: {  	v19 =	vld [tilespmem:s1+$0xFFFFFF50];
	v16 =	vadd.f32 v16, v13;
	v20 =	vmul.f32 v11, v1  }
0x254: {  	v13 =	vld.idx.msk [tilespmem:v21+s30+$0x0], $0xffff  }
0x255: {  	v11 =	vld.idx.msk [tilespmem:v10+s29+$0x0], $0xffff;
	[tilespmem:s31+$0xFFFFFFC0] =	vst v16;
	v15 =	vadd.f32 v20, v15  }
0x256: {  	v14 =	vmul.f32 v14, v8;
	v16 =	vld [tilespmem:s5+$0xFFFFFFD0];
	v17 =	vmul.f32 v17, v9  }
0x257: {  	s8 =	sadd.s32 $0x86, s7;
	v18 =	vmul.f32 v18, v5;
	v20 =	vld [tilespmem:s1+$0xFFFFFFD0];
	[tilespmem:s31+$0xC0] =	vst v15  }
0x258: {  	v15 =	vmov s8;
	v19 =	vmul.f32 v19, v7;
	v14 =	vadd.f32 v17, v14;
	v17 =	vld [tilespmem:s5+$0xD0]  }
0x259: {  	v15 =	vand.u32 $0xFFFFFFFE, v15;
	v21 =	vld [tilespmem:s1+$0xD0]  }
0x25a: {  	v15 =	vbroadcast v15, $0x0;
	v10 =	vld.idx.msk [tilespmem:v10+s30+$0x0], $0xffff;
	v18 =	vadd.f32 v19, v18;
	[tilespmem:s31+$0x50] =	vst v14  }
0x25b: {  	v14 =	vmul.f32 v16, v6;
	v16 =	vld [tilespmem:s5+$0x60]  }
0x25c: {  	[tilespmem:s31+$0xFFFFFF50] =	vst v18;
	v18 =	vmul.f32 v20, v2;
	v19 =	vld [tilespmem:s1+$0x60]  }
0x25d: {  	v20 =	vld [tilespmem:s5+$0xFFFFFF60];
	v17 =	vmul.f32 v17, v0  }
0x25e: {  	s5 =	sadd.s32 $0x200, s5;
	v22 =	vld [tilespmem:s1+$0xFFFFFF60];
	v14 =	vadd.f32 v18, v14;
	v18 =	vmul.f32 v21, v1  }
0x25f: {  	s7 =	sadd.s32 $0x4, s7;
	v21 =	vld [tilespmem:s5+$0x0]  }
0x260: {  	p0 =	slt.u32 s7, $0x7C;
	v23 =	vld.idx.msk [tilespmem:v15+s29+$0x0], $0xffff;
	[tilespmem:s31+$0xFFFFFFD0] =	vst v14;
	v14 =	vadd.f32 v18, v17  }
0x261: {  	s1 =	sadd.s32 $0x200, s1;
	v16 =	vmul.f32 v16, v8;
	v15 =	vld.idx.msk [tilespmem:v15+s30+$0x0], $0xffff;
	v17 =	vmul.f32 v19, v9  }
0x262: {  	v18 =	vld [tilespmem:s1+$0x0];
	v19 =	vmul.f32 v20, v5;
	[tilespmem:s31+$0xD0] =	vst v14  }
0x263: {  	v14 =	vld [tilespmem:s5+$0xFFFFFF00];
	v20 =	vmul.f32 v22, v7;
	v16 =	vadd.f32 v17, v16  }
0x264: {  	v17 =	vld [tilespmem:s1+$0xFFFFFF00]  }
0x265: {  	v22 =	vld [tilespmem:s5+$0xFFFFFF80];
	v19 =	vadd.f32 v20, v19;
	[tilespmem:s31+$0x60] =	vst v16  }
0x266: {  	v16 =	vld [tilespmem:s6+$0x70]  }
0x267: {  	v20 =	vmul.f32 v21, v23;
	v18 =	vmul.f32 v18, v15;
	[tilespmem:s31+$0xFFFFFF60] =	vst v19;
	v19 =	vld [tilespmem:s22+$0x70]  }
0x268: {  	v14 =	vmul.f32 v14, v12;
	v21 =	vld [tilespmem:s1+$0xFFFFFF80]  }
0x269: {  	v17 =	vmul.f32 v17, v13;
	v18 =	vadd.f32 v18, v20;
	v20 =	vld [tilespmem:s5+$0x80]  }
0x26a: {  	s31 =	sadd.s32 $0x200, s31;
	v22 =	vmul.f32 v22, v11;
	v24 =	vld [tilespmem:s1+$0x80]  }
0x26b: {  	v14 =	vadd.f32 v17, v14;
	[tilespmem:s31+$0x0] =	vst v18;
	v17 =	vld [tilespmem:s6+$0xFFFFFFE0]  }
0x26c: {  	v16 =	vmul.f32 v16, v8;
	v8 =	vmovc v23;
	v18 =	vld [tilespmem:s5+$0x10];
	v19 =	vmul.f32 v19, v9;
	v9 =	vmov v15  }
0x26d: {  	[tilespmem:s31+$0xFFFFFF00] =	vst v14;
	v14 =	vmul.f32 v21, v10;
	v15 =	vld [tilespmem:s1+$0x10]  }
0x26e: {  	v21 =	vld [tilespmem:s5+$0xFFFFFF10];
	v20 =	vmul.f32 v20, v4;
	v16 =	vadd.f32 v19, v16  }
0x26f: {  	v19 =	vld [tilespmem:s1+$0xFFFFFF10];
	v14 =	vadd.f32 v14, v22;
	v22 =	vmul.f32 v24, v3  }
0x270: {  	v23 =	vld [tilespmem:s22+$0xFFFFFFE0];
	v17 =	vmul.f32 v17, v6;
	[tilespmem:s21+$0x70] =	vst v16  }
0x271: {  	[tilespmem:s31+$0xFFFFFF80] =	vst v14;
	v14 =	vadd.f32 v22, v20;
	v16 =	vld [tilespmem:s6+$0xE0]  }
0x272: {  	v18 =	vmul.f32 v18, v8;
	v20 =	vld [tilespmem:s5+$0xFFFFFF90];
	v15 =	vmul.f32 v15, v9  }
0x273: {  	v21 =	vmul.f32 v21, v12;
	v22 =	vld [tilespmem:s1+$0xFFFFFF90];
	[tilespmem:s31+$0x80] =	vst v14  }
0x274: {  	v14 =	vmul.f32 v19, v13;
	v15 =	vadd.f32 v15, v18;
	v18 =	vld [tilespmem:s5+$0x90]  }
0x275: {  	v19 =	vld [tilespmem:s1+$0x90];
	v23 =	vmul.f32 v23, v2  }
0x276: {  	v14 =	vadd.f32 v14, v21;
	[tilespmem:s31+$0x10] =	vst v15;
	v15 =	vld [tilespmem:s22+$0xE0];
	v16 =	vmul.f32 v16, v0  }
0x277: {  	v20 =	vmul.f32 v20, v11;
	v21 =	vld [tilespmem:s5+$0x20];
	v17 =	vadd.f32 v23, v17  }
0x278: {  	[tilespmem:s31+$0xFFFFFF10] =	vst v14;
	v14 =	vmul.f32 v22, v10;
	v22 =	vld [tilespmem:s1+$0x20]  }
0x279: {  	v23 =	vld [tilespmem:s5+$0xFFFFFF20];
	v18 =	vmul.f32 v18, v4;
	[tilespmem:s21+$0xFFFFFFE0] =	vst v17  }
0x27a: {  	v17 =	vld [tilespmem:s1+$0xFFFFFF20];
	v14 =	vadd.f32 v14, v20;
	v19 =	vmul.f32 v19, v3  }
0x27b: {  	v20 =	vld [tilespmem:s6+$0xFFFFFF70];
	v15 =	vmul.f32 v15, v1  }
0x27c: {  	[tilespmem:s31+$0xFFFFFF90] =	vst v14;
	v14 =	vadd.f32 v19, v18;
	v18 =	vld [tilespmem:s22+$0xFFFFFF70]  }
0x27d: {  	v21 =	vmul.f32 v21, v8;
	v19 =	vld [tilespmem:s5+$0xFFFFFFA0];
	v22 =	vmul.f32 v22, v9;
	v15 =	vadd.f32 v15, v16  }
0x27e: {  	v16 =	vmul.f32 v23, v12;
	v23 =	vld [tilespmem:s1+$0xFFFFFFA0];
	[tilespmem:s31+$0x90] =	vst v14  }
0x27f: {  	v14 =	vmul.f32 v17, v13;
	v17 =	vadd.f32 v22, v21;
	v21 =	vld [tilespmem:s5+$0xA0];
	[tilespmem:s21+$0xE0] =	vst v15  }
0x280: {  	v15 =	vld [tilespmem:s1+$0xA0];
	v20 =	vmul.f32 v20, v5;
	v5 =	vmov v12  }
0x281: {  	v12 =	vadd.f32 v14, v16;
	[tilespmem:s31+$0x20] =	vst v17;
	v14 =	vmul.f32 v18, v7;
	v16 =	vld [tilespmem:s6+$0xFFFFFFF0];
	v7 =	vmov v13  }
0x282: {  	v13 =	vmul.f32 v19, v11;
	v17 =	vld [tilespmem:s5+$0x30]  }
0x283: {  	[tilespmem:s31+$0xFFFFFF20] =	vst v12;
	v12 =	vmul.f32 v23, v10;
	v18 =	vld [tilespmem:s1+$0x30];
	v14 =	vadd.f32 v14, v20  }
0x284: {  	v19 =	vld [tilespmem:s5+$0xFFFFFF30];
	v20 =	vmul.f32 v21, v4  }
0x285: {  	v21 =	vld [tilespmem:s1+$0xFFFFFF30];
	v22 =	vadd.f32 v12, v13;
	v15 =	vmul.f32 v15, v3;
	[tilespmem:s21+$0xFFFFFF70] =	vst v14  }
.Ltmp1:
0x286: {  	v13 =	vld [tilespmem:s22+$0xFFFFFFF0];
	v12 =	vmul.f32 v16, v6;
	v6 =	vmov v11;
	(pc) =	sbr.rel @p0 .LBB2_4-.Ltmp1, $4  }
0x287: {  	[tilespmem:s31+$0xFFFFFFA0] =	vst v22;
	v16 =	vadd.f32 v15, v20;
	v11 =	vld [tilespmem:s6+$0xF0];
	s6 =	smov.u32 s5  }
0x288: {  	v20 =	vmul.f32 v17, v8;
	v14 =	vld [tilespmem:s5+$0xFFFFFFB0];
	v22 =	vmul.f32 v18, v9  }
0x289: {  	v17 =	vmul.f32 v19, v5;
	v15 =	vld [tilespmem:s1+$0xFFFFFFB0];
	[tilespmem:s31+$0xA0] =	vst v16  }
0x28a: {  	v18 =	vmul.f32 v21, v7;
	v19 =	vadd.f32 v22, v20;
	v16 =	vld [tilespmem:s5+$0xB0]  }
0x28b: {  	v20 =	vld [tilespmem:s1+$0xB0];
	_ =	sdelay $0x2  }
0x28c: {  	v17 =	vadd.f32 v18, v17;
	[tilespmem:s31+$0x30] =	vst v19;
	v14 =	vmul.f32 v14, v6;
	v15 =	vmul.f32 v15, v10  }
0x28d: {  	v18 =	vld [tilespmem:s5+$0x40]  }
0x28e: {  	[tilespmem:s31+$0xFFFFFF30] =	vst v17;
	v17 =	vld [tilespmem:s1+$0x40];
	v16 =	vmul.f32 v16, v4;
	v14 =	vadd.f32 v15, v14;
	v15 =	vmul.f32 v20, v3  }
0x28f: {  	v19 =	vld [tilespmem:s5+$0xFFFFFF40]  }
0x290: {  	v20 =	vld [tilespmem:s1+$0xFFFFFF40];
	[tilespmem:s31+$0xFFFFFFB0] =	vst v14;
	v14 =	vadd.f32 v15, v16  }
0x291: {  	v15 =	vld [tilespmem:s5+$0xFFFFFFC0]  }
0x292: {  	v16 =	vld [tilespmem:s1+$0xFFFFFFC0];
	[tilespmem:s31+$0xB0] =	vst v14  }
0x293: {  	v17 =	vmul.f32 v17, v9;
	v14 =	vmul.f32 v18, v8;
	v18 =	vld [tilespmem:s5+$0xC0]  }
0x294: {  	v21 =	vld [tilespmem:s1+$0xC0]  }
0x295: {  	v19 =	vmul.f32 v19, v5;
	v20 =	vmul.f32 v20, v7;
	v14 =	vadd.f32 v17, v14;
	_ =	sdelay $0x1  }
0x296: {  	v17 =	vadd.f32 v20, v19;
	[tilespmem:s31+$0x40] =	vst v14;
	v14 =	vmul.f32 v15, v6;
	v15 =	vmul.f32 v16, v10  }
0x297: {  	v16 =	vld [tilespmem:s5+$0x50]  }
0x298: {  	[tilespmem:s31+$0xFFFFFF40] =	vst v17;
	v17 =	vld [tilespmem:s1+$0x50];
	v18 =	vmul.f32 v18, v4;
	v14 =	vadd.f32 v15, v14;
	v15 =	vmul.f32 v21, v3  }
0x299: {  	v19 =	vld [tilespmem:s5+$0xFFFFFF50]  }
0x29a: {  	v20 =	vld [tilespmem:s1+$0xFFFFFF50];
	[tilespmem:s31+$0xFFFFFFC0] =	vst v14;
	v14 =	vadd.f32 v15, v18  }
0x29b: {  	v15 =	vld [tilespmem:s5+$0xFFFFFFD0]  }
0x29c: {  	v18 =	vld [tilespmem:s1+$0xFFFFFFD0];
	[tilespmem:s31+$0xC0] =	vst v14  }
0x29d: {  	v14 =	vmul.f32 v16, v8;
	v16 =	vmul.f32 v17, v9;
	v17 =	vld [tilespmem:s5+$0xD0]  }
0x29e: {  	v35 =	vld [tilespmem:s1+$0xD0]  }
0x29f: {  	v19 =	vmul.f32 v19, v5;
	v20 =	vmul.f32 v20, v7;
	v14 =	vadd.f32 v16, v14;
	_ =	sdelay $0x1  }
0x2a0: {  	v16 =	vadd.f32 v20, v19;
	[tilespmem:s31+$0x50] =	vst v14;
	v14 =	vmul.f32 v15, v6;
	v15 =	vmul.f32 v18, v10  }
0x2a1: {  	v18 =	vld [tilespmem:s5+$0x60]  }
0x2a2: {  	[tilespmem:s31+$0xFFFFFF50] =	vst v16;
	v16 =	vld [tilespmem:s1+$0x60];
	v17 =	vmul.f32 v17, v4;
	v14 =	vadd.f32 v15, v14;
	v15 =	vmul.f32 v35, v3  }
0x2a3: {  	v19 =	vld [tilespmem:s5+$0xFFFFFF60]  }
0x2a4: {  	v20 =	vld [tilespmem:s1+$0xFFFFFF60];
	[tilespmem:s31+$0xFFFFFFD0] =	vst v14;
	v14 =	vadd.f32 v15, v17  }
0x2a5: {  	v15 =	vld [tilespmem:s6+$0xFFFFFFE0]  }
0x2a6: {  	[tilespmem:s31+$0xD0] =	vst v14;
	v14 =	vld [tilespmem:s1+$0xFFFFFFE0]  }
0x2a7: {  	v17 =	vmul.f32 v18, v8;
	v16 =	vmul.f32 v16, v9;
	v18 =	vld [tilespmem:s6+$0xE0]  }
0x2a8: {  	v36 =	vld [tilespmem:s1+$0xE0]  }
0x2a9: {  	v19 =	vmul.f32 v19, v5;
	v20 =	vmul.f32 v20, v7;
	v16 =	vadd.f32 v16, v17;
	_ =	sdelay $0x1  }
0x2aa: {  	v17 =	vld [tilespmem:s22+$0xF0];
	v19 =	vadd.f32 v20, v19;
	[tilespmem:s31+$0x60] =	vst v16;
	v15 =	vmul.f32 v15, v6;
	v14 =	vmul.f32 v14, v10  }
0x2ab: {  	v16 =	vld [tilespmem:s6+$0x70]  }
0x2ac: {  	[tilespmem:s31+$0xFFFFFF60] =	vst v19;
	v19 =	vld [tilespmem:s1+$0x70];
	v18 =	vmul.f32 v18, v4;
	v14 =	vadd.f32 v14, v15;
	v15 =	vmul.f32 v36, v3  }
0x2ad: {  	v20 =	vld [tilespmem:s6+$0xFFFFFF70]  }
0x2ae: {  	[tilespmem:s31+$0xFFFFFFE0] =	vst v14;
	v14 =	vld [tilespmem:s1+$0xFFFFFF70];
	v15 =	vadd.f32 v15, v18  }
0x2af: {  	v18 =	vld [tilespmem:s6+$0xFFFFFFF0]  }
0x2b0: {  	[tilespmem:s31+$0xE0] =	vst v15;
	v15 =	vld [tilespmem:s1+$0xFFFFFFF0]  }
0x2b1: {  	v37 =	vld [tilespmem:s6+$0xF0]  }
0x2b2: {  	v2 =	vmul.f32 v13, v2;
	v13 =	vld [tilespmem:s1+$0xF0]  }
0x2b3: {  	v0 =	vmul.f32 v11, v0;
	v1 =	vmul.f32 v17, v1  }
0x2b4: {  	v2 =	vadd.f32 v2, v12;
	v8 =	vmul.f32 v16, v8;
	v9 =	vmul.f32 v19, v9  }
0x2b5: {  	v0 =	vadd.f32 v1, v0;
	v1 =	vmul.f32 v20, v5;
	v5 =	vmul.f32 v14, v7  }
0x2b6: {  	[tilespmem:s21+$0xFFFFFFF0] =	vst v2;
	v2 =	vadd.f32 v9, v8;
	v6 =	vmul.f32 v18, v6;
	v7 =	vmul.f32 v15, v10  }
0x2b7: {  	[tilespmem:s21+$0xF0] =	vst v0;
	v0 =	vadd.f32 v5, v1;
	v1 =	vmul.f32 v37, v4;
	v3 =	vmul.f32 v13, v3  }
0x2b8: {  	[tilespmem:s31+$0x70] =	vst v2;
	v2 =	vadd.f32 v7, v6  }
0x2b9: {  	[tilespmem:s31+$0xFFFFFF70] =	vst v0;
	v0 =	vadd.f32 v3, v1  }
0x2ba: {  	[tilespmem:s31+$0xFFFFFFF0] =	vst v2  }
0x2bb: {  	s6 =	simm.s32 $0x14E00;
	[tilespmem:s31+$0xF0] =	vst v0  }
0x2bc: {  	[hbm4b:s13+s4] =	stream.linear.scatter [tilespmem:s6], [sflag:$0x6], $0x4000, $0x38;
	[tilespmem:$0x18E00] =	vst v63  }
0x2bd: {  	s7 =	simm.s32 $0x4E00  }
0x2be: {  	[tilespmem:s7], [sflag:$0x2] =	stream.linear.gather [hbm4b:s14+s4], $0x4000, $0x38;
	[tilespmem:$0x18E00] =	vst v63  }
0x2bf: {  	s8 =	simm.s32 $0xCE00  }
0x2c0: {  	[tilespmem:s8], [sflag:$0x4] =	stream.linear.gather [hbm4b:s15+s4], $0x4000, $0x38;
	[tilespmem:$0x18E00] =	vst v63  }
0x2c1: {  	_ =	swait.ge [sflag:s26], $0x4000  }
0x2c2: {  	s21 =	simm.s32 $0x100;
	[sflag:s26] =	ssyncset.done $0x0  }
0x2c3: {  	v0 =	vmov s21;
	[sflag:s26] =	ssyncadd.s32 $0xFFFFC000  }
0x2c4: {  	s22 =	simm.s32 $0x103;
	v0 =	vand.u32 $0xFFFFFFFC, v0;
	_ =	swait.ge [sflag:s28], $0x4000  }
0x2c5: {  	v1 =	vmov s22;
	s6 =	simm.s32 $0x102;
	v2 =	vbroadcast v0, $0x0;
	[sflag:s28] =	ssyncset.done $0x0  }
0x2c6: {  	v0 =	vmov s6;
	[sflag:s28] =	ssyncadd.s32 $0xFFFFC000  }
0x2c7: {  	v0 =	vand.u32 $0xFFFFFFFE, v0;
	_ =	swait.ge [sflag:s2], $0x4000  }
0x2c8: {  	v3 =	vbroadcast v0, $0x0;
	[sflag:s2] =	ssyncset.done $0x0  }
0x2c9: {  	[sflag:s2] =	ssyncadd.s32 $0xFFFFC000  }
0x2ca: {  	s7 =	simm.s32 $0x101;
	v0 =	vld.idx.msk [tilespmem:v1+s29+$0x0], $0xffff  }
0x2cb: {  	v4 =	vmov s7;
	v11 =	vld.idx.msk [tilespmem:v2+s29+$0x0], $0xffff  }
0x2cc: {  	s6 =	simm.s32 $0xF00;
	v4 =	vand.u32 $0xFFFFFFFD, v4;
	v13 =	vld.idx.msk [tilespmem:v2+s30+$0x0], $0xffff  }
0x2cd: {  	v2 =	vbroadcast v4, $0x0;
	v4 =	vld [tilespmem:s6+$0x0]  }
0x2ce: {  	v14 =	vld.idx.msk [tilespmem:v3+s29+$0x0], $0xffff  }
0x2cf: {  	s22 =	simm.s32 $0x8F00;
	v15 =	vld.idx.msk [tilespmem:v3+s30+$0x0], $0xffff  }
0x2d0: {  	v3 =	vld [tilespmem:s22+$0x0]  }
0x2d1: {  	v5 =	vld [tilespmem:s6+$0xFFFFFF00]  }
0x2d2: {  	v6 =	vld [tilespmem:s22+$0xFFFFFF00]  }
0x2d3: {  	v1 =	vld.idx.msk [tilespmem:v1+s30+$0x0], $0xffff  }
0x2d4: {  	v7 =	vld [tilespmem:s6+$0xFFFFFF80]  }
0x2d5: {  	v8 =	vld [tilespmem:s22+$0xFFFFFF80];
	v4 =	vmul.f32 v4, v14;
	v3 =	vmul.f32 v3, v15  }
0x2d6: {  	v12 =	vld.idx.msk [tilespmem:v2+s29+$0x0], $0xffff  }
0x2d7: {  	v5 =	vmul.f32 v5, v11;
	v6 =	vmul.f32 v6, v13;
	v2 =	vld.idx.msk [tilespmem:v2+s30+$0x0], $0xffff;
	v3 =	vadd.f32 v3, v4  }
0x2d8: {  	s21 =	simm.s32 $0x10F00;
	v9 =	vld [tilespmem:s22+$0x80]  }
0x2d9: {  	v4 =	vld [tilespmem:s6+$0x80];
	v5 =	vadd.f32 v6, v5;
	[tilespmem:s21+$0x0] =	vst v3  }
0x2da: {  	v3 =	vld [tilespmem:s6+$0x10]  }
0x2db: {  	[tilespmem:s21+$0xFFFFFF00] =	vst v5;
	v6 =	vmul.f32 v7, v12;
	v7 =	vld [tilespmem:s22+$0x10]  }
0x2dc: {  	v10 =	vld [tilespmem:s22+$0xFFFFFF10];
	v5 =	vmul.f32 v8, v2  }
0x2dd: {  	v8 =	vld [tilespmem:s6+$0xFFFFFF10]  }
0x2de: {  	v4 =	vmul.f32 v4, v0;
	v5 =	vadd.f32 v5, v6;
	v6 =	vmul.f32 v9, v1;
	_ =	sdelay $0x1  }
0x2df: {  	[tilespmem:s21+$0xFFFFFF80] =	vst v5;
	v4 =	vadd.f32 v6, v4;
	v3 =	vmul.f32 v3, v14;
	v6 =	vmul.f32 v7, v15  }
0x2e0: {  	v7 =	vld [tilespmem:s22+$0xFFFFFF90]  }
0x2e1: {  	v5 =	vld [tilespmem:s6+$0xFFFFFF90];
	[tilespmem:s21+$0x80] =	vst v4;
	v4 =	vmul.f32 v8, v11;
	v8 =	vmul.f32 v10, v13;
	v3 =	vadd.f32 v6, v3  }
0x2e2: {  	v6 =	vld [tilespmem:s6+$0x90]  }
0x2e3: {  	v9 =	vld [tilespmem:s22+$0x90];
	v4 =	vadd.f32 v8, v4;
	[tilespmem:s21+$0x10] =	vst v3  }
0x2e4: {  	v3 =	vld [tilespmem:s6+$0x20]  }
0x2e5: {  	[tilespmem:s21+$0xFFFFFF10] =	vst v4;
	v4 =	vmul.f32 v7, v2;
	v7 =	vld [tilespmem:s22+$0x20]  }
0x2e6: {  	v5 =	vmul.f32 v5, v12;
	v8 =	vld [tilespmem:s6+$0xFFFFFF20]  }
0x2e7: {  	v10 =	vld [tilespmem:s22+$0xFFFFFF20]  }
0x2e8: {  	v6 =	vmul.f32 v6, v0;
	v4 =	vadd.f32 v4, v5;
	v5 =	vmul.f32 v9, v1;
	_ =	sdelay $0x1  }
0x2e9: {  	[tilespmem:s21+$0xFFFFFF90] =	vst v4;
	v4 =	vadd.f32 v5, v6;
	v3 =	vmul.f32 v3, v14;
	v6 =	vmul.f32 v7, v15  }
0x2ea: {  	v7 =	vld [tilespmem:s22+$0xFFFFFFA0]  }
0x2eb: {  	v5 =	vld [tilespmem:s6+$0xFFFFFFA0];
	[tilespmem:s21+$0x90] =	vst v4;
	v4 =	vmul.f32 v8, v11;
	v8 =	vmul.f32 v10, v13;
	v3 =	vadd.f32 v6, v3  }
0x2ec: {  	v6 =	vld [tilespmem:s6+$0xA0]  }
0x2ed: {  	v9 =	vld [tilespmem:s22+$0xA0];
	v4 =	vadd.f32 v8, v4;
	[tilespmem:s21+$0x20] =	vst v3  }
0x2ee: {  	v3 =	vld [tilespmem:s6+$0x30]  }
0x2ef: {  	[tilespmem:s21+$0xFFFFFF20] =	vst v4;
	v4 =	vmul.f32 v7, v2;
	v7 =	vld [tilespmem:s22+$0x30]  }
0x2f0: {  	v5 =	vmul.f32 v5, v12;
	v8 =	vld [tilespmem:s6+$0xFFFFFF30]  }
0x2f1: {  	v10 =	vld [tilespmem:s22+$0xFFFFFF30]  }
0x2f2: {  	v6 =	vmul.f32 v6, v0;
	v4 =	vadd.f32 v4, v5;
	v5 =	vmul.f32 v9, v1  }
0x2f3: {  	s1 =	simm.s32 $0x9100  }
0x2f4: {  	v25 =	vld [tilespmem:s1+$0x0];
	[tilespmem:s21+$0xFFFFFFA0] =	vst v4;
	v4 =	vadd.f32 v5, v6;
	v3 =	vmul.f32 v3, v14;
	v6 =	vmul.f32 v7, v15  }
0x2f5: {  	v5 =	vld [tilespmem:s6+$0xFFFFFFB0]  }
0x2f6: {  	v7 =	vld [tilespmem:s22+$0xFFFFFFB0];
	[tilespmem:s21+$0xA0] =	vst v4;
	v4 =	vmul.f32 v8, v11;
	v8 =	vmul.f32 v10, v13;
	v3 =	vadd.f32 v6, v3  }
0x2f7: {  	s8 =	simm.s32 $0x107;
	v6 =	vld [tilespmem:s6+$0xB0]  }
0x2f8: {  	v10 =	vmov s8;
	v9 =	vld [tilespmem:s22+$0xB0];
	v4 =	vadd.f32 v8, v4;
	[tilespmem:s21+$0x30] =	vst v3  }
0x2f9: {  	v8 =	vld [tilespmem:s6+$0x40]  }
0x2fa: {  	v3 =	vmul.f32 v5, v12;
	[tilespmem:s21+$0xFFFFFF30] =	vst v4;
	v5 =	vld [tilespmem:s22+$0x40]  }
0x2fb: {  	v4 =	vmul.f32 v7, v2;
	v16 =	vld [tilespmem:s6+$0xFFFFFF40]  }
0x2fc: {  	v17 =	vld [tilespmem:s22+$0xFFFFFF40]  }
0x2fd: {  	s5 =	simm.s32 $0x104;
	v6 =	vmul.f32 v6, v0;
	v18 =	vadd.f32 v4, v3;
	v9 =	vmul.f32 v9, v1;
	v4 =	vld.idx.msk [tilespmem:v10+s29+$0x0], $0xffff  }
0x2fe: {  	v7 =	vmov s5;
	s5 =	simm.s32 $0x1100;
	v3 =	vld.idx.msk [tilespmem:v10+s30+$0x0], $0xffff  }
0x2ff: {  	v24 =	vld [tilespmem:s5+$0x0];
	[tilespmem:s21+$0xFFFFFFB0] =	vst v18;
	v6 =	vadd.f32 v9, v6;
	v8 =	vmul.f32 v8, v14;
	v5 =	vmul.f32 v5, v15  }
0x300: {  	s7 =	simm.s32 $0x105;
	v9 =	vld [tilespmem:s6+$0xFFFFFFC0];
	v10 =	vmul.f32 v16, v11  }
0x301: {  	v16 =	vld [tilespmem:s22+$0xFFFFFFC0];
	[tilespmem:s21+$0xB0] =	vst v6;
	v6 =	vmov s7;
	v17 =	vmul.f32 v17, v13;
	v8 =	vadd.f32 v5, v8  }
0x302: {  	v18 =	vld [tilespmem:s6+$0xC0];
	v6 =	vand.u32 $0xFFFFFFFD, v6  }
0x303: {  	v19 =	vld [tilespmem:s22+$0xC0];
	v20 =	vbroadcast v6, $0x0;
	v6 =	vadd.f32 v17, v10;
	[tilespmem:s21+$0x40] =	vst v8  }
0x304: {  	v7 =	vand.u32 $0xFFFFFFFC, v7;
	v8 =	vld [tilespmem:s6+$0x50]  }
0x305: {  	v7 =	vbroadcast v7, $0x0;
	[tilespmem:s21+$0xFFFFFF40] =	vst v6;
	v10 =	vld [tilespmem:s22+$0x50]  }
0x306: {  	v9 =	vmul.f32 v9, v12;
	v6 =	vmul.f32 v16, v2;
	v16 =	vld [tilespmem:s6+$0xFFFFFF50]  }
0x307: {  	v17 =	vmul.f32 v18, v0;
	v18 =	vld [tilespmem:s22+$0xFFFFFF50]  }
0x308: {  	v26 =	vld [tilespmem:s5+$0xFFFFFF00];
	v19 =	vmul.f32 v19, v1;
	v9 =	vadd.f32 v6, v9  }
0x309: {  	v27 =	vld [tilespmem:s5+$0xFFFFFF80]  }
0x30a: {  	v39 =	vld [tilespmem:s5+$0x80];
	[tilespmem:s21+$0xFFFFFFC0] =	vst v9;
	v9 =	vadd.f32 v19, v17;
	v8 =	vmul.f32 v8, v14;
	v10 =	vmul.f32 v10, v15  }
0x30b: {  	s8 =	simm.s32 $0x106;
	v5 =	vld.idx.msk [tilespmem:v7+s29+$0x0], $0xffff;
	v16 =	vmul.f32 v16, v11  }
0x30c: {  	v6 =	vld.idx.msk [tilespmem:v20+s29+$0x0], $0xffff;
	[tilespmem:s21+$0xC0] =	vst v9;
	v9 =	vmov s8;
	v18 =	vmul.f32 v18, v13;
	v8 =	vadd.f32 v10, v8  }
0x30d: {  	v17 =	vld [tilespmem:s6+$0xFFFFFFD0];
	v9 =	vand.u32 $0xFFFFFFFE, v9  }
0x30e: {  	v19 =	vld [tilespmem:s22+$0xFFFFFFD0];
	v9 =	vbroadcast v9, $0x0;
	v16 =	vadd.f32 v18, v16;
	[tilespmem:s21+$0x50] =	vst v8  }
0x30f: {  	v18 =	vld [tilespmem:s6+$0x60]  }
0x310: {  	[tilespmem:s21+$0xFFFFFF50] =	vst v16;
	v16 =	vld [tilespmem:s22+$0x60]  }
0x311: {  	v10 =	vld.idx.msk [tilespmem:v20+s30+$0x0], $0xffff  }
0x312: {  	v20 =	vld [tilespmem:s6+$0xFFFFFF60]  }
0x313: {  	v23 =	vld [tilespmem:s22+$0xFFFFFF60]  }
0x314: {  	v8 =	vld.idx.msk [tilespmem:v9+s29+$0x0], $0xffff  }
0x315: {  	v9 =	vld.idx.msk [tilespmem:v9+s30+$0x0], $0xffff;
	v18 =	vmul.f32 v18, v14;
	v16 =	vmul.f32 v16, v15  }
0x316: {  	v7 =	vld.idx.msk [tilespmem:v7+s30+$0x0], $0xffff  }
0x317: {  	v16 =	vadd.f32 v16, v18;
	v18 =	vld [tilespmem:s1+$0xFFFFFF00]  }
0x318: {  	v38 =	vld [tilespmem:s6+$0xD0];
	v20 =	vmul.f32 v20, v11;
	v23 =	vmul.f32 v23, v13  }
0x319: {  	v22 =	vld [tilespmem:s22+$0xD0];
	[tilespmem:s21+$0x60] =	vst v16;
	v16 =	vmul.f32 v17, v12;
	v17 =	vmul.f32 v19, v2  }
0x31a: {  	v20 =	vadd.f32 v23, v20;
	v24 =	vmul.f32 v24, v8;
	v25 =	vmul.f32 v25, v9;
	v19 =	vld [tilespmem:s6+$0x70]  }
0x31b: {  	v16 =	vadd.f32 v17, v16;
	v17 =	vld [tilespmem:s1+$0xFFFFFF80]  }
0x31c: {  	v26 =	vmul.f32 v26, v5;
	v28 =	vld [tilespmem:s22+$0x70];
	[tilespmem:s21+$0xFFFFFF60] =	vst v20;
	v24 =	vadd.f32 v25, v24;
	v18 =	vmul.f32 v18, v7  }
0x31d: {  	s31 =	simm.s32 $0x11100;
	[tilespmem:s21+$0xFFFFFFD0] =	vst v16;
	v16 =	vld [tilespmem:s1+$0x80]  }
0x31e: {  	v55 =	vld [tilespmem:s6+$0xFFFFFF70];
	[tilespmem:s31+$0x0] =	vst v24;
	v18 =	vadd.f32 v18, v26  }
0x31f: {  	v41 =	vld [tilespmem:s5+$0x10]  }
0x320: {  	v27 =	vmul.f32 v27, v6;
	[tilespmem:s31+$0xFFFFFF00] =	vst v18;
	v17 =	vmul.f32 v17, v10;
	v18 =	vld [tilespmem:s1+$0x10]  }
0x321: {  	v42 =	vld [tilespmem:s5+$0xFFFFFF10]  }
0x322: {  	v25 =	vmul.f32 v39, v4;
	v29 =	vld [tilespmem:s1+$0xFFFFFF10];
	v17 =	vadd.f32 v17, v27;
	v16 =	vmul.f32 v16, v3  }
0x323: {  	v40 =	vld [tilespmem:s6+$0xFFFFFFE0]  }
0x324: {  	v21 =	vmul.f32 v38, v0;
	v22 =	vmul.f32 v22, v1;
	v43 =	vld [tilespmem:s22+$0xFFFFFFE0];
	[tilespmem:s31+$0xFFFFFF80] =	vst v17;
	v16 =	vadd.f32 v16, v25  }
0x325: {  	v26 =	vmul.f32 v41, v8;
	v44 =	vld [tilespmem:s5+$0xFFFFFF90];
	v18 =	vmul.f32 v18, v9  }
0x326: {  	v21 =	vadd.f32 v22, v21;
	v45 =	vld [tilespmem:s1+$0xFFFFFF90];
	[tilespmem:s31+$0x80] =	vst v16  }
0x327: {  	v16 =	vmul.f32 v42, v5;
	v46 =	vmul.f32 v29, v7;
	v18 =	vadd.f32 v18, v26;
	v47 =	vld [tilespmem:s5+$0x90]  }
0x328: {  	[tilespmem:s21+$0xD0] =	vst v21;
	v48 =	vld [tilespmem:s1+$0x90]  }
0x329: {  	v24 =	vmul.f32 v40, v12;
	v21 =	vmul.f32 v43, v2;
	v17 =	vld [tilespmem:s6+$0xE0];
	v16 =	vadd.f32 v46, v16;
	[tilespmem:s31+$0x10] =	vst v18  }
0x32a: {  	v49 =	vld [tilespmem:s5+$0x20]  }
0x32b: {  	v21 =	vadd.f32 v21, v24;
	v50 =	vmul.f32 v44, v6;
	[tilespmem:s31+$0xFFFFFF10] =	vst v16;
	v16 =	vmul.f32 v45, v10;
	v51 =	vld [tilespmem:s1+$0x20]  }
0x32c: {  	v52 =	vld [tilespmem:s5+$0xFFFFFF20]  }
0x32d: {  	[tilespmem:s21+$0xFFFFFFE0] =	vst v21;
	v53 =	vld [tilespmem:s1+$0xFFFFFF20];
	v20 =	vmul.f32 v47, v4;
	v16 =	vadd.f32 v16, v50;
	v54 =	vmul.f32 v48, v3  }
0x32e: {  	v60 =	vld [tilespmem:s6+$0xFFFFFFF0]  }
0x32f: {  	v18 =	vld [tilespmem:s22+$0xE0];
	[tilespmem:s31+$0xFFFFFF90] =	vst v16;
	v16 =	vadd.f32 v54, v20  }
0x330: {  	v56 =	vld [tilespmem:s5+$0xFFFFFFA0];
	v22 =	vmul.f32 v49, v8;
	v25 =	vmul.f32 v51, v9  }
0x331: {  	[tilespmem:s31+$0x90] =	vst v16;
	v16 =	vld [tilespmem:s1+$0xFFFFFFA0]  }
0x332: {  	v57 =	vmul.f32 v52, v5;
	v26 =	vmul.f32 v53, v7;
	v22 =	vadd.f32 v25, v22;
	v58 =	vld [tilespmem:s5+$0xA0]  }
0x333: {  	v59 =	vld [tilespmem:s1+$0xA0]  }
0x334: {  	v20 =	vld [tilespmem:s22+$0xFFFFFF70];
	v24 =	vadd.f32 v26, v57;
	[tilespmem:s31+$0x20] =	vst v22  }
0x335: {  	v17 =	vmul.f32 v17, v0;
	v18 =	vmul.f32 v18, v1;
	v61 =	vld [tilespmem:s5+$0x30]  }
0x336: {  	v23 =	vmul.f32 v56, v6;
	[tilespmem:s31+$0xFFFFFF20] =	vst v24;
	v62 =	vld [tilespmem:s1+$0x30];
	v16 =	vmul.f32 v16, v10  }
0x337: {  	v14 =	vmul.f32 v19, v14;
	v15 =	vmul.f32 v28, v15;
	v17 =	vadd.f32 v18, v17;
	v18 =	vld [tilespmem:s5+$0xFFFFFF30]  }
0x338: {  	v63 =	vld [tilespmem:s1+$0xFFFFFF30];
	v19 =	vmul.f32 v58, v4;
	v21 =	vmul.f32 v59, v3;
	v16 =	vadd.f32 v16, v23  }
0x339: {  	v14 =	vadd.f32 v15, v14;
	v15 =	vmul.f32 v55, v11;
	[tilespmem:s21+$0xE0] =	vst v17;
	v17 =	vmul.f32 v20, v13;
	v13 =	vld [tilespmem:s22+$0xFFFFFFF0]  }
0x33a: {  	v11 =	vld [tilespmem:s6+$0xF0];
	[tilespmem:s31+$0xFFFFFFA0] =	vst v16;
	v16 =	vadd.f32 v21, v19  }
0x33b: {  	[tilespmem:s21+$0x70] =	vst v14;
	v17 =	vadd.f32 v17, v15;
	v19 =	vmul.f32 v61, v8;
	v20 =	vmul.f32 v62, v9;
	v14 =	vld [tilespmem:s5+$0xFFFFFFB0]  }
0x33c: {  	v12 =	vmul.f32 v60, v12;
	v15 =	vld [tilespmem:s1+$0xFFFFFFB0];
	[tilespmem:s31+$0xA0] =	vst v16  }
0x33d: {  	s7 =	simm.s32 $0x4;
	s6 =	simm.s32 $0x1100;
	[tilespmem:s21+$0xFFFFFF70] =	vst v17;
	v17 =	vmul.f32 v18, v5;
	v18 =	vmul.f32 v63, v7;
	v19 =	vadd.f32 v20, v19;
	v16 =	vld [tilespmem:s5+$0xB0]  }
.LBB2_6:
0x33e: {  	s8 =	sadd.s32 $0x107, s7;
	v20 =	vld [tilespmem:s1+$0xB0];
	v13 =	vmul.f32 v13, v2;
	v2 =	vmov v10  }
0x33f: {  	v10 =	vmov s8;
	v17 =	vadd.f32 v18, v17;
	[tilespmem:s31+$0x30] =	vst v19;
	v18 =	vld [tilespmem:s22+$0xF0];
	v11 =	vmul.f32 v11, v0;
	v0 =	vmovc v4;
	s22 =	smov.u32 s1  }
0x340: {  	v4 =	vmul.f32 v14, v6;
	v14 =	vld [tilespmem:s5+$0x40];
	v12 =	vadd.f32 v13, v12  }
0x341: {  	s8 =	sadd.s32 $0x104, s7;
	[tilespmem:s31+$0xFFFFFF30] =	vst v17;
	v13 =	vmul.f32 v15, v2;
	v15 =	vld [tilespmem:s1+$0x40]  }
0x342: {  	v17 =	vmov s8;
	v19 =	vld [tilespmem:s5+$0xFFFFFF40];
	v16 =	vmul.f32 v16, v0;
	[tilespmem:s21+$0xFFFFFFF0] =	vst v12  }
0x343: {  	v12 =	vand.u32 $0xFFFFFFFC, v17;
	v17 =	vld [tilespmem:s1+$0xFFFFFF40];
	v13 =	vadd.f32 v13, v4;
	v20 =	vmul.f32 v20, v3  }
0x344: {  	v21 =	vbroadcast v12, $0x0;
	v4 =	vld.idx.msk [tilespmem:v10+s29+$0x0], $0xffff;
	v12 =	vmul.f32 v18, v1;
	v1 =	vmov v3  }
0x345: {  	v3 =	vld.idx.msk [tilespmem:v10+s30+$0x0], $0xffff;
	[tilespmem:s31+$0xFFFFFFB0] =	vst v13;
	v10 =	vadd.f32 v20, v16  }
0x346: {  	v14 =	vmul.f32 v14, v8;
	v13 =	vld [tilespmem:s5+$0xFFFFFFC0];
	v15 =	vmul.f32 v15, v9;
	v11 =	vadd.f32 v12, v11  }
0x347: {  	s8 =	sadd.s32 $0x105, s7;
	v16 =	vmul.f32 v19, v5;
	v18 =	vld [tilespmem:s1+$0xFFFFFFC0];
	[tilespmem:s31+$0xB0] =	vst v10  }
0x348: {  	v10 =	vmov s8;
	v17 =	vmul.f32 v17, v7;
	v14 =	vadd.f32 v15, v14;
	v15 =	vld [tilespmem:s5+$0xC0];
	[tilespmem:s21+$0xF0] =	vst v11;
	s21 =	smov.u32 s31  }
0x349: {  	v10 =	vand.u32 $0xFFFFFFFD, v10;
	v11 =	vld [tilespmem:s1+$0xC0]  }
0x34a: {  	v10 =	vbroadcast v10, $0x0;
	v12 =	vld.idx.msk [tilespmem:v21+s29+$0x0], $0xffff;
	v16 =	vadd.f32 v17, v16;
	[tilespmem:s31+$0x40] =	vst v14  }
0x34b: {  	v13 =	vmul.f32 v13, v6;
	v14 =	vld [tilespmem:s5+$0x50]  }
0x34c: {  	[tilespmem:s31+$0xFFFFFF40] =	vst v16;
	v16 =	vmul.f32 v18, v2;
	v17 =	vld [tilespmem:s1+$0x50]  }
0x34d: {  	v18 =	vld [tilespmem:s5+$0xFFFFFF50];
	v15 =	vmul.f32 v15, v0  }
0x34e: {  	v19 =	vld [tilespmem:s1+$0xFFFFFF50];
	v16 =	vadd.f32 v16, v13;
	v20 =	vmul.f32 v11, v1  }
0x34f: {  	v13 =	vld.idx.msk [tilespmem:v21+s30+$0x0], $0xffff  }
0x350: {  	v11 =	vld.idx.msk [tilespmem:v10+s29+$0x0], $0xffff;
	[tilespmem:s31+$0xFFFFFFC0] =	vst v16;
	v15 =	vadd.f32 v20, v15  }
0x351: {  	v14 =	vmul.f32 v14, v8;
	v16 =	vld [tilespmem:s5+$0xFFFFFFD0];
	v17 =	vmul.f32 v17, v9  }
0x352: {  	s8 =	sadd.s32 $0x106, s7;
	v18 =	vmul.f32 v18, v5;
	v20 =	vld [tilespmem:s1+$0xFFFFFFD0];
	[tilespmem:s31+$0xC0] =	vst v15  }
0x353: {  	v15 =	vmov s8;
	v19 =	vmul.f32 v19, v7;
	v14 =	vadd.f32 v17, v14;
	v17 =	vld [tilespmem:s5+$0xD0]  }
0x354: {  	v15 =	vand.u32 $0xFFFFFFFE, v15;
	v21 =	vld [tilespmem:s1+$0xD0]  }
0x355: {  	v15 =	vbroadcast v15, $0x0;
	v10 =	vld.idx.msk [tilespmem:v10+s30+$0x0], $0xffff;
	v18 =	vadd.f32 v19, v18;
	[tilespmem:s31+$0x50] =	vst v14  }
0x356: {  	v14 =	vmul.f32 v16, v6;
	v16 =	vld [tilespmem:s5+$0x60]  }
0x357: {  	[tilespmem:s31+$0xFFFFFF50] =	vst v18;
	v18 =	vmul.f32 v20, v2;
	v19 =	vld [tilespmem:s1+$0x60]  }
0x358: {  	v20 =	vld [tilespmem:s5+$0xFFFFFF60];
	v17 =	vmul.f32 v17, v0  }
0x359: {  	s5 =	sadd.s32 $0x200, s5;
	v22 =	vld [tilespmem:s1+$0xFFFFFF60];
	v14 =	vadd.f32 v18, v14;
	v18 =	vmul.f32 v21, v1  }
0x35a: {  	s7 =	sadd.s32 $0x4, s7;
	v21 =	vld [tilespmem:s5+$0x0]  }
0x35b: {  	p0 =	slt.u32 s7, $0x7C;
	v23 =	vld.idx.msk [tilespmem:v15+s29+$0x0], $0xffff;
	[tilespmem:s31+$0xFFFFFFD0] =	vst v14;
	v14 =	vadd.f32 v18, v17  }
0x35c: {  	s1 =	sadd.s32 $0x200, s1;
	v16 =	vmul.f32 v16, v8;
	v15 =	vld.idx.msk [tilespmem:v15+s30+$0x0], $0xffff;
	v17 =	vmul.f32 v19, v9  }
0x35d: {  	v18 =	vld [tilespmem:s1+$0x0];
	v19 =	vmul.f32 v20, v5;
	[tilespmem:s31+$0xD0] =	vst v14  }
0x35e: {  	v14 =	vld [tilespmem:s5+$0xFFFFFF00];
	v20 =	vmul.f32 v22, v7;
	v16 =	vadd.f32 v17, v16  }
0x35f: {  	v17 =	vld [tilespmem:s1+$0xFFFFFF00]  }
0x360: {  	v22 =	vld [tilespmem:s5+$0xFFFFFF80];
	v19 =	vadd.f32 v20, v19;
	[tilespmem:s31+$0x60] =	vst v16  }
0x361: {  	v16 =	vld [tilespmem:s6+$0x70]  }
0x362: {  	v20 =	vmul.f32 v21, v23;
	v18 =	vmul.f32 v18, v15;
	[tilespmem:s31+$0xFFFFFF60] =	vst v19;
	v19 =	vld [tilespmem:s22+$0x70]  }
0x363: {  	v14 =	vmul.f32 v14, v12;
	v21 =	vld [tilespmem:s1+$0xFFFFFF80]  }
0x364: {  	v17 =	vmul.f32 v17, v13;
	v18 =	vadd.f32 v18, v20;
	v20 =	vld [tilespmem:s5+$0x80]  }
0x365: {  	s31 =	sadd.s32 $0x200, s31;
	v22 =	vmul.f32 v22, v11;
	v24 =	vld [tilespmem:s1+$0x80]  }
0x366: {  	v14 =	vadd.f32 v17, v14;
	[tilespmem:s31+$0x0] =	vst v18;
	v17 =	vld [tilespmem:s6+$0xFFFFFFE0]  }
0x367: {  	v16 =	vmul.f32 v16, v8;
	v8 =	vmovc v23;
	v18 =	vld [tilespmem:s5+$0x10];
	v19 =	vmul.f32 v19, v9;
	v9 =	vmov v15  }
0x368: {  	[tilespmem:s31+$0xFFFFFF00] =	vst v14;
	v14 =	vmul.f32 v21, v10;
	v15 =	vld [tilespmem:s1+$0x10]  }
0x369: {  	v21 =	vld [tilespmem:s5+$0xFFFFFF10];
	v20 =	vmul.f32 v20, v4;
	v16 =	vadd.f32 v19, v16  }
0x36a: {  	v19 =	vld [tilespmem:s1+$0xFFFFFF10];
	v14 =	vadd.f32 v14, v22;
	v22 =	vmul.f32 v24, v3  }
0x36b: {  	v23 =	vld [tilespmem:s22+$0xFFFFFFE0];
	v17 =	vmul.f32 v17, v6;
	[tilespmem:s21+$0x70] =	vst v16  }
0x36c: {  	[tilespmem:s31+$0xFFFFFF80] =	vst v14;
	v14 =	vadd.f32 v22, v20;
	v16 =	vld [tilespmem:s6+$0xE0]  }
0x36d: {  	v18 =	vmul.f32 v18, v8;
	v20 =	vld [tilespmem:s5+$0xFFFFFF90];
	v15 =	vmul.f32 v15, v9  }
0x36e: {  	v21 =	vmul.f32 v21, v12;
	v22 =	vld [tilespmem:s1+$0xFFFFFF90];
	[tilespmem:s31+$0x80] =	vst v14  }
0x36f: {  	v14 =	vmul.f32 v19, v13;
	v15 =	vadd.f32 v15, v18;
	v18 =	vld [tilespmem:s5+$0x90]  }
0x370: {  	v19 =	vld [tilespmem:s1+$0x90];
	v23 =	vmul.f32 v23, v2  }
0x371: {  	v14 =	vadd.f32 v14, v21;
	[tilespmem:s31+$0x10] =	vst v15;
	v15 =	vld [tilespmem:s22+$0xE0];
	v16 =	vmul.f32 v16, v0  }
0x372: {  	v20 =	vmul.f32 v20, v11;
	v21 =	vld [tilespmem:s5+$0x20];
	v17 =	vadd.f32 v23, v17  }
0x373: {  	[tilespmem:s31+$0xFFFFFF10] =	vst v14;
	v14 =	vmul.f32 v22, v10;
	v22 =	vld [tilespmem:s1+$0x20]  }
0x374: {  	v23 =	vld [tilespmem:s5+$0xFFFFFF20];
	v18 =	vmul.f32 v18, v4;
	[tilespmem:s21+$0xFFFFFFE0] =	vst v17  }
0x375: {  	v17 =	vld [tilespmem:s1+$0xFFFFFF20];
	v14 =	vadd.f32 v14, v20;
	v19 =	vmul.f32 v19, v3  }
0x376: {  	v20 =	vld [tilespmem:s6+$0xFFFFFF70];
	v15 =	vmul.f32 v15, v1  }
0x377: {  	[tilespmem:s31+$0xFFFFFF90] =	vst v14;
	v14 =	vadd.f32 v19, v18;
	v18 =	vld [tilespmem:s22+$0xFFFFFF70]  }
0x378: {  	v21 =	vmul.f32 v21, v8;
	v19 =	vld [tilespmem:s5+$0xFFFFFFA0];
	v22 =	vmul.f32 v22, v9;
	v15 =	vadd.f32 v15, v16  }
0x379: {  	v16 =	vmul.f32 v23, v12;
	v23 =	vld [tilespmem:s1+$0xFFFFFFA0];
	[tilespmem:s31+$0x90] =	vst v14  }
0x37a: {  	v14 =	vmul.f32 v17, v13;
	v17 =	vadd.f32 v22, v21;
	v21 =	vld [tilespmem:s5+$0xA0];
	[tilespmem:s21+$0xE0] =	vst v15  }
0x37b: {  	v15 =	vld [tilespmem:s1+$0xA0];
	v20 =	vmul.f32 v20, v5;
	v5 =	vmov v12  }
0x37c: {  	v12 =	vadd.f32 v14, v16;
	[tilespmem:s31+$0x20] =	vst v17;
	v14 =	vmul.f32 v18, v7;
	v16 =	vld [tilespmem:s6+$0xFFFFFFF0];
	v7 =	vmov v13  }
0x37d: {  	v13 =	vmul.f32 v19, v11;
	v17 =	vld [tilespmem:s5+$0x30]  }
0x37e: {  	[tilespmem:s31+$0xFFFFFF20] =	vst v12;
	v12 =	vmul.f32 v23, v10;
	v18 =	vld [tilespmem:s1+$0x30];
	v14 =	vadd.f32 v14, v20  }
0x37f: {  	v19 =	vld [tilespmem:s5+$0xFFFFFF30];
	v20 =	vmul.f32 v21, v4  }
0x380: {  	v21 =	vld [tilespmem:s1+$0xFFFFFF30];
	v22 =	vadd.f32 v12, v13;
	v15 =	vmul.f32 v15, v3;
	[tilespmem:s21+$0xFFFFFF70] =	vst v14  }
.Ltmp2:
0x381: {  	v13 =	vld [tilespmem:s22+$0xFFFFFFF0];
	v12 =	vmul.f32 v16, v6;
	v6 =	vmov v11;
	(pc) =	sbr.rel @p0 .LBB2_6-.Ltmp2, $4  }
0x382: {  	[tilespmem:s31+$0xFFFFFFA0] =	vst v22;
	v16 =	vadd.f32 v15, v20;
	v11 =	vld [tilespmem:s6+$0xF0];
	s6 =	smov.u32 s5  }
0x383: {  	v20 =	vmul.f32 v17, v8;
	v14 =	vld [tilespmem:s5+$0xFFFFFFB0];
	v22 =	vmul.f32 v18, v9  }
0x384: {  	v17 =	vmul.f32 v19, v5;
	v15 =	vld [tilespmem:s1+$0xFFFFFFB0];
	[tilespmem:s31+$0xA0] =	vst v16  }
0x385: {  	v18 =	vmul.f32 v21, v7;
	v19 =	vadd.f32 v22, v20;
	v16 =	vld [tilespmem:s5+$0xB0]  }
0x386: {  	v20 =	vld [tilespmem:s1+$0xB0];
	_ =	sdelay $0x2  }
0x387: {  	v17 =	vadd.f32 v18, v17;
	[tilespmem:s31+$0x30] =	vst v19;
	v14 =	vmul.f32 v14, v6;
	v15 =	vmul.f32 v15, v10  }
0x388: {  	v18 =	vld [tilespmem:s5+$0x40]  }
0x389: {  	[tilespmem:s31+$0xFFFFFF30] =	vst v17;
	v17 =	vld [tilespmem:s1+$0x40];
	v16 =	vmul.f32 v16, v4;
	v14 =	vadd.f32 v15, v14;
	v15 =	vmul.f32 v20, v3  }
0x38a: {  	v19 =	vld [tilespmem:s5+$0xFFFFFF40]  }
0x38b: {  	v20 =	vld [tilespmem:s1+$0xFFFFFF40];
	[tilespmem:s31+$0xFFFFFFB0] =	vst v14;
	v14 =	vadd.f32 v15, v16  }
0x38c: {  	v15 =	vld [tilespmem:s5+$0xFFFFFFC0]  }
0x38d: {  	v16 =	vld [tilespmem:s1+$0xFFFFFFC0];
	[tilespmem:s31+$0xB0] =	vst v14  }
0x38e: {  	v17 =	vmul.f32 v17, v9;
	v14 =	vmul.f32 v18, v8;
	v18 =	vld [tilespmem:s5+$0xC0]  }
0x38f: {  	v21 =	vld [tilespmem:s1+$0xC0]  }
0x390: {  	v19 =	vmul.f32 v19, v5;
	v20 =	vmul.f32 v20, v7;
	v14 =	vadd.f32 v17, v14;
	_ =	sdelay $0x1  }
0x391: {  	v17 =	vadd.f32 v20, v19;
	[tilespmem:s31+$0x40] =	vst v14;
	v14 =	vmul.f32 v15, v6;
	v15 =	vmul.f32 v16, v10  }
0x392: {  	v16 =	vld [tilespmem:s5+$0x50]  }
0x393: {  	[tilespmem:s31+$0xFFFFFF40] =	vst v17;
	v17 =	vld [tilespmem:s1+$0x50];
	v18 =	vmul.f32 v18, v4;
	v14 =	vadd.f32 v15, v14;
	v15 =	vmul.f32 v21, v3  }
0x394: {  	v19 =	vld [tilespmem:s5+$0xFFFFFF50]  }
0x395: {  	v20 =	vld [tilespmem:s1+$0xFFFFFF50];
	[tilespmem:s31+$0xFFFFFFC0] =	vst v14;
	v14 =	vadd.f32 v15, v18  }
0x396: {  	v15 =	vld [tilespmem:s5+$0xFFFFFFD0]  }
0x397: {  	v18 =	vld [tilespmem:s1+$0xFFFFFFD0];
	[tilespmem:s31+$0xC0] =	vst v14  }
0x398: {  	v14 =	vmul.f32 v16, v8;
	v16 =	vmul.f32 v17, v9;
	v17 =	vld [tilespmem:s5+$0xD0]  }
0x399: {  	v35 =	vld [tilespmem:s1+$0xD0]  }
0x39a: {  	v19 =	vmul.f32 v19, v5;
	v20 =	vmul.f32 v20, v7;
	v14 =	vadd.f32 v16, v14;
	_ =	sdelay $0x1  }
0x39b: {  	v16 =	vadd.f32 v20, v19;
	[tilespmem:s31+$0x50] =	vst v14;
	v14 =	vmul.f32 v15, v6;
	v15 =	vmul.f32 v18, v10  }
0x39c: {  	v18 =	vld [tilespmem:s5+$0x60]  }
0x39d: {  	[tilespmem:s31+$0xFFFFFF50] =	vst v16;
	v16 =	vld [tilespmem:s1+$0x60];
	v17 =	vmul.f32 v17, v4;
	v14 =	vadd.f32 v15, v14;
	v15 =	vmul.f32 v35, v3  }
0x39e: {  	v19 =	vld [tilespmem:s5+$0xFFFFFF60]  }
0x39f: {  	v20 =	vld [tilespmem:s1+$0xFFFFFF60];
	[tilespmem:s31+$0xFFFFFFD0] =	vst v14;
	v14 =	vadd.f32 v15, v17  }
0x3a0: {  	v15 =	vld [tilespmem:s6+$0xFFFFFFE0]  }
0x3a1: {  	[tilespmem:s31+$0xD0] =	vst v14;
	v14 =	vld [tilespmem:s1+$0xFFFFFFE0]  }
0x3a2: {  	v17 =	vmul.f32 v18, v8;
	v16 =	vmul.f32 v16, v9;
	v18 =	vld [tilespmem:s6+$0xE0]  }
0x3a3: {  	v36 =	vld [tilespmem:s1+$0xE0]  }
0x3a4: {  	v19 =	vmul.f32 v19, v5;
	v20 =	vmul.f32 v20, v7;
	v16 =	vadd.f32 v16, v17;
	_ =	sdelay $0x1  }
0x3a5: {  	v17 =	vld [tilespmem:s22+$0xF0];
	v19 =	vadd.f32 v20, v19;
	[tilespmem:s31+$0x60] =	vst v16;
	v15 =	vmul.f32 v15, v6;
	v14 =	vmul.f32 v14, v10  }
0x3a6: {  	v16 =	vld [tilespmem:s6+$0x70]  }
0x3a7: {  	[tilespmem:s31+$0xFFFFFF60] =	vst v19;
	v19 =	vld [tilespmem:s1+$0x70];
	v18 =	vmul.f32 v18, v4;
	v14 =	vadd.f32 v14, v15;
	v15 =	vmul.f32 v36, v3  }
0x3a8: {  	v20 =	vld [tilespmem:s6+$0xFFFFFF70]  }
0x3a9: {  	[tilespmem:s31+$0xFFFFFFE0] =	vst v14;
	v14 =	vld [tilespmem:s1+$0xFFFFFF70];
	v15 =	vadd.f32 v15, v18  }
0x3aa: {  	v18 =	vld [tilespmem:s6+$0xFFFFFFF0]  }
0x3ab: {  	[tilespmem:s31+$0xE0] =	vst v15;
	v15 =	vld [tilespmem:s1+$0xFFFFFFF0]  }
0x3ac: {  	v37 =	vld [tilespmem:s6+$0xF0]  }
0x3ad: {  	v2 =	vmul.f32 v13, v2;
	v13 =	vld [tilespmem:s1+$0xF0]  }
0x3ae: {  	v0 =	vmul.f32 v11, v0;
	v1 =	vmul.f32 v17, v1  }
0x3af: {  	v2 =	vadd.f32 v2, v12;
	v8 =	vmul.f32 v16, v8;
	v9 =	vmul.f32 v19, v9  }
0x3b0: {  	v0 =	vadd.f32 v1, v0;
	v1 =	vmul.f32 v20, v5;
	v5 =	vmul.f32 v14, v7  }
0x3b1: {  	[tilespmem:s21+$0xFFFFFFF0] =	vst v2;
	v2 =	vadd.f32 v9, v8;
	v6 =	vmul.f32 v18, v6;
	v7 =	vmul.f32 v15, v10  }
0x3b2: {  	[tilespmem:s21+$0xF0] =	vst v0;
	v0 =	vadd.f32 v5, v1;
	v1 =	vmul.f32 v37, v4;
	v3 =	vmul.f32 v13, v3  }
0x3b3: {  	[tilespmem:s31+$0x70] =	vst v2;
	v2 =	vadd.f32 v7, v6  }
0x3b4: {  	[tilespmem:s31+$0xFFFFFF70] =	vst v0;
	v0 =	vadd.f32 v3, v1  }
0x3b5: {  	[tilespmem:s31+$0xFFFFFFF0] =	vst v2  }
0x3b6: {  	s8 =	simm.s32 $0x10E00;
	[tilespmem:s31+$0xF0] =	vst v0  }
0x3b7: {  	[hbm4b:s16+s4] =	stream.linear.scatter [tilespmem:s8], [sflag:$0x5], $0x4000, $0x38;
	[tilespmem:$0x18E00] =	vst v63  }
0x3b8: {  	_ =	swait.ge [sflag:s0], $0x4000  }
0x3b9: {  	s21 =	simm.s32 $0x180;
	[sflag:s0] =	ssyncset.done $0x0  }
0x3ba: {  	v0 =	vmov s21;
	[sflag:s0] =	ssyncadd.s32 $0xFFFFC000  }
0x3bb: {  	s22 =	simm.s32 $0x183;
	v0 =	vand.u32 $0xFFFFFFFC, v0;
	_ =	swait.ge [sflag:s3], $0x4000  }
0x3bc: {  	s6 =	simm.s32 $0x182;
	v1 =	vmov s22;
	v2 =	vbroadcast v0, $0x0;
	[sflag:s3] =	ssyncset.done $0x0  }
0x3bd: {  	v0 =	vmov s6;
	[sflag:s3] =	ssyncadd.s32 $0xFFFFC000  }
0x3be: {  	v0 =	vand.u32 $0xFFFFFFFE, v0;
	_ =	swait.ge [sflag:s19], $0x4000  }
0x3bf: {  	v3 =	vbroadcast v0, $0x0;
	[sflag:s19] =	ssyncset.done $0x0  }
0x3c0: {  	[sflag:s19] =	ssyncadd.s32 $0xFFFFC000  }
0x3c1: {  	s7 =	simm.s32 $0x181;
	v0 =	vld.idx.msk [tilespmem:v1+s29+$0x0], $0xffff  }
0x3c2: {  	v4 =	vmov s7;
	v11 =	vld.idx.msk [tilespmem:v2+s29+$0x0], $0xffff  }
0x3c3: {  	v4 =	vand.u32 $0xFFFFFFFD, v4;
	s6 =	simm.s32 $0x4F00;
	v13 =	vld.idx.msk [tilespmem:v2+s30+$0x0], $0xffff  }
0x3c4: {  	v2 =	vbroadcast v4, $0x0;
	v4 =	vld [tilespmem:s6+$0x0]  }
0x3c5: {  	v14 =	vld.idx.msk [tilespmem:v3+s29+$0x0], $0xffff  }
0x3c6: {  	s22 =	simm.s32 $0xCF00;
	v15 =	vld.idx.msk [tilespmem:v3+s30+$0x0], $0xffff  }
0x3c7: {  	v3 =	vld [tilespmem:s22+$0x0]  }
0x3c8: {  	v5 =	vld [tilespmem:s6+$0xFFFFFF00]  }
0x3c9: {  	v6 =	vld [tilespmem:s22+$0xFFFFFF00]  }
0x3ca: {  	v1 =	vld.idx.msk [tilespmem:v1+s30+$0x0], $0xffff  }
0x3cb: {  	v7 =	vld [tilespmem:s6+$0xFFFFFF80]  }
0x3cc: {  	v8 =	vld [tilespmem:s22+$0xFFFFFF80];
	v4 =	vmul.f32 v4, v14;
	v3 =	vmul.f32 v3, v15  }
0x3cd: {  	v12 =	vld.idx.msk [tilespmem:v2+s29+$0x0], $0xffff  }
0x3ce: {  	v5 =	vmul.f32 v5, v11;
	v6 =	vmul.f32 v6, v13;
	v2 =	vld.idx.msk [tilespmem:v2+s30+$0x0], $0xffff;
	v3 =	vadd.f32 v3, v4  }
0x3cf: {  	s21 =	simm.s32 $0x14F00;
	v9 =	vld [tilespmem:s22+$0x80]  }
0x3d0: {  	v4 =	vld [tilespmem:s6+$0x80];
	v5 =	vadd.f32 v6, v5;
	[tilespmem:s21+$0x0] =	vst v3  }
0x3d1: {  	v3 =	vld [tilespmem:s6+$0x10]  }
0x3d2: {  	[tilespmem:s21+$0xFFFFFF00] =	vst v5;
	v6 =	vmul.f32 v7, v12;
	v7 =	vld [tilespmem:s22+$0x10]  }
0x3d3: {  	v10 =	vld [tilespmem:s22+$0xFFFFFF10];
	v5 =	vmul.f32 v8, v2  }
0x3d4: {  	v8 =	vld [tilespmem:s6+$0xFFFFFF10]  }
0x3d5: {  	v4 =	vmul.f32 v4, v0;
	v5 =	vadd.f32 v5, v6;
	v6 =	vmul.f32 v9, v1;
	_ =	sdelay $0x1  }
0x3d6: {  	[tilespmem:s21+$0xFFFFFF80] =	vst v5;
	v4 =	vadd.f32 v6, v4;
	v3 =	vmul.f32 v3, v14;
	v6 =	vmul.f32 v7, v15  }
0x3d7: {  	v7 =	vld [tilespmem:s22+$0xFFFFFF90]  }
0x3d8: {  	v5 =	vld [tilespmem:s6+$0xFFFFFF90];
	[tilespmem:s21+$0x80] =	vst v4;
	v4 =	vmul.f32 v8, v11;
	v8 =	vmul.f32 v10, v13;
	v3 =	vadd.f32 v6, v3  }
0x3d9: {  	v6 =	vld [tilespmem:s6+$0x90]  }
0x3da: {  	v9 =	vld [tilespmem:s22+$0x90];
	v4 =	vadd.f32 v8, v4;
	[tilespmem:s21+$0x10] =	vst v3  }
0x3db: {  	v3 =	vld [tilespmem:s6+$0x20]  }
0x3dc: {  	[tilespmem:s21+$0xFFFFFF10] =	vst v4;
	v4 =	vmul.f32 v7, v2;
	v7 =	vld [tilespmem:s22+$0x20]  }
0x3dd: {  	v5 =	vmul.f32 v5, v12;
	v8 =	vld [tilespmem:s6+$0xFFFFFF20]  }
0x3de: {  	v10 =	vld [tilespmem:s22+$0xFFFFFF20]  }
0x3df: {  	v6 =	vmul.f32 v6, v0;
	v4 =	vadd.f32 v4, v5;
	v5 =	vmul.f32 v9, v1;
	_ =	sdelay $0x1  }
0x3e0: {  	[tilespmem:s21+$0xFFFFFF90] =	vst v4;
	v4 =	vadd.f32 v5, v6;
	v3 =	vmul.f32 v3, v14;
	v6 =	vmul.f32 v7, v15  }
0x3e1: {  	v7 =	vld [tilespmem:s22+$0xFFFFFFA0]  }
0x3e2: {  	v5 =	vld [tilespmem:s6+$0xFFFFFFA0];
	[tilespmem:s21+$0x90] =	vst v4;
	v4 =	vmul.f32 v8, v11;
	v8 =	vmul.f32 v10, v13;
	v3 =	vadd.f32 v6, v3  }
0x3e3: {  	v6 =	vld [tilespmem:s6+$0xA0]  }
0x3e4: {  	v9 =	vld [tilespmem:s22+$0xA0];
	v4 =	vadd.f32 v8, v4;
	[tilespmem:s21+$0x20] =	vst v3  }
0x3e5: {  	v3 =	vld [tilespmem:s6+$0x30]  }
0x3e6: {  	[tilespmem:s21+$0xFFFFFF20] =	vst v4;
	v4 =	vmul.f32 v7, v2;
	v7 =	vld [tilespmem:s22+$0x30]  }
0x3e7: {  	v5 =	vmul.f32 v5, v12;
	v8 =	vld [tilespmem:s6+$0xFFFFFF30]  }
0x3e8: {  	v10 =	vld [tilespmem:s22+$0xFFFFFF30]  }
0x3e9: {  	v6 =	vmul.f32 v6, v0;
	v4 =	vadd.f32 v4, v5;
	v5 =	vmul.f32 v9, v1  }
0x3ea: {  	s1 =	simm.s32 $0xD100  }
0x3eb: {  	v25 =	vld [tilespmem:s1+$0x0];
	[tilespmem:s21+$0xFFFFFFA0] =	vst v4;
	v4 =	vadd.f32 v5, v6;
	v3 =	vmul.f32 v3, v14;
	v6 =	vmul.f32 v7, v15  }
0x3ec: {  	v5 =	vld [tilespmem:s6+$0xFFFFFFB0]  }
0x3ed: {  	v7 =	vld [tilespmem:s22+$0xFFFFFFB0];
	[tilespmem:s21+$0xA0] =	vst v4;
	v4 =	vmul.f32 v8, v11;
	v8 =	vmul.f32 v10, v13;
	v3 =	vadd.f32 v6, v3  }
0x3ee: {  	s8 =	simm.s32 $0x187;
	v6 =	vld [tilespmem:s6+$0xB0]  }
0x3ef: {  	v10 =	vmov s8;
	v9 =	vld [tilespmem:s22+$0xB0];
	v4 =	vadd.f32 v8, v4;
	[tilespmem:s21+$0x30] =	vst v3  }
0x3f0: {  	v8 =	vld [tilespmem:s6+$0x40]  }
0x3f1: {  	v3 =	vmul.f32 v5, v12;
	[tilespmem:s21+$0xFFFFFF30] =	vst v4;
	v5 =	vld [tilespmem:s22+$0x40]  }
0x3f2: {  	v4 =	vmul.f32 v7, v2;
	v16 =	vld [tilespmem:s6+$0xFFFFFF40]  }
0x3f3: {  	v17 =	vld [tilespmem:s22+$0xFFFFFF40]  }
0x3f4: {  	s5 =	simm.s32 $0x184;
	v6 =	vmul.f32 v6, v0;
	v18 =	vadd.f32 v4, v3;
	v9 =	vmul.f32 v9, v1;
	v4 =	vld.idx.msk [tilespmem:v10+s29+$0x0], $0xffff  }
0x3f5: {  	v7 =	vmov s5;
	s5 =	simm.s32 $0x5100;
	v3 =	vld.idx.msk [tilespmem:v10+s30+$0x0], $0xffff  }
0x3f6: {  	v24 =	vld [tilespmem:s5+$0x0];
	[tilespmem:s21+$0xFFFFFFB0] =	vst v18;
	v6 =	vadd.f32 v9, v6;
	v8 =	vmul.f32 v8, v14;
	v5 =	vmul.f32 v5, v15  }
0x3f7: {  	s7 =	simm.s32 $0x185;
	v9 =	vld [tilespmem:s6+$0xFFFFFFC0];
	v10 =	vmul.f32 v16, v11  }
0x3f8: {  	v16 =	vld [tilespmem:s22+$0xFFFFFFC0];
	[tilespmem:s21+$0xB0] =	vst v6;
	v6 =	vmov s7;
	v17 =	vmul.f32 v17, v13;
	v8 =	vadd.f32 v5, v8  }
0x3f9: {  	v18 =	vld [tilespmem:s6+$0xC0];
	v6 =	vand.u32 $0xFFFFFFFD, v6  }
0x3fa: {  	v19 =	vld [tilespmem:s22+$0xC0];
	v20 =	vbroadcast v6, $0x0;
	v6 =	vadd.f32 v17, v10;
	[tilespmem:s21+$0x40] =	vst v8  }
0x3fb: {  	v7 =	vand.u32 $0xFFFFFFFC, v7;
	v8 =	vld [tilespmem:s6+$0x50]  }
0x3fc: {  	v7 =	vbroadcast v7, $0x0;
	[tilespmem:s21+$0xFFFFFF40] =	vst v6;
	v10 =	vld [tilespmem:s22+$0x50]  }
0x3fd: {  	v9 =	vmul.f32 v9, v12;
	v6 =	vmul.f32 v16, v2;
	v16 =	vld [tilespmem:s6+$0xFFFFFF50]  }
0x3fe: {  	v17 =	vmul.f32 v18, v0;
	v18 =	vld [tilespmem:s22+$0xFFFFFF50]  }
0x3ff: {  	v26 =	vld [tilespmem:s5+$0xFFFFFF00];
	v19 =	vmul.f32 v19, v1;
	v9 =	vadd.f32 v6, v9  }
0x400: {  	v27 =	vld [tilespmem:s5+$0xFFFFFF80]  }
0x401: {  	v39 =	vld [tilespmem:s5+$0x80];
	[tilespmem:s21+$0xFFFFFFC0] =	vst v9;
	v9 =	vadd.f32 v19, v17;
	v8 =	vmul.f32 v8, v14;
	v10 =	vmul.f32 v10, v15  }
0x402: {  	s8 =	simm.s32 $0x186;
	v5 =	vld.idx.msk [tilespmem:v7+s29+$0x0], $0xffff;
	v16 =	vmul.f32 v16, v11  }
0x403: {  	v6 =	vld.idx.msk [tilespmem:v20+s29+$0x0], $0xffff;
	[tilespmem:s21+$0xC0] =	vst v9;
	v9 =	vmov s8;
	v18 =	vmul.f32 v18, v13;
	v8 =	vadd.f32 v10, v8  }
0x404: {  	v17 =	vld [tilespmem:s6+$0xFFFFFFD0];
	v9 =	vand.u32 $0xFFFFFFFE, v9  }
0x405: {  	v19 =	vld [tilespmem:s22+$0xFFFFFFD0];
	v9 =	vbroadcast v9, $0x0;
	v16 =	vadd.f32 v18, v16;
	[tilespmem:s21+$0x50] =	vst v8  }
0x406: {  	v18 =	vld [tilespmem:s6+$0x60]  }
0x407: {  	[tilespmem:s21+$0xFFFFFF50] =	vst v16;
	v16 =	vld [tilespmem:s22+$0x60]  }
0x408: {  	v10 =	vld.idx.msk [tilespmem:v20+s30+$0x0], $0xffff  }
0x409: {  	v20 =	vld [tilespmem:s6+$0xFFFFFF60]  }
0x40a: {  	v23 =	vld [tilespmem:s22+$0xFFFFFF60]  }
0x40b: {  	v8 =	vld.idx.msk [tilespmem:v9+s29+$0x0], $0xffff  }
0x40c: {  	v9 =	vld.idx.msk [tilespmem:v9+s30+$0x0], $0xffff;
	v18 =	vmul.f32 v18, v14;
	v16 =	vmul.f32 v16, v15  }
0x40d: {  	v7 =	vld.idx.msk [tilespmem:v7+s30+$0x0], $0xffff  }
0x40e: {  	v16 =	vadd.f32 v16, v18;
	v18 =	vld [tilespmem:s1+$0xFFFFFF00]  }
0x40f: {  	v38 =	vld [tilespmem:s6+$0xD0];
	v20 =	vmul.f32 v20, v11;
	v23 =	vmul.f32 v23, v13  }
0x410: {  	v22 =	vld [tilespmem:s22+$0xD0];
	[tilespmem:s21+$0x60] =	vst v16;
	v16 =	vmul.f32 v17, v12;
	v17 =	vmul.f32 v19, v2  }
0x411: {  	v20 =	vadd.f32 v23, v20;
	v24 =	vmul.f32 v24, v8;
	v25 =	vmul.f32 v25, v9;
	v19 =	vld [tilespmem:s6+$0x70]  }
0x412: {  	v16 =	vadd.f32 v17, v16;
	v17 =	vld [tilespmem:s1+$0xFFFFFF80]  }
0x413: {  	v26 =	vmul.f32 v26, v5;
	v28 =	vld [tilespmem:s22+$0x70];
	[tilespmem:s21+$0xFFFFFF60] =	vst v20;
	v24 =	vadd.f32 v25, v24;
	v18 =	vmul.f32 v18, v7  }
0x414: {  	s31 =	simm.s32 $0x15100;
	[tilespmem:s21+$0xFFFFFFD0] =	vst v16;
	v16 =	vld [tilespmem:s1+$0x80]  }
0x415: {  	v55 =	vld [tilespmem:s6+$0xFFFFFF70];
	[tilespmem:s31+$0x0] =	vst v24;
	v18 =	vadd.f32 v18, v26  }
0x416: {  	v41 =	vld [tilespmem:s5+$0x10]  }
0x417: {  	v27 =	vmul.f32 v27, v6;
	[tilespmem:s31+$0xFFFFFF00] =	vst v18;
	v17 =	vmul.f32 v17, v10;
	v18 =	vld [tilespmem:s1+$0x10]  }
0x418: {  	v42 =	vld [tilespmem:s5+$0xFFFFFF10]  }
0x419: {  	v25 =	vmul.f32 v39, v4;
	v29 =	vld [tilespmem:s1+$0xFFFFFF10];
	v17 =	vadd.f32 v17, v27;
	v16 =	vmul.f32 v16, v3  }
0x41a: {  	v40 =	vld [tilespmem:s6+$0xFFFFFFE0]  }
0x41b: {  	v21 =	vmul.f32 v38, v0;
	v22 =	vmul.f32 v22, v1;
	v43 =	vld [tilespmem:s22+$0xFFFFFFE0];
	[tilespmem:s31+$0xFFFFFF80] =	vst v17;
	v16 =	vadd.f32 v16, v25  }
0x41c: {  	v26 =	vmul.f32 v41, v8;
	v44 =	vld [tilespmem:s5+$0xFFFFFF90];
	v18 =	vmul.f32 v18, v9  }
0x41d: {  	v21 =	vadd.f32 v22, v21;
	v45 =	vld [tilespmem:s1+$0xFFFFFF90];
	[tilespmem:s31+$0x80] =	vst v16  }
0x41e: {  	v16 =	vmul.f32 v42, v5;
	v46 =	vmul.f32 v29, v7;
	v18 =	vadd.f32 v18, v26;
	v47 =	vld [tilespmem:s5+$0x90]  }
0x41f: {  	[tilespmem:s21+$0xD0] =	vst v21;
	v48 =	vld [tilespmem:s1+$0x90]  }
0x420: {  	v24 =	vmul.f32 v40, v12;
	v21 =	vmul.f32 v43, v2;
	v17 =	vld [tilespmem:s6+$0xE0];
	v16 =	vadd.f32 v46, v16;
	[tilespmem:s31+$0x10] =	vst v18  }
0x421: {  	v49 =	vld [tilespmem:s5+$0x20]  }
0x422: {  	v21 =	vadd.f32 v21, v24;
	v50 =	vmul.f32 v44, v6;
	[tilespmem:s31+$0xFFFFFF10] =	vst v16;
	v16 =	vmul.f32 v45, v10;
	v51 =	vld [tilespmem:s1+$0x20]  }
0x423: {  	v52 =	vld [tilespmem:s5+$0xFFFFFF20]  }
0x424: {  	[tilespmem:s21+$0xFFFFFFE0] =	vst v21;
	v53 =	vld [tilespmem:s1+$0xFFFFFF20];
	v20 =	vmul.f32 v47, v4;
	v16 =	vadd.f32 v16, v50;
	v54 =	vmul.f32 v48, v3  }
0x425: {  	v60 =	vld [tilespmem:s6+$0xFFFFFFF0]  }
0x426: {  	v18 =	vld [tilespmem:s22+$0xE0];
	[tilespmem:s31+$0xFFFFFF90] =	vst v16;
	v16 =	vadd.f32 v54, v20  }
0x427: {  	v56 =	vld [tilespmem:s5+$0xFFFFFFA0];
	v22 =	vmul.f32 v49, v8;
	v25 =	vmul.f32 v51, v9  }
0x428: {  	[tilespmem:s31+$0x90] =	vst v16;
	v16 =	vld [tilespmem:s1+$0xFFFFFFA0]  }
0x429: {  	v57 =	vmul.f32 v52, v5;
	v26 =	vmul.f32 v53, v7;
	v22 =	vadd.f32 v25, v22;
	v58 =	vld [tilespmem:s5+$0xA0]  }
0x42a: {  	v59 =	vld [tilespmem:s1+$0xA0]  }
0x42b: {  	v20 =	vld [tilespmem:s22+$0xFFFFFF70];
	v24 =	vadd.f32 v26, v57;
	[tilespmem:s31+$0x20] =	vst v22  }
0x42c: {  	v17 =	vmul.f32 v17, v0;
	v18 =	vmul.f32 v18, v1;
	v61 =	vld [tilespmem:s5+$0x30]  }
0x42d: {  	v23 =	vmul.f32 v56, v6;
	[tilespmem:s31+$0xFFFFFF20] =	vst v24;
	v62 =	vld [tilespmem:s1+$0x30];
	v16 =	vmul.f32 v16, v10  }
0x42e: {  	v14 =	vmul.f32 v19, v14;
	v15 =	vmul.f32 v28, v15;
	v17 =	vadd.f32 v18, v17;
	v18 =	vld [tilespmem:s5+$0xFFFFFF30]  }
0x42f: {  	v63 =	vld [tilespmem:s1+$0xFFFFFF30];
	v19 =	vmul.f32 v58, v4;
	v21 =	vmul.f32 v59, v3;
	v16 =	vadd.f32 v16, v23  }
0x430: {  	v14 =	vadd.f32 v15, v14;
	v15 =	vmul.f32 v55, v11;
	[tilespmem:s21+$0xE0] =	vst v17;
	v17 =	vmul.f32 v20, v13;
	v13 =	vld [tilespmem:s22+$0xFFFFFFF0]  }
0x431: {  	v11 =	vld [tilespmem:s6+$0xF0];
	[tilespmem:s31+$0xFFFFFFA0] =	vst v16;
	v16 =	vadd.f32 v21, v19  }
0x432: {  	[tilespmem:s21+$0x70] =	vst v14;
	v17 =	vadd.f32 v17, v15;
	v19 =	vmul.f32 v61, v8;
	v20 =	vmul.f32 v62, v9;
	v14 =	vld [tilespmem:s5+$0xFFFFFFB0]  }
0x433: {  	v12 =	vmul.f32 v60, v12;
	v15 =	vld [tilespmem:s1+$0xFFFFFFB0];
	[tilespmem:s31+$0xA0] =	vst v16  }
0x434: {  	s7 =	simm.s32 $0x4;
	s6 =	simm.s32 $0x5100;
	[tilespmem:s21+$0xFFFFFF70] =	vst v17;
	v17 =	vmul.f32 v18, v5;
	v18 =	vmul.f32 v63, v7;
	v19 =	vadd.f32 v20, v19;
	v16 =	vld [tilespmem:s5+$0xB0]  }
.LBB2_8:
0x435: {  	s8 =	sadd.s32 $0x187, s7;
	v20 =	vld [tilespmem:s1+$0xB0];
	v13 =	vmul.f32 v13, v2;
	v2 =	vmov v10  }
0x436: {  	v10 =	vmov s8;
	v17 =	vadd.f32 v18, v17;
	[tilespmem:s31+$0x30] =	vst v19;
	v18 =	vld [tilespmem:s22+$0xF0];
	v11 =	vmul.f32 v11, v0;
	v0 =	vmovc v4;
	s22 =	smov.u32 s1  }
0x437: {  	v4 =	vmul.f32 v14, v6;
	v14 =	vld [tilespmem:s5+$0x40];
	v12 =	vadd.f32 v13, v12  }
0x438: {  	s8 =	sadd.s32 $0x184, s7;
	[tilespmem:s31+$0xFFFFFF30] =	vst v17;
	v13 =	vmul.f32 v15, v2;
	v15 =	vld [tilespmem:s1+$0x40]  }
0x439: {  	v17 =	vmov s8;
	v19 =	vld [tilespmem:s5+$0xFFFFFF40];
	v16 =	vmul.f32 v16, v0;
	[tilespmem:s21+$0xFFFFFFF0] =	vst v12  }
0x43a: {  	v12 =	vand.u32 $0xFFFFFFFC, v17;
	v17 =	vld [tilespmem:s1+$0xFFFFFF40];
	v13 =	vadd.f32 v13, v4;
	v20 =	vmul.f32 v20, v3  }
0x43b: {  	v21 =	vbroadcast v12, $0x0;
	v4 =	vld.idx.msk [tilespmem:v10+s29+$0x0], $0xffff;
	v12 =	vmul.f32 v18, v1;
	v1 =	vmov v3  }
0x43c: {  	v3 =	vld.idx.msk [tilespmem:v10+s30+$0x0], $0xffff;
	[tilespmem:s31+$0xFFFFFFB0] =	vst v13;
	v10 =	vadd.f32 v20, v16  }
0x43d: {  	v14 =	vmul.f32 v14, v8;
	v13 =	vld [tilespmem:s5+$0xFFFFFFC0];
	v15 =	vmul.f32 v15, v9;
	v11 =	vadd.f32 v12, v11  }
0x43e: {  	s8 =	sadd.s32 $0x185, s7;
	v16 =	vmul.f32 v19, v5;
	v18 =	vld [tilespmem:s1+$0xFFFFFFC0];
	[tilespmem:s31+$0xB0] =	vst v10  }
0x43f: {  	v10 =	vmov s8;
	v17 =	vmul.f32 v17, v7;
	v14 =	vadd.f32 v15, v14;
	v15 =	vld [tilespmem:s5+$0xC0];
	[tilespmem:s21+$0xF0] =	vst v11;
	s21 =	smov.u32 s31  }
0x440: {  	v10 =	vand.u32 $0xFFFFFFFD, v10;
	v11 =	vld [tilespmem:s1+$0xC0]  }
0x441: {  	v10 =	vbroadcast v10, $0x0;
	v12 =	vld.idx.msk [tilespmem:v21+s29+$0x0], $0xffff;
	v16 =	vadd.f32 v17, v16;
	[tilespmem:s31+$0x40] =	vst v14  }
0x442: {  	v13 =	vmul.f32 v13, v6;
	v14 =	vld [tilespmem:s5+$0x50]  }
0x443: {  	[tilespmem:s31+$0xFFFFFF40] =	vst v16;
	v16 =	vmul.f32 v18, v2;
	v17 =	vld [tilespmem:s1+$0x50]  }
0x444: {  	v18 =	vld [tilespmem:s5+$0xFFFFFF50];
	v15 =	vmul.f32 v15, v0  }
0x445: {  	v19 =	vld [tilespmem:s1+$0xFFFFFF50];
	v16 =	vadd.f32 v16, v13;
	v20 =	vmul.f32 v11, v1  }
0x446: {  	v13 =	vld.idx.msk [tilespmem:v21+s30+$0x0], $0xffff  }
0x447: {  	v11 =	vld.idx.msk [tilespmem:v10+s29+$0x0], $0xffff;
	[tilespmem:s31+$0xFFFFFFC0] =	vst v16;
	v15 =	vadd.f32 v20, v15  }
0x448: {  	v14 =	vmul.f32 v14, v8;
	v16 =	vld [tilespmem:s5+$0xFFFFFFD0];
	v17 =	vmul.f32 v17, v9  }
0x449: {  	s8 =	sadd.s32 $0x186, s7;
	v18 =	vmul.f32 v18, v5;
	v20 =	vld [tilespmem:s1+$0xFFFFFFD0];
	[tilespmem:s31+$0xC0] =	vst v15  }
0x44a: {  	v15 =	vmov s8;
	v19 =	vmul.f32 v19, v7;
	v14 =	vadd.f32 v17, v14;
	v17 =	vld [tilespmem:s5+$0xD0]  }
0x44b: {  	v15 =	vand.u32 $0xFFFFFFFE, v15;
	v21 =	vld [tilespmem:s1+$0xD0]  }
0x44c: {  	v15 =	vbroadcast v15, $0x0;
	v10 =	vld.idx.msk [tilespmem:v10+s30+$0x0], $0xffff;
	v18 =	vadd.f32 v19, v18;
	[tilespmem:s31+$0x50] =	vst v14  }
0x44d: {  	v14 =	vmul.f32 v16, v6;
	v16 =	vld [tilespmem:s5+$0x60]  }
0x44e: {  	[tilespmem:s31+$0xFFFFFF50] =	vst v18;
	v18 =	vmul.f32 v20, v2;
	v19 =	vld [tilespmem:s1+$0x60]  }
0x44f: {  	v20 =	vld [tilespmem:s5+$0xFFFFFF60];
	v17 =	vmul.f32 v17, v0  }
0x450: {  	s5 =	sadd.s32 $0x200, s5;
	v22 =	vld [tilespmem:s1+$0xFFFFFF60];
	v14 =	vadd.f32 v18, v14;
	v18 =	vmul.f32 v21, v1  }
0x451: {  	s7 =	sadd.s32 $0x4, s7;
	v21 =	vld [tilespmem:s5+$0x0]  }
0x452: {  	p0 =	slt.u32 s7, $0x7C;
	v23 =	vld.idx.msk [tilespmem:v15+s29+$0x0], $0xffff;
	[tilespmem:s31+$0xFFFFFFD0] =	vst v14;
	v14 =	vadd.f32 v18, v17  }
0x453: {  	s1 =	sadd.s32 $0x200, s1;
	v16 =	vmul.f32 v16, v8;
	v15 =	vld.idx.msk [tilespmem:v15+s30+$0x0], $0xffff;
	v17 =	vmul.f32 v19, v9  }
0x454: {  	v18 =	vld [tilespmem:s1+$0x0];
	v19 =	vmul.f32 v20, v5;
	[tilespmem:s31+$0xD0] =	vst v14  }
0x455: {  	v14 =	vld [tilespmem:s5+$0xFFFFFF00];
	v20 =	vmul.f32 v22, v7;
	v16 =	vadd.f32 v17, v16  }
0x456: {  	v17 =	vld [tilespmem:s1+$0xFFFFFF00]  }
0x457: {  	v22 =	vld [tilespmem:s5+$0xFFFFFF80];
	v19 =	vadd.f32 v20, v19;
	[tilespmem:s31+$0x60] =	vst v16  }
0x458: {  	v16 =	vld [tilespmem:s6+$0x70]  }
0x459: {  	v20 =	vmul.f32 v21, v23;
	v18 =	vmul.f32 v18, v15;
	[tilespmem:s31+$0xFFFFFF60] =	vst v19;
	v19 =	vld [tilespmem:s22+$0x70]  }
0x45a: {  	v14 =	vmul.f32 v14, v12;
	v21 =	vld [tilespmem:s1+$0xFFFFFF80]  }
0x45b: {  	v17 =	vmul.f32 v17, v13;
	v18 =	vadd.f32 v18, v20;
	v20 =	vld [tilespmem:s5+$0x80]  }
0x45c: {  	s31 =	sadd.s32 $0x200, s31;
	v22 =	vmul.f32 v22, v11;
	v24 =	vld [tilespmem:s1+$0x80]  }
0x45d: {  	v14 =	vadd.f32 v17, v14;
	[tilespmem:s31+$0x0] =	vst v18;
	v17 =	vld [tilespmem:s6+$0xFFFFFFE0]  }
0x45e: {  	v16 =	vmul.f32 v16, v8;
	v8 =	vmovc v23;
	v18 =	vld [tilespmem:s5+$0x10];
	v19 =	vmul.f32 v19, v9;
	v9 =	vmov v15  }
0x45f: {  	[tilespmem:s31+$0xFFFFFF00] =	vst v14;
	v14 =	vmul.f32 v21, v10;
	v15 =	vld [tilespmem:s1+$0x10]  }
0x460: {  	v21 =	vld [tilespmem:s5+$0xFFFFFF10];
	v20 =	vmul.f32 v20, v4;
	v16 =	vadd.f32 v19, v16  }
0x461: {  	v19 =	vld [tilespmem:s1+$0xFFFFFF10];
	v14 =	vadd.f32 v14, v22;
	v22 =	vmul.f32 v24, v3  }
0x462: {  	v23 =	vld [tilespmem:s22+$0xFFFFFFE0];
	v17 =	vmul.f32 v17, v6;
	[tilespmem:s21+$0x70] =	vst v16  }
0x463: {  	[tilespmem:s31+$0xFFFFFF80] =	vst v14;
	v14 =	vadd.f32 v22, v20;
	v16 =	vld [tilespmem:s6+$0xE0]  }
0x464: {  	v18 =	vmul.f32 v18, v8;
	v20 =	vld [tilespmem:s5+$0xFFFFFF90];
	v15 =	vmul.f32 v15, v9  }
0x465: {  	v21 =	vmul.f32 v21, v12;
	v22 =	vld [tilespmem:s1+$0xFFFFFF90];
	[tilespmem:s31+$0x80] =	vst v14  }
0x466: {  	v14 =	vmul.f32 v19, v13;
	v15 =	vadd.f32 v15, v18;
	v18 =	vld [tilespmem:s5+$0x90]  }
0x467: {  	v19 =	vld [tilespmem:s1+$0x90];
	v23 =	vmul.f32 v23, v2  }
0x468: {  	v14 =	vadd.f32 v14, v21;
	[tilespmem:s31+$0x10] =	vst v15;
	v15 =	vld [tilespmem:s22+$0xE0];
	v16 =	vmul.f32 v16, v0  }
0x469: {  	v20 =	vmul.f32 v20, v11;
	v21 =	vld [tilespmem:s5+$0x20];
	v17 =	vadd.f32 v23, v17  }
0x46a: {  	[tilespmem:s31+$0xFFFFFF10] =	vst v14;
	v14 =	vmul.f32 v22, v10;
	v22 =	vld [tilespmem:s1+$0x20]  }
0x46b: {  	v23 =	vld [tilespmem:s5+$0xFFFFFF20];
	v18 =	vmul.f32 v18, v4;
	[tilespmem:s21+$0xFFFFFFE0] =	vst v17  }
0x46c: {  	v17 =	vld [tilespmem:s1+$0xFFFFFF20];
	v14 =	vadd.f32 v14, v20;
	v19 =	vmul.f32 v19, v3  }
0x46d: {  	v20 =	vld [tilespmem:s6+$0xFFFFFF70];
	v15 =	vmul.f32 v15, v1  }
0x46e: {  	[tilespmem:s31+$0xFFFFFF90] =	vst v14;
	v14 =	vadd.f32 v19, v18;
	v18 =	vld [tilespmem:s22+$0xFFFFFF70]  }
0x46f: {  	v21 =	vmul.f32 v21, v8;
	v19 =	vld [tilespmem:s5+$0xFFFFFFA0];
	v22 =	vmul.f32 v22, v9;
	v15 =	vadd.f32 v15, v16  }
0x470: {  	v16 =	vmul.f32 v23, v12;
	v23 =	vld [tilespmem:s1+$0xFFFFFFA0];
	[tilespmem:s31+$0x90] =	vst v14  }
0x471: {  	v14 =	vmul.f32 v17, v13;
	v17 =	vadd.f32 v22, v21;
	v21 =	vld [tilespmem:s5+$0xA0];
	[tilespmem:s21+$0xE0] =	vst v15  }
0x472: {  	v15 =	vld [tilespmem:s1+$0xA0];
	v20 =	vmul.f32 v20, v5;
	v5 =	vmov v12  }
0x473: {  	v12 =	vadd.f32 v14, v16;
	[tilespmem:s31+$0x20] =	vst v17;
	v14 =	vmul.f32 v18, v7;
	v16 =	vld [tilespmem:s6+$0xFFFFFFF0];
	v7 =	vmov v13  }
0x474: {  	v13 =	vmul.f32 v19, v11;
	v17 =	vld [tilespmem:s5+$0x30]  }
0x475: {  	[tilespmem:s31+$0xFFFFFF20] =	vst v12;
	v12 =	vmul.f32 v23, v10;
	v18 =	vld [tilespmem:s1+$0x30];
	v14 =	vadd.f32 v14, v20  }
0x476: {  	v19 =	vld [tilespmem:s5+$0xFFFFFF30];
	v20 =	vmul.f32 v21, v4  }
0x477: {  	v21 =	vld [tilespmem:s1+$0xFFFFFF30];
	v22 =	vadd.f32 v12, v13;
	v15 =	vmul.f32 v15, v3;
	[tilespmem:s21+$0xFFFFFF70] =	vst v14  }
.Ltmp3:
0x478: {  	v13 =	vld [tilespmem:s22+$0xFFFFFFF0];
	v12 =	vmul.f32 v16, v6;
	v6 =	vmov v11;
	(pc) =	sbr.rel @p0 .LBB2_8-.Ltmp3, $4  }
0x479: {  	[tilespmem:s31+$0xFFFFFFA0] =	vst v22;
	v16 =	vadd.f32 v15, v20;
	v11 =	vld [tilespmem:s6+$0xF0];
	s6 =	smov.u32 s5  }
0x47a: {  	v20 =	vmul.f32 v17, v8;
	v14 =	vld [tilespmem:s5+$0xFFFFFFB0];
	v22 =	vmul.f32 v18, v9  }
0x47b: {  	v17 =	vmul.f32 v19, v5;
	v15 =	vld [tilespmem:s1+$0xFFFFFFB0];
	[tilespmem:s31+$0xA0] =	vst v16  }
0x47c: {  	v18 =	vmul.f32 v21, v7;
	v19 =	vadd.f32 v22, v20;
	v16 =	vld [tilespmem:s5+$0xB0]  }
0x47d: {  	v20 =	vld [tilespmem:s1+$0xB0];
	_ =	sdelay $0x2  }
0x47e: {  	v17 =	vadd.f32 v18, v17;
	[tilespmem:s31+$0x30] =	vst v19;
	v14 =	vmul.f32 v14, v6;
	v15 =	vmul.f32 v15, v10  }
0x47f: {  	v44 =	vld [tilespmem:s5+$0x40]  }
0x480: {  	v45 =	vld [tilespmem:s1+$0x40];
	[tilespmem:s31+$0xFFFFFF30] =	vst v17;
	v16 =	vmul.f32 v16, v4;
	v14 =	vadd.f32 v15, v14;
	v46 =	vmul.f32 v20, v3  }
0x481: {  	v47 =	vld [tilespmem:s5+$0xFFFFFF40]  }
0x482: {  	v48 =	vld [tilespmem:s1+$0xFFFFFF40];
	[tilespmem:s31+$0xFFFFFFB0] =	vst v14;
	v49 =	vadd.f32 v46, v16  }
0x483: {  	v50 =	vld [tilespmem:s5+$0xFFFFFFC0]  }
0x484: {  	v51 =	vld [tilespmem:s1+$0xFFFFFFC0];
	[tilespmem:s31+$0xB0] =	vst v49  }
0x485: {  	v52 =	vmul.f32 v44, v8;
	v17 =	vmul.f32 v45, v9;
	v53 =	vld [tilespmem:s5+$0xC0]  }
0x486: {  	v21 =	vld [tilespmem:s1+$0xC0]  }
0x487: {  	v19 =	vmul.f32 v47, v5;
	v20 =	vmul.f32 v48, v7;
	v14 =	vadd.f32 v17, v52;
	_ =	sdelay $0x1  }
0x488: {  	v54 =	vadd.f32 v20, v19;
	[tilespmem:s31+$0x40] =	vst v14;
	v55 =	vmul.f32 v50, v6;
	v56 =	vmul.f32 v51, v10  }
0x489: {  	v57 =	vld [tilespmem:s5+$0x50]  }
0x48a: {  	v58 =	vld [tilespmem:s1+$0x50];
	[tilespmem:s31+$0xFFFFFF40] =	vst v54;
	v18 =	vmul.f32 v53, v4;
	v14 =	vadd.f32 v56, v55;
	v59 =	vmul.f32 v21, v3  }
0x48b: {  	v60 =	vld [tilespmem:s5+$0xFFFFFF50]  }
0x48c: {  	v61 =	vld [tilespmem:s1+$0xFFFFFF50];
	[tilespmem:s31+$0xFFFFFFC0] =	vst v14;
	v62 =	vadd.f32 v59, v18  }
0x48d: {  	v63 =	vld [tilespmem:s5+$0xFFFFFFD0]  }
0x48e: {  	v24 =	vld [tilespmem:s1+$0xFFFFFFD0];
	[tilespmem:s31+$0xC0] =	vst v62  }
0x48f: {  	v25 =	vmul.f32 v57, v8;
	v26 =	vmul.f32 v58, v9;
	v27 =	vld [tilespmem:s5+$0xD0]  }
0x490: {  	v28 =	vld [tilespmem:s1+$0xD0]  }
0x491: {  	v19 =	vmul.f32 v60, v5;
	v20 =	vmul.f32 v61, v7;
	v14 =	vadd.f32 v26, v25;
	_ =	sdelay $0x1  }
0x492: {  	v29 =	vadd.f32 v20, v19;
	[tilespmem:s31+$0x50] =	vst v14;
	v30 =	vmul.f32 v63, v6;
	v31 =	vmul.f32 v24, v10  }
0x493: {  	v32 =	vld [tilespmem:s5+$0x60]  }
0x494: {  	v33 =	vld [tilespmem:s1+$0x60];
	[tilespmem:s31+$0xFFFFFF50] =	vst v29;
	v17 =	vmul.f32 v27, v4;
	v14 =	vadd.f32 v31, v30;
	v34 =	vmul.f32 v28, v3  }
0x495: {  	v35 =	vld [tilespmem:s5+$0xFFFFFF60]  }
0x496: {  	v36 =	vld [tilespmem:s1+$0xFFFFFF60];
	[tilespmem:s31+$0xFFFFFFD0] =	vst v14;
	v37 =	vadd.f32 v34, v17  }
0x497: {  	v38 =	vld [tilespmem:s6+$0xFFFFFFE0]  }
0x498: {  	v39 =	vld [tilespmem:s1+$0xFFFFFFE0];
	[tilespmem:s31+$0xD0] =	vst v37  }
0x499: {  	v40 =	vmul.f32 v32, v8;
	v16 =	vmul.f32 v33, v9;
	v41 =	vld [tilespmem:s6+$0xE0]  }
0x49a: {  	v42 =	vld [tilespmem:s1+$0xE0]  }
0x49b: {  	v19 =	vmul.f32 v35, v5;
	v20 =	vmul.f32 v36, v7;
	v16 =	vadd.f32 v16, v40;
	_ =	sdelay $0x1  }
0x49c: {  	v43 =	vld [tilespmem:s22+$0xF0];
	v19 =	vadd.f32 v20, v19;
	[tilespmem:s31+$0x60] =	vst v16;
	v15 =	vmul.f32 v38, v6;
	v14 =	vmul.f32 v39, v10  }
0x49d: {  	v16 =	vld [tilespmem:s6+$0x70]  }
0x49e: {  	v44 =	vld [tilespmem:s1+$0x70];
	[tilespmem:s31+$0xFFFFFF60] =	vst v19;
	v18 =	vmul.f32 v41, v4;
	v14 =	vadd.f32 v14, v15;
	v45 =	vmul.f32 v42, v3  }
0x49f: {  	v46 =	vld [tilespmem:s6+$0xFFFFFF70]  }
0x4a0: {  	v47 =	vld [tilespmem:s1+$0xFFFFFF70];
	[tilespmem:s31+$0xFFFFFFE0] =	vst v14;
	v15 =	vadd.f32 v45, v18  }
0x4a1: {  	v48 =	vld [tilespmem:s6+$0xFFFFFFF0]  }
0x4a2: {  	v49 =	vld [tilespmem:s1+$0xFFFFFFF0];
	[tilespmem:s31+$0xE0] =	vst v15  }
0x4a3: {  	v50 =	vld [tilespmem:s6+$0xF0]  }
0x4a4: {  	v2 =	vmul.f32 v13, v2;
	v51 =	vld [tilespmem:s1+$0xF0]  }
0x4a5: {  	v0 =	vmul.f32 v11, v0;
	v1 =	vmul.f32 v43, v1  }
0x4a6: {  	v2 =	vadd.f32 v2, v12;
	v52 =	vmul.f32 v16, v8;
	v53 =	vmul.f32 v44, v9  }
0x4a7: {  	v0 =	vadd.f32 v1, v0;
	v54 =	vmul.f32 v46, v5;
	v55 =	vmul.f32 v47, v7  }
0x4a8: {  	[tilespmem:s21+$0xFFFFFFF0] =	vst v2;
	v56 =	vadd.f32 v53, v52;
	v57 =	vmul.f32 v48, v6;
	v58 =	vmul.f32 v49, v10  }
0x4a9: {  	[tilespmem:s21+$0xF0] =	vst v0;
	v59 =	vadd.f32 v55, v54;
	v60 =	vmul.f32 v50, v4;
	v61 =	vmul.f32 v51, v3  }
0x4aa: {  	[tilespmem:s31+$0x70] =	vst v56;
	v62 =	vadd.f32 v58, v57  }
0x4ab: {  	[tilespmem:s31+$0xFFFFFF70] =	vst v59;
	v63 =	vadd.f32 v61, v60  }
0x4ac: {  	[tilespmem:s31+$0xFFFFFFF0] =	vst v62  }
0x4ad: {  	s20 =	sadd.s32 $0x1, s20;
	[tilespmem:s31+$0xF0] =	vst v63;
	s31 =	simm.s32 $0x14E00  }
0x4ae: {  	[hbm4b:s17+s4] =	stream.linear.scatter [tilespmem:s31], [sflag:$0x6], $0x4000, $0x38;
	[tilespmem:$0x18E00] =	vst v63  }
0x4af: {  	p0 =	sne.s32 s20, s18;
	_ =	swait.ge [sflag:s2], $0x4000  }
.Ltmp4:
0x4b0: {  	[sflag:s2] =	ssyncset.done $0x0;
	(pc) =	sbr.rel @p0 .LBB2_1-.Ltmp4, $4  }
0x4b1: {  	[sflag:s2] =	ssyncadd.s32 $0xFFFFC000  }
0x4b2: {  	_ =	swait.ge [sflag:s19], $0x4000  }
0x4b3: {  	[sflag:s19] =	ssyncset.done $0x0  }
0x4b4: {  	[sflag:s19] =	ssyncadd.s32 $0xFFFFC000  }
0x4b5: {  	_ =	sfence.sel $0x180000  }
0x4b6: {  	[bflag:$0x0] =	sbarrier.arrive $0xFFFF  }
0x4b7: {  	_ =	strace $0x90000047  }
0x4b8: {  	s0 =	stileid.u32;
	[bflag:$0x2] =	sbarrier.arrive $0xFFFF  }
0x4b9: {  	p0 =	sne.s32 s0, $0x0;
	s0 =	rddreg [dreg:$0x6]  }
0x4ba: {  	s0 =	sadd.s32 @!p0 $0x100000, s0  }
0x4bb: {  	[sflag:s0] =	ssyncadd.tile.s32 @!p0 $0x1;
	_ =	shalt  }
.Lfunc_end2:
_tile_overlayer_lowered:
.L_overlay_start_2:
0x4bc: {  	(tag) =	ssettag $0x2  }
0x4bd: {  	s0 =	rddreg [dreg:$0x0];
	s2 =	stileid.u32  }
0x4be: {  	s1 =	rddreg [dreg:$0x1];
	p0 =	sne.s32 s2, $0x0  }
0x4bf: {  	s3 =	rddreg [dreg:$0x2];
	[bflag:$0x3] =	sbarrier.arrive $0xFFFF;
	s2 =	simm.s32 @!p0 $0x1C07  }
0x4c0: {  	[timem:s3], [sflag:s2] =	dma.local @!p0 [hbm:s0], s1  }
0x4c1: {  	s0 =	simm.s32 @!p0 $0x7  }
0x4c2: {  	_ =	swait.ge @!p0 [sflag:s0], s1  }
0x4c3: {  	s1 =	ssub.s32 @!p0 $0x0, s1;
	[sflag:s0] =	ssyncset.done @!p0 $0x0  }
0x4c4: {  	[sflag:s0] =	ssyncadd.s32 @!p0 s1  }
0x4c5: {  	[bflag:$0x3] =	sbarrier.arrive $0xFFFF  }
0x4c6: {  	_ =	shalt  }

</sc_bundles>
